<compile_context>
chip_gen: v7x
topology: tpu7x:2x2x1
jax: 0.10.2.dev20260603
libtpu: 0.0.44.dev20260713+nightly
codegen_flags: <defaults>
</compile_context>

<pallas_src>
import functools

import jax
import jax.numpy as jnp
from jax import lax
from jax.experimental import pallas as pl
from jax.experimental.pallas import tpu as pltpu
from jax.experimental.pallas import tpu_sc as plsc

_VOCAB = 50257
_D = 1024
_SEQ = 4096
_NLAYERS = 24
_NSKIP = 4

_NC = 2
_NS = 16
_NW = _NC * _NS
_ROWS_PER_W = _SEQ // _NW
_CH = 32
_NCH = _ROWS_PER_W // _CH
_NBUF = 3
_NG = _D // 16


def _accum(buf, acc_v):
    zero = jnp.zeros((16,), jnp.float32)

    def body(j, carry):
        off = 16 * j
        a = [zero, zero, zero, zero]
        for r in range(_CH):
            a[r % 4] = a[r % 4] + buf[r, pl.ds(off, 16)]
        plsc.addupdate(acc_v.at[0, pl.ds(off, 16)], (a[0] + a[1]) + (a[2] + a[3]))
        return carry

    lax.fori_loop(0, _NG, body, 0, unroll=1)


def _sc_gather_body(ids_hbm, table_hbm, hid_hbm, part_hbm,
                    idx_v, rows_a, rows_b, rows_c, acc_v,
                    sem_ga, sem_gb, sem_gc, sem_sa, sem_sb, sem_sc):
    c = lax.axis_index("c")
    s = lax.axis_index("s")
    wid = s * _NC + c
    base = wid * _ROWS_PER_W
    pltpu.sync_copy(ids_hbm.at[0, pl.ds(base, _ROWS_PER_W)], idx_v)

    bufs = (rows_a, rows_b, rows_c)
    gsems = (sem_ga, sem_gb, sem_gc)
    ssems = (sem_sa, sem_sb, sem_sc)
    gath = [
        pltpu.async_copy(table_hbm.at[idx_v.at[pl.ds(ci * _CH, _CH)]],
                         bufs[ci], gsems[ci])
        for ci in range(_NBUF)
    ]
    zf = jnp.zeros((16,), jnp.float32)
    for j in range(_NG):
        acc_v[0, pl.ds(16 * j, 16)] = zf

    scat = [None, None, None]
    for ci in range(_NCH):
        b = ci % _NBUF
        gath[b].wait()
        scat[b] = pltpu.async_copy(
            bufs[b], hid_hbm.at[pl.ds(base + ci * _CH, _CH)], ssems[b])
        _accum(bufs[b], acc_v)
        nxt = ci + _NBUF
        if nxt < _NCH:
            scat[b].wait()
            gath[b] = pltpu.async_copy(
                table_hbm.at[idx_v.at[pl.ds(nxt * _CH, _CH)]], bufs[b], gsems[b])
    scat[1].wait()
    scat[2].wait()
    scat[0].wait()
    pltpu.sync_copy(acc_v, part_hbm.at[pl.ds(wid, 1)])


@functools.cache
def _sc_gather():
    return pl.kernel(
        _sc_gather_body,
        mesh=plsc.VectorSubcoreMesh(core_axis_name="c", subcore_axis_name="s"),
        out_type=[
            jax.ShapeDtypeStruct((_SEQ, _D), jnp.float32),
            jax.ShapeDtypeStruct((_NW, _D), jnp.float32),
        ],
        scratch_types=[
            pltpu.VMEM((_ROWS_PER_W,), jnp.int32),
            pltpu.VMEM((_CH, _D), jnp.float32),
            pltpu.VMEM((_CH, _D), jnp.float32),
            pltpu.VMEM((_CH, _D), jnp.float32),
            pltpu.VMEM((1, _D), jnp.float32),
            pltpu.SemaphoreType.DMA,
            pltpu.SemaphoreType.DMA,
            pltpu.SemaphoreType.DMA,
            pltpu.SemaphoreType.DMA,
            pltpu.SemaphoreType.DMA,
            pltpu.SemaphoreType.DMA,
        ],
    )


def _score_body(part_ref, w_ref, out_ref):
    pooled = jnp.sum(part_ref[...], axis=0, keepdims=True) * (1.0 / _SEQ)
    scores = jnp.sum(pooled.reshape(_D, 1) * w_ref[...], axis=0,
                     keepdims=True)
    a = jnp.abs(scores)
    idxs = lax.broadcasted_iota(jnp.int32, (1, _NLAYERS), 1)
    for k in range(_NSKIP):
        m = jnp.min(a)
        i = jnp.min(jnp.where(a <= m, idxs, jnp.int32(2**30)))
        out_ref[k] = i
        a = jnp.where(idxs == i, jnp.float32(jnp.inf), a)


def _score_topk(parts, w):
    return pl.pallas_call(
        _score_body,
        out_shape=jax.ShapeDtypeStruct((_NSKIP,), jnp.int32),
        out_specs=pl.BlockSpec(memory_space=pltpu.SMEM),
    )(parts, w)


def kernel(input_ids, table, W_score):
    ids = input_ids
    if ids.dtype != jnp.int32:
        ids = ids.astype(jnp.int32)
    hid, parts = _sc_gather()(ids, table)
    skip = _score_topk(parts, W_score)
    return hid.reshape(1, _SEQ, _D), skip

# --- scband reference (transcript-rebuilt; emitter-appended) ---
"""Pipeline reference for scband-enriched-embedding-231928234627 (READ-ONLY COPY).

The authoritative reference and input builder live on the scoring server;
editing this copy changes nothing except your own understanding.
"""

import jax, jax.numpy as jnp
import numpy as np

VOCAB = 50257
D_MODEL = 1024
SEQ = 4096
N_LAYERS = 24
N_SKIP = 4


def setup_inputs(seed: int = 0) -> dict:
    key = jax.random.key(seed)
    k1, k2, k3 = jax.random.split(key, 3)
    input_ids = jax.random.randint(k1, (1, SEQ), 0, VOCAB, dtype=jnp.int64 if jax.config.jax_enable_x64 else jnp.int32)
    table = jax.random.normal(k2, (VOCAB, D_MODEL), dtype=jnp.float32) * 0.02
    W_score = jax.random.normal(k3, (D_MODEL, N_LAYERS), dtype=jnp.float32) * 0.02
    return {"input_ids": input_ids, "table": table, "W_score": W_score}


def reference(input_ids, table, W_score):
    # EnrichedEmbedding.forward: embedding lookup producing hidden_states [1, S, D]
    hidden_states = jnp.take(table, input_ids, axis=0)
    # AssistantEvents.compute_skip_layers: assistant model scores each layer,
    # then torch.topk(scores.abs(), 4, largest=False) -> indices of the 4
    # smallest-magnitude layer scores. The assistant (GPT2ForLayerPruning) is
    # modeled as a pooled linear scorer over the hidden states.
    pooled = jnp.mean(hidden_states, axis=1)          # [1, D]
    scores = (pooled @ W_score)[0]                    # [N_LAYERS]
    # smallest-k by magnitude == top_k of negated abs
    _, skip_layers = jax.lax.top_k(-jnp.abs(scores), N_SKIP)
    return hidden_states, skip_layers

if __name__ == "__main__":
    import jax
    _d = setup_inputs()
    print(jax.jit(kernel)(*tuple(_d.values())))

</pallas_src>

<mosaic_0001>
#map = affine_map<(d0, d1) -> (0, 0)>
module attributes {stable_mosaic.version = 14 : i64} {
  func.func @_sc_gather_body(%arg0: i32, %arg1: i32, %arg2: memref<1x4096xi32, #tpu.memory_space<hbm>>, %arg3: memref<50257x1024xf32, #tpu.memory_space<hbm>>, %arg4: memref<4096x1024xf32, #tpu.memory_space<hbm>>, %arg5: memref<32x1024xf32, #tpu.memory_space<hbm>>, %arg6: memref<128xi32, #tpu.memory_space<vmem>>, %arg7: memref<32x1024xf32, #tpu.memory_space<vmem>>, %arg8: memref<32x1024xf32, #tpu.memory_space<vmem>>, %arg9: memref<32x1024xf32, #tpu.memory_space<vmem>>, %arg10: memref<1x1024xf32, #tpu.memory_space<vmem>>, %arg11: memref<!tpu.dma_semaphore, #tpu.memory_space<semaphore_mem>>, %arg12: memref<!tpu.dma_semaphore, #tpu.memory_space<semaphore_mem>>, %arg13: memref<!tpu.dma_semaphore, #tpu.memory_space<semaphore_mem>>, %arg14: memref<!tpu.dma_semaphore, #tpu.memory_space<semaphore_mem>>, %arg15: memref<!tpu.dma_semaphore, #tpu.memory_space<semaphore_mem>>, %arg16: memref<!tpu.dma_semaphore, #tpu.memory_space<semaphore_mem>>) attributes {dimension_semantics = [#tpu.dimension_semantics<core_parallel>, #tpu.dimension_semantics<subcore_parallel>], iteration_bounds = array<i64: 2, 16>, scalar_prefetch = 0 : i64, scratch_operands = 11 : i64, tpu.core_type = #tpu.core_type<sc_vector_subcore>, window_params = [{transform_indices = #map}, {transform_indices = #map}, {transform_indices = #map}, {transform_indices = #map}]} {
    %mul3A = arith.constant 2 : i32
    %mul3A_0 = arith.muli %arg1, %mul3A : i32
    %add3A = arith.addi %mul3A_0, %arg0 : i32
    %mul3A_1 = arith.constant 128 : i32
    %mul3A_2 = arith.muli %add3A, %mul3A_1 : i32
    %run_scoped3A = arith.constant 0 : i32
    "tpu.region"() ({
      %run_scoped3A_496 = tpu.sem_alloc : memref<!tpu.dma_semaphore, #tpu.memory_space<semaphore_mem>>
      %dma_start3A_497 = tpu.memref_slice %arg2[%run_scoped3A, %mul3A_2] : memref<1x4096xi32, #tpu.memory_space<hbm>> -> memref<1x128xi32, #tpu.memory_space<hbm>>
      %dma_start3A_498 = tpu.memref_squeeze %dma_start3A_497 : memref<1x128xi32, #tpu.memory_space<hbm>> -> memref<128xi32, #tpu.memory_space<hbm>>
      %dma_start3A_499 = tpu.memref_slice %arg2[%run_scoped3A, %mul3A_2] : memref<1x4096xi32, #tpu.memory_space<hbm>> -> memref<1x128xi32, #tpu.memory_space<hbm>>
      %dma_start3A_500 = tpu.memref_squeeze %dma_start3A_499 : memref<1x128xi32, #tpu.memory_space<hbm>> -> memref<128xi32, #tpu.memory_space<hbm>>
      tpu.enqueue_dma source(%dma_start3A_500 : memref<128xi32, #tpu.memory_space<hbm>>) target(%arg6 : memref<128xi32, #tpu.memory_space<vmem>>) target_semaphore(%run_scoped3A_496 : memref<!tpu.dma_semaphore, #tpu.memory_space<semaphore_mem>>)
      %dma_wait3A_501 = tpu.memref_slice %arg2[%run_scoped3A, %mul3A_2] : memref<1x4096xi32, #tpu.memory_space<hbm>> -> memref<1x128xi32, #tpu.memory_space<hbm>>
      %dma_wait3A_502 = tpu.memref_squeeze %dma_wait3A_501 : memref<1x128xi32, #tpu.memory_space<hbm>> -> memref<128xi32, #tpu.memory_space<hbm>>
      %dma_wait3A_503 = tpu.memref_slice %arg2[%run_scoped3A, %mul3A_2] : memref<1x4096xi32, #tpu.memory_space<hbm>> -> memref<1x128xi32, #tpu.memory_space<hbm>>
      %dma_wait3A_504 = tpu.memref_squeeze %dma_wait3A_503 : memref<1x128xi32, #tpu.memory_space<hbm>> -> memref<128xi32, #tpu.memory_space<hbm>>
      tpu.wait_dma2 semaphore(%run_scoped3A_496 : memref<!tpu.dma_semaphore, #tpu.memory_space<semaphore_mem>>) src(%dma_wait3A_504 : memref<128xi32, #tpu.memory_space<hbm>>) dst(%arg6 : memref<128xi32, #tpu.memory_space<vmem>>)
      tpu.yield
    }) : () -> ()
    %dma_start3A = arith.constant 0 : i32
    %dma_start3A_3 = tpu.memref_slice %arg6[%dma_start3A] : memref<128xi32, #tpu.memory_space<vmem>> -> memref<32xi32, #tpu.memory_space<vmem>>
    %dma_start3A_4 = arith.constant 0 : i32
    %dma_start3A_5 = arith.constant 0 : i32
    %dma_start3A_6 = tpu.memref_slice %arg3[%dma_start3A_4, %dma_start3A_5] : memref<50257x1024xf32, #tpu.memory_space<hbm>> -> memref<50257x1024xf32, #tpu.memory_space<hbm>>
    tpu.enqueue_indirect_dma source(%dma_start3A_6 : memref<50257x1024xf32, #tpu.memory_space<hbm>>) target(%arg7 : memref<32x1024xf32, #tpu.memory_space<vmem>>) offsets(%dma_start3A_3 : memref<32xi32, #tpu.memory_space<vmem>>) semaphore(%arg11 : memref<!tpu.dma_semaphore, #tpu.memory_space<semaphore_mem>>)
    %dma_start3A_7 = arith.constant 32 : i32
    %dma_start3A_8 = tpu.memref_slice %arg6[%dma_start3A_7] : memref<128xi32, #tpu.memory_space<vmem>> -> memref<32xi32, #tpu.memory_space<vmem>>
    %dma_start3A_9 = arith.constant 0 : i32
    %dma_start3A_10 = arith.constant 0 : i32
    %dma_start3A_11 = tpu.memref_slice %arg3[%dma_start3A_9, %dma_start3A_10] : memref<50257x1024xf32, #tpu.memory_space<hbm>> -> memref<50257x1024xf32, #tpu.memory_space<hbm>>
    tpu.enqueue_indirect_dma source(%dma_start3A_11 : memref<50257x1024xf32, #tpu.memory_space<hbm>>) target(%arg8 : memref<32x1024xf32, #tpu.memory_space<vmem>>) offsets(%dma_start3A_8 : memref<32xi32, #tpu.memory_space<vmem>>) semaphore(%arg12 : memref<!tpu.dma_semaphore, #tpu.memory_space<semaphore_mem>>)
    %dma_start3A_12 = arith.constant 64 : i32
    %dma_start3A_13 = tpu.memref_slice %arg6[%dma_start3A_12] : memref<128xi32, #tpu.memory_space<vmem>> -> memref<32xi32, #tpu.memory_space<vmem>>
    %dma_start3A_14 = arith.constant 0 : i32
    %dma_start3A_15 = arith.constant 0 : i32
    %dma_start3A_16 = tpu.memref_slice %arg3[%dma_start3A_14, %dma_start3A_15] : memref<50257x1024xf32, #tpu.memory_space<hbm>> -> memref<50257x1024xf32, #tpu.memory_space<hbm>>
    tpu.enqueue_indirect_dma source(%dma_start3A_16 : memref<50257x1024xf32, #tpu.memory_space<hbm>>) target(%arg9 : memref<32x1024xf32, #tpu.memory_space<vmem>>) offsets(%dma_start3A_13 : memref<32xi32, #tpu.memory_space<vmem>>) semaphore(%arg13 : memref<!tpu.dma_semaphore, #tpu.memory_space<semaphore_mem>>)
    %broadcast_in_dim3A = arith.constant 0.000000e+00 : f32
    %broadcast_in_dim3A_17 = vector.broadcast %broadcast_in_dim3A : f32 to vector<16xf32>
    %swap3A = arith.constant 0 : i32
    %swap3A_18 = arith.index_cast %swap3A : i32 to index
    %swap3A_19 = arith.constant 0 : index
    %swap3A_20 = tpu.vector_load %arg10[%swap3A_18, %swap3A_19] {strides = array<i32>} : memref<1x1024xf32, #tpu.memory_space<vmem>>, vector<1x16xf32>,
    %swap3A_21 = vector.shape_cast %swap3A_20 : vector<1x16xf32> to vector<16xf32>
    %swap3A_22 = vector.shape_cast %broadcast_in_dim3A_17 : vector<16xf32> to vector<1x16xf32>
    tpu.vector_store %arg10[%swap3A_18, %swap3A_19], %swap3A_22 {strides = array<i32>} : memref<1x1024xf32, #tpu.memory_space<vmem>>, vector<1x16xf32>,
    %swap3A_23 = arith.constant 0 : i32
    %swap3A_24 = arith.index_cast %swap3A_23 : i32 to index
    %swap3A_25 = arith.constant 16 : index
    %swap3A_26 = tpu.vector_load %arg10[%swap3A_24, %swap3A_25] {strides = array<i32>} : memref<1x1024xf32, #tpu.memory_space<vmem>>, vector<1x16xf32>,
    %swap3A_27 = vector.shape_cast %swap3A_26 : vector<1x16xf32> to vector<16xf32>
    %swap3A_28 = vector.shape_cast %broadcast_in_dim3A_17 : vector<16xf32> to vector<1x16xf32>
    tpu.vector_store %arg10[%swap3A_24, %swap3A_25], %swap3A_28 {strides = array<i32>} : memref<1x1024xf32, #tpu.memory_space<vmem>>, vector<1x16xf32>,
    %swap3A_29 = arith.constant 0 : i32
    %swap3A_30 = arith.index_cast %swap3A_29 : i32 to index
    %swap3A_31 = arith.constant 32 : index
    %swap3A_32 = tpu.vector_load %arg10[%swap3A_30, %swap3A_31] {strides = array<i32>} : memref<1x1024xf32, #tpu.memory_space<vmem>>, vector<1x16xf32>,
    %swap3A_33 = vector.shape_cast %swap3A_32 : vector<1x16xf32> to vector<16xf32>
    %swap3A_34 = vector.shape_cast %broadcast_in_dim3A_17 : vector<16xf32> to vector<1x16xf32>
    tpu.vector_store %arg10[%swap3A_30, %swap3A_31], %swap3A_34 {strides = array<i32>} : memref<1x1024xf32, #tpu.memory_space<vmem>>, vector<1x16xf32>,
    %swap3A_35 = arith.constant 0 : i32
    %swap3A_36 = arith.index_cast %swap3A_35 : i32 to index
    %swap3A_37 = arith.constant 48 : index
    %swap3A_38 = tpu.vector_load %arg10[%swap3A_36, %swap3A_37] {strides = array<i32>} : memref<1x1024xf32, #tpu.memory_space<vmem>>, vector<1x16xf32>,
    %swap3A_39 = vector.shape_cast %swap3A_38 : vector<1x16xf32> to vector<16xf32>
    %swap3A_40 = vector.shape_cast %broadcast_in_dim3A_17 : vector<16xf32> to vector<1x16xf32>
    tpu.vector_store %arg10[%swap3A_36, %swap3A_37], %swap3A_40 {strides = array<i32>} : memref<1x1024xf32, #tpu.memory_space<vmem>>, vector<1x16xf32>,
    %swap3A_41 = arith.constant 0 : i32
    %swap3A_42 = arith.index_cast %swap3A_41 : i32 to index
    %swap3A_43 = arith.constant 64 : index
    %swap3A_44 = tpu.vector_load %arg10[%swap3A_42, %swap3A_43] {strides = array<i32>} : memref<1x1024xf32, #tpu.memory_space<vmem>>, vector<1x16xf32>,
    %swap3A_45 = vector.shape_cast %swap3A_44 : vector<1x16xf32> to vector<16xf32>
    %swap3A_46 = vector.shape_cast %broadcast_in_dim3A_17 : vector<16xf32> to vector<1x16xf32>
    tpu.vector_store %arg10[%swap3A_42, %swap3A_43], %swap3A_46 {strides = array<i32>} : memref<1x1024xf32, #tpu.memory_space<vmem>>, vector<1x16xf32>,
    %swap3A_47 = arith.constant 0 : i32
    %swap3A_48 = arith.index_cast %swap3A_47 : i32 to index
    %swap3A_49 = arith.constant 80 : index
    %swap3A_50 = tpu.vector_load %arg10[%swap3A_48, %swap3A_49] {strides = array<i32>} : memref<1x1024xf32, #tpu.memory_space<vmem>>, vector<1x16xf32>,
    %swap3A_51 = vector.shape_cast %swap3A_50 : vector<1x16xf32> to vector<16xf32>
    %swap3A_52 = vector.shape_cast %broadcast_in_dim3A_17 : vector<16xf32> to vector<1x16xf32>
    tpu.vector_store %arg10[%swap3A_48, %swap3A_49], %swap3A_52 {strides = array<i32>} : memref<1x1024xf32, #tpu.memory_space<vmem>>, vector<1x16xf32>,
    %swap3A_53 = arith.constant 0 : i32
    %swap3A_54 = arith.index_cast %swap3A_53 : i32 to index
    %swap3A_55 = arith.constant 96 : index
    %swap3A_56 = tpu.vector_load %arg10[%swap3A_54, %swap3A_55] {strides = array<i32>} : memref<1x1024xf32, #tpu.memory_space<vmem>>, vector<1x16xf32>,
    %swap3A_57 = vector.shape_cast %swap3A_56 : vector<1x16xf32> to vector<16xf32>
    %swap3A_58 = vector.shape_cast %broadcast_in_dim3A_17 : vector<16xf32> to vector<1x16xf32>
    tpu.vector_store %arg10[%swap3A_54, %swap3A_55], %swap3A_58 {strides = array<i32>} : memref<1x1024xf32, #tpu.memory_space<vmem>>, vector<1x16xf32>,
    %swap3A_59 = arith.constant 0 : i32
    %swap3A_60 = arith.index_cast %swap3A_59 : i32 to index
    %swap3A_61 = arith.constant 112 : index
    %swap3A_62 = tpu.vector_load %arg10[%swap3A_60, %swap3A_61] {strides = array<i32>} : memref<1x1024xf32, #tpu.memory_space<vmem>>, vector<1x16xf32>,
    %swap3A_63 = vector.shape_cast %swap3A_62 : vector<1x16xf32> to vector<16xf32>
    %swap3A_64 = vector.shape_cast %broadcast_in_dim3A_17 : vector<16xf32> to vector<1x16xf32>
    tpu.vector_store %arg10[%swap3A_60, %swap3A_61], %swap3A_64 {strides = array<i32>} : memref<1x1024xf32, #tpu.memory_space<vmem>>, vector<1x16xf32>,
    %swap3A_65 = arith.constant 0 : i32
    %swap3A_66 = arith.index_cast %swap3A_65 : i32 to index
    %swap3A_67 = arith.constant 128 : index
    %swap3A_68 = tpu.vector_load %arg10[%swap3A_66, %swap3A_67] {strides = array<i32>} : memref<1x1024xf32, #tpu.memory_space<vmem>>, vector<1x16xf32>,
    %swap3A_69 = vector.shape_cast %swap3A_68 : vector<1x16xf32> to vector<16xf32>
    %swap3A_70 = vector.shape_cast %broadcast_in_dim3A_17 : vector<16xf32> to vector<1x16xf32>
    tpu.vector_store %arg10[%swap3A_66, %swap3A_67], %swap3A_70 {strides = array<i32>} : memref<1x1024xf32, #tpu.memory_space<vmem>>, vector<1x16xf32>,
    %swap3A_71 = arith.constant 0 : i32
    %swap3A_72 = arith.index_cast %swap3A_71 : i32 to index
    %swap3A_73 = arith.constant 144 : index
    %swap3A_74 = tpu.vector_load %arg10[%swap3A_72, %swap3A_73] {strides = array<i32>} : memref<1x1024xf32, #tpu.memory_space<vmem>>, vector<1x16xf32>,
    %swap3A_75 = vector.shape_cast %swap3A_74 : vector<1x16xf32> to vector<16xf32>
    %swap3A_76 = vector.shape_cast %broadcast_in_dim3A_17 : vector<16xf32> to vector<1x16xf32>
    tpu.vector_store %arg10[%swap3A_72, %swap3A_73], %swap3A_76 {strides = array<i32>} : memref<1x1024xf32, #tpu.memory_space<vmem>>, vector<1x16xf32>,
    %swap3A_77 = arith.constant 0 : i32
    %swap3A_78 = arith.index_cast %swap3A_77 : i32 to index
    %swap3A_79 = arith.constant 160 : index
    %swap3A_80 = tpu.vector_load %arg10[%swap3A_78, %swap3A_79] {strides = array<i32>} : memref<1x1024xf32, #tpu.memory_space<vmem>>, vector<1x16xf32>,
    %swap3A_81 = vector.shape_cast %swap3A_80 : vector<1x16xf32> to vector<16xf32>
    %swap3A_82 = vector.shape_cast %broadcast_in_dim3A_17 : vector<16xf32> to vector<1x16xf32>
    tpu.vector_store %arg10[%swap3A_78, %swap3A_79], %swap3A_82 {strides = array<i32>} : memref<1x1024xf32, #tpu.memory_space<vmem>>, vector<1x16xf32>,
    %swap3A_83 = arith.constant 0 : i32
    %swap3A_84 = arith.index_cast %swap3A_83 : i32 to index
    %swap3A_85 = arith.constant 176 : index
    %swap3A_86 = tpu.vector_load %arg10[%swap3A_84, %swap3A_85] {strides = array<i32>} : memref<1x1024xf32, #tpu.memory_space<vmem>>, vector<1x16xf32>,
    %swap3A_87 = vector.shape_cast %swap3A_86 : vector<1x16xf32> to vector<16xf32>
    %swap3A_88 = vector.shape_cast %broadcast_in_dim3A_17 : vector<16xf32> to vector<1x16xf32>
    tpu.vector_store %arg10[%swap3A_84, %swap3A_85], %swap3A_88 {strides = array<i32>} : memref<1x1024xf32, #tpu.memory_space<vmem>>, vector<1x16xf32>,
    %swap3A_89 = arith.constant 0 : i32
    %swap3A_90 = arith.index_cast %swap3A_89 : i32 to index
    %swap3A_91 = arith.constant 192 : index
    %swap3A_92 = tpu.vector_load %arg10[%swap3A_90, %swap3A_91] {strides = array<i32>} : memref<1x1024xf32, #tpu.memory_space<vmem>>, vector<1x16xf32>,
    %swap3A_93 = vector.shape_cast %swap3A_92 : vector<1x16xf32> to vector<16xf32>
    %swap3A_94 = vector.shape_cast %broadcast_in_dim3A_17 : vector<16xf32> to vector<1x16xf32>
    tpu.vector_store %arg10[%swap3A_90, %swap3A_91], %swap3A_94 {strides = array<i32>} : memref<1x1024xf32, #tpu.memory_space<vmem>>, vector<1x16xf32>,
    %swap3A_95 = arith.constant 0 : i32
    %swap3A_96 = arith.index_cast %swap3A_95 : i32 to index
    %swap3A_97 = arith.constant 208 : index
    %swap3A_98 = tpu.vector_load %arg10[%swap3A_96, %swap3A_97] {strides = array<i32>} : memref<1x1024xf32, #tpu.memory_space<vmem>>, vector<1x16xf32>,
    %swap3A_99 = vector.shape_cast %swap3A_98 : vector<1x16xf32> to vector<16xf32>
    %swap3A_100 = vector.shape_cast %broadcast_in_dim3A_17 : vector<16xf32> to vector<1x16xf32>
    tpu.vector_store %arg10[%swap3A_96, %swap3A_97], %swap3A_100 {strides = array<i32>} : memref<1x1024xf32, #tpu.memory_space<vmem>>, vector<1x16xf32>,
    %swap3A_101 = arith.constant 0 : i32
    %swap3A_102 = arith.index_cast %swap3A_101 : i32 to index
    %swap3A_103 = arith.constant 224 : index
    %swap3A_104 = tpu.vector_load %arg10[%swap3A_102, %swap3A_103] {strides = array<i32>} : memref<1x1024xf32, #tpu.memory_space<vmem>>, vector<1x16xf32>,
    %swap3A_105 = vector.shape_cast %swap3A_104 : vector<1x16xf32> to vector<16xf32>
    %swap3A_106 = vector.shape_cast %broadcast_in_dim3A_17 : vector<16xf32> to vector<1x16xf32>
    tpu.vector_store %arg10[%swap3A_102, %swap3A_103], %swap3A_106 {strides = array<i32>} : memref<1x1024xf32, #tpu.memory_space<vmem>>, vector<1x16xf32>,
    %swap3A_107 = arith.constant 0 : i32
    %swap3A_108 = arith.index_cast %swap3A_107 : i32 to index
    %swap3A_109 = arith.constant 240 : index
    %swap3A_110 = tpu.vector_load %arg10[%swap3A_108, %swap3A_109] {strides = array<i32>} : memref<1x1024xf32, #tpu.memory_space<vmem>>, vector<1x16xf32>,
    %swap3A_111 = vector.shape_cast %swap3A_110 : vector<1x16xf32> to vector<16xf32>
    %swap3A_112 = vector.shape_cast %broadcast_in_dim3A_17 : vector<16xf32> to vector<1x16xf32>
    tpu.vector_store %arg10[%swap3A_108, %swap3A_109], %swap3A_112 {strides = array<i32>} : memref<1x1024xf32, #tpu.memory_space<vmem>>, vector<1x16xf32>,
    %swap3A_113 = arith.constant 0 : i32
    %swap3A_114 = arith.index_cast %swap3A_113 : i32 to index
    %swap3A_115 = arith.constant 256 : index
    %swap3A_116 = tpu.vector_load %arg10[%swap3A_114, %swap3A_115] {strides = array<i32>} : memref<1x1024xf32, #tpu.memory_space<vmem>>, vector<1x16xf32>,
    %swap3A_117 = vector.shape_cast %swap3A_116 : vector<1x16xf32> to vector<16xf32>
    %swap3A_118 = vector.shape_cast %broadcast_in_dim3A_17 : vector<16xf32> to vector<1x16xf32>
    tpu.vector_store %arg10[%swap3A_114, %swap3A_115], %swap3A_118 {strides = array<i32>} : memref<1x1024xf32, #tpu.memory_space<vmem>>, vector<1x16xf32>,
    %swap3A_119 = arith.constant 0 : i32
    %swap3A_120 = arith.index_cast %swap3A_119 : i32 to index
    %swap3A_121 = arith.constant 272 : index
    %swap3A_122 = tpu.vector_load %arg10[%swap3A_120, %swap3A_121] {strides = array<i32>} : memref<1x1024xf32, #tpu.memory_space<vmem>>, vector<1x16xf32>,
    %swap3A_123 = vector.shape_cast %swap3A_122 : vector<1x16xf32> to vector<16xf32>
    %swap3A_124 = vector.shape_cast %broadcast_in_dim3A_17 : vector<16xf32> to vector<1x16xf32>
    tpu.vector_store %arg10[%swap3A_120, %swap3A_121], %swap3A_124 {strides = array<i32>} : memref<1x1024xf32, #tpu.memory_space<vmem>>, vector<1x16xf32>,
    %swap3A_125 = arith.constant 0 : i32
    %swap3A_126 = arith.index_cast %swap3A_125 : i32 to index
    %swap3A_127 = arith.constant 288 : index
    %swap3A_128 = tpu.vector_load %arg10[%swap3A_126, %swap3A_127] {strides = array<i32>} : memref<1x1024xf32, #tpu.memory_space<vmem>>, vector<1x16xf32>,
    %swap3A_129 = vector.shape_cast %swap3A_128 : vector<1x16xf32> to vector<16xf32>
    %swap3A_130 = vector.shape_cast %broadcast_in_dim3A_17 : vector<16xf32> to vector<1x16xf32>
    tpu.vector_store %arg10[%swap3A_126, %swap3A_127], %swap3A_130 {strides = array<i32>} : memref<1x1024xf32, #tpu.memory_space<vmem>>, vector<1x16xf32>,
    %swap3A_131 = arith.constant 0 : i32
    %swap3A_132 = arith.index_cast %swap3A_131 : i32 to index
    %swap3A_133 = arith.constant 304 : index
    %swap3A_134 = tpu.vector_load %arg10[%swap3A_132, %swap3A_133] {strides = array<i32>} : memref<1x1024xf32, #tpu.memory_space<vmem>>, vector<1x16xf32>,
    %swap3A_135 = vector.shape_cast %swap3A_134 : vector<1x16xf32> to vector<16xf32>
    %swap3A_136 = vector.shape_cast %broadcast_in_dim3A_17 : vector<16xf32> to vector<1x16xf32>
    tpu.vector_store %arg10[%swap3A_132, %swap3A_133], %swap3A_136 {strides = array<i32>} : memref<1x1024xf32, #tpu.memory_space<vmem>>, vector<1x16xf32>,
    %swap3A_137 = arith.constant 0 : i32
    %swap3A_138 = arith.index_cast %swap3A_137 : i32 to index
    %swap3A_139 = arith.constant 320 : index
    %swap3A_140 = tpu.vector_load %arg10[%swap3A_138, %swap3A_139] {strides = array<i32>} : memref<1x1024xf32, #tpu.memory_space<vmem>>, vector<1x16xf32>,
    %swap3A_141 = vector.shape_cast %swap3A_140 : vector<1x16xf32> to vector<16xf32>
    %swap3A_142 = vector.shape_cast %broadcast_in_dim3A_17 : vector<16xf32> to vector<1x16xf32>
    tpu.vector_store %arg10[%swap3A_138, %swap3A_139], %swap3A_142 {strides = array<i32>} : memref<1x1024xf32, #tpu.memory_space<vmem>>, vector<1x16xf32>,
    %swap3A_143 = arith.constant 0 : i32
    %swap3A_144 = arith.index_cast %swap3A_143 : i32 to index
    %swap3A_145 = arith.constant 336 : index
    %swap3A_146 = tpu.vector_load %arg10[%swap3A_144, %swap3A_145] {strides = array<i32>} : memref<1x1024xf32, #tpu.memory_space<vmem>>, vector<1x16xf32>,
    %swap3A_147 = vector.shape_cast %swap3A_146 : vector<1x16xf32> to vector<16xf32>
    %swap3A_148 = vector.shape_cast %broadcast_in_dim3A_17 : vector<16xf32> to vector<1x16xf32>
    tpu.vector_store %arg10[%swap3A_144, %swap3A_145], %swap3A_148 {strides = array<i32>} : memref<1x1024xf32, #tpu.memory_space<vmem>>, vector<1x16xf32>,
    %swap3A_149 = arith.constant 0 : i32
    %swap3A_150 = arith.index_cast %swap3A_149 : i32 to index
    %swap3A_151 = arith.constant 352 : index
    %swap3A_152 = tpu.vector_load %arg10[%swap3A_150, %swap3A_151] {strides = array<i32>} : memref<1x1024xf32, #tpu.memory_space<vmem>>, vector<1x16xf32>,
    %swap3A_153 = vector.shape_cast %swap3A_152 : vector<1x16xf32> to vector<16xf32>
    %swap3A_154 = vector.shape_cast %broadcast_in_dim3A_17 : vector<16xf32> to vector<1x16xf32>
    tpu.vector_store %arg10[%swap3A_150, %swap3A_151], %swap3A_154 {strides = array<i32>} : memref<1x1024xf32, #tpu.memory_space<vmem>>, vector<1x16xf32>,
    %swap3A_155 = arith.constant 0 : i32
    %swap3A_156 = arith.index_cast %swap3A_155 : i32 to index
    %swap3A_157 = arith.constant 368 : index
    %swap3A_158 = tpu.vector_load %arg10[%swap3A_156, %swap3A_157] {strides = array<i32>} : memref<1x1024xf32, #tpu.memory_space<vmem>>, vector<1x16xf32>,
    %swap3A_159 = vector.shape_cast %swap3A_158 : vector<1x16xf32> to vector<16xf32>
    %swap3A_160 = vector.shape_cast %broadcast_in_dim3A_17 : vector<16xf32> to vector<1x16xf32>
    tpu.vector_store %arg10[%swap3A_156, %swap3A_157], %swap3A_160 {strides = array<i32>} : memref<1x1024xf32, #tpu.memory_space<vmem>>, vector<1x16xf32>,
    %swap3A_161 = arith.constant 0 : i32
    %swap3A_162 = arith.index_cast %swap3A_161 : i32 to index
    %swap3A_163 = arith.constant 384 : index
    %swap3A_164 = tpu.vector_load %arg10[%swap3A_162, %swap3A_163] {strides = array<i32>} : memref<1x1024xf32, #tpu.memory_space<vmem>>, vector<1x16xf32>,
    %swap3A_165 = vector.shape_cast %swap3A_164 : vector<1x16xf32> to vector<16xf32>
    %swap3A_166 = vector.shape_cast %broadcast_in_dim3A_17 : vector<16xf32> to vector<1x16xf32>
    tpu.vector_store %arg10[%swap3A_162, %swap3A_163], %swap3A_166 {strides = array<i32>} : memref<1x1024xf32, #tpu.memory_space<vmem>>, vector<1x16xf32>,
    %swap3A_167 = arith.constant 0 : i32
    %swap3A_168 = arith.index_cast %swap3A_167 : i32 to index
    %swap3A_169 = arith.constant 400 : index
    %swap3A_170 = tpu.vector_load %arg10[%swap3A_168, %swap3A_169] {strides = array<i32>} : memref<1x1024xf32, #tpu.memory_space<vmem>>, vector<1x16xf32>,
    %swap3A_171 = vector.shape_cast %swap3A_170 : vector<1x16xf32> to vector<16xf32>
    %swap3A_172 = vector.shape_cast %broadcast_in_dim3A_17 : vector<16xf32> to vector<1x16xf32>
    tpu.vector_store %arg10[%swap3A_168, %swap3A_169], %swap3A_172 {strides = array<i32>} : memref<1x1024xf32, #tpu.memory_space<vmem>>, vector<1x16xf32>,
    %swap3A_173 = arith.constant 0 : i32
    %swap3A_174 = arith.index_cast %swap3A_173 : i32 to index
    %swap3A_175 = arith.constant 416 : index
    %swap3A_176 = tpu.vector_load %arg10[%swap3A_174, %swap3A_175] {strides = array<i32>} : memref<1x1024xf32, #tpu.memory_space<vmem>>, vector<1x16xf32>,
    %swap3A_177 = vector.shape_cast %swap3A_176 : vector<1x16xf32> to vector<16xf32>
    %swap3A_178 = vector.shape_cast %broadcast_in_dim3A_17 : vector<16xf32> to vector<1x16xf32>
    tpu.vector_store %arg10[%swap3A_174, %swap3A_175], %swap3A_178 {strides = array<i32>} : memref<1x1024xf32, #tpu.memory_space<vmem>>, vector<1x16xf32>,
    %swap3A_179 = arith.constant 0 : i32
    %swap3A_180 = arith.index_cast %swap3A_179 : i32 to index
    %swap3A_181 = arith.constant 432 : index
    %swap3A_182 = tpu.vector_load %arg10[%swap3A_180, %swap3A_181] {strides = array<i32>} : memref<1x1024xf32, #tpu.memory_space<vmem>>, vector<1x16xf32>,
    %swap3A_183 = vector.shape_cast %swap3A_182 : vector<1x16xf32> to vector<16xf32>
    %swap3A_184 = vector.shape_cast %broadcast_in_dim3A_17 : vector<16xf32> to vector<1x16xf32>
    tpu.vector_store %arg10[%swap3A_180, %swap3A_181], %swap3A_184 {strides = array<i32>} : memref<1x1024xf32, #tpu.memory_space<vmem>>, vector<1x16xf32>,
    %swap3A_185 = arith.constant 0 : i32
    %swap3A_186 = arith.index_cast %swap3A_185 : i32 to index
    %swap3A_187 = arith.constant 448 : index
    %swap3A_188 = tpu.vector_load %arg10[%swap3A_186, %swap3A_187] {strides = array<i32>} : memref<1x1024xf32, #tpu.memory_space<vmem>>, vector<1x16xf32>,
    %swap3A_189 = vector.shape_cast %swap3A_188 : vector<1x16xf32> to vector<16xf32>
    %swap3A_190 = vector.shape_cast %broadcast_in_dim3A_17 : vector<16xf32> to vector<1x16xf32>
    tpu.vector_store %arg10[%swap3A_186, %swap3A_187], %swap3A_190 {strides = array<i32>} : memref<1x1024xf32, #tpu.memory_space<vmem>>, vector<1x16xf32>,
    %swap3A_191 = arith.constant 0 : i32
    %swap3A_192 = arith.index_cast %swap3A_191 : i32 to index
    %swap3A_193 = arith.constant 464 : index
    %swap3A_194 = tpu.vector_load %arg10[%swap3A_192, %swap3A_193] {strides = array<i32>} : memref<1x1024xf32, #tpu.memory_space<vmem>>, vector<1x16xf32>,
    %swap3A_195 = vector.shape_cast %swap3A_194 : vector<1x16xf32> to vector<16xf32>
    %swap3A_196 = vector.shape_cast %broadcast_in_dim3A_17 : vector<16xf32> to vector<1x16xf32>
    tpu.vector_store %arg10[%swap3A_192, %swap3A_193], %swap3A_196 {strides = array<i32>} : memref<1x1024xf32, #tpu.memory_space<vmem>>, vector<1x16xf32>,
    %swap3A_197 = arith.constant 0 : i32
    %swap3A_198 = arith.index_cast %swap3A_197 : i32 to index
    %swap3A_199 = arith.constant 480 : index
    %swap3A_200 = tpu.vector_load %arg10[%swap3A_198, %swap3A_199] {strides = array<i32>} : memref<1x1024xf32, #tpu.memory_space<vmem>>, vector<1x16xf32>,
    %swap3A_201 = vector.shape_cast %swap3A_200 : vector<1x16xf32> to vector<16xf32>
    %swap3A_202 = vector.shape_cast %broadcast_in_dim3A_17 : vector<16xf32> to vector<1x16xf32>
    tpu.vector_store %arg10[%swap3A_198, %swap3A_199], %swap3A_202 {strides = array<i32>} : memref<1x1024xf32, #tpu.memory_space<vmem>>, vector<1x16xf32>,
    %swap3A_203 = arith.constant 0 : i32
    %swap3A_204 = arith.index_cast %swap3A_203 : i32 to index
    %swap3A_205 = arith.constant 496 : index
    %swap3A_206 = tpu.vector_load %arg10[%swap3A_204, %swap3A_205] {strides = array<i32>} : memref<1x1024xf32, #tpu.memory_space<vmem>>, vector<1x16xf32>,
    %swap3A_207 = vector.shape_cast %swap3A_206 : vector<1x16xf32> to vector<16xf32>
    %swap3A_208 = vector.shape_cast %broadcast_in_dim3A_17 : vector<16xf32> to vector<1x16xf32>
    tpu.vector_store %arg10[%swap3A_204, %swap3A_205], %swap3A_208 {strides = array<i32>} : memref<1x1024xf32, #tpu.memory_space<vmem>>, vector<1x16xf32>,
    %swap3A_209 = arith.constant 0 : i32
    %swap3A_210 = arith.index_cast %swap3A_209 : i32 to index
    %swap3A_211 = arith.constant 512 : index
    %swap3A_212 = tpu.vector_load %arg10[%swap3A_210, %swap3A_211] {strides = array<i32>} : memref<1x1024xf32, #tpu.memory_space<vmem>>, vector<1x16xf32>,
    %swap3A_213 = vector.shape_cast %swap3A_212 : vector<1x16xf32> to vector<16xf32>
    %swap3A_214 = vector.shape_cast %broadcast_in_dim3A_17 : vector<16xf32> to vector<1x16xf32>
    tpu.vector_store %arg10[%swap3A_210, %swap3A_211], %swap3A_214 {strides = array<i32>} : memref<1x1024xf32, #tpu.memory_space<vmem>>, vector<1x16xf32>,
    %swap3A_215 = arith.constant 0 : i32
    %swap3A_216 = arith.index_cast %swap3A_215 : i32 to index
    %swap3A_217 = arith.constant 528 : index
    %swap3A_218 = tpu.vector_load %arg10[%swap3A_216, %swap3A_217] {strides = array<i32>} : memref<1x1024xf32, #tpu.memory_space<vmem>>, vector<1x16xf32>,
    %swap3A_219 = vector.shape_cast %swap3A_218 : vector<1x16xf32> to vector<16xf32>
    %swap3A_220 = vector.shape_cast %broadcast_in_dim3A_17 : vector<16xf32> to vector<1x16xf32>
    tpu.vector_store %arg10[%swap3A_216, %swap3A_217], %swap3A_220 {strides = array<i32>} : memref<1x1024xf32, #tpu.memory_space<vmem>>, vector<1x16xf32>,
    %swap3A_221 = arith.constant 0 : i32
    %swap3A_222 = arith.index_cast %swap3A_221 : i32 to index
    %swap3A_223 = arith.constant 544 : index
    %swap3A_224 = tpu.vector_load %arg10[%swap3A_222, %swap3A_223] {strides = array<i32>} : memref<1x1024xf32, #tpu.memory_space<vmem>>, vector<1x16xf32>,
    %swap3A_225 = vector.shape_cast %swap3A_224 : vector<1x16xf32> to vector<16xf32>
    %swap3A_226 = vector.shape_cast %broadcast_in_dim3A_17 : vector<16xf32> to vector<1x16xf32>
    tpu.vector_store %arg10[%swap3A_222, %swap3A_223], %swap3A_226 {strides = array<i32>} : memref<1x1024xf32, #tpu.memory_space<vmem>>, vector<1x16xf32>,
    %swap3A_227 = arith.constant 0 : i32
    %swap3A_228 = arith.index_cast %swap3A_227 : i32 to index
    %swap3A_229 = arith.constant 560 : index
    %swap3A_230 = tpu.vector_load %arg10[%swap3A_228, %swap3A_229] {strides = array<i32>} : memref<1x1024xf32, #tpu.memory_space<vmem>>, vector<1x16xf32>,
    %swap3A_231 = vector.shape_cast %swap3A_230 : vector<1x16xf32> to vector<16xf32>
    %swap3A_232 = vector.shape_cast %broadcast_in_dim3A_17 : vector<16xf32> to vector<1x16xf32>
    tpu.vector_store %arg10[%swap3A_228, %swap3A_229], %swap3A_232 {strides = array<i32>} : memref<1x1024xf32, #tpu.memory_space<vmem>>, vector<1x16xf32>,
    %swap3A_233 = arith.constant 0 : i32
    %swap3A_234 = arith.index_cast %swap3A_233 : i32 to index
    %swap3A_235 = arith.constant 576 : index
    %swap3A_236 = tpu.vector_load %arg10[%swap3A_234, %swap3A_235] {strides = array<i32>} : memref<1x1024xf32, #tpu.memory_space<vmem>>, vector<1x16xf32>,
    %swap3A_237 = vector.shape_cast %swap3A_236 : vector<1x16xf32> to vector<16xf32>
    %swap3A_238 = vector.shape_cast %broadcast_in_dim3A_17 : vector<16xf32> to vector<1x16xf32>
    tpu.vector_store %arg10[%swap3A_234, %swap3A_235], %swap3A_238 {strides = array<i32>} : memref<1x1024xf32, #tpu.memory_space<vmem>>, vector<1x16xf32>,
    %swap3A_239 = arith.constant 0 : i32
    %swap3A_240 = arith.index_cast %swap3A_239 : i32 to index
    %swap3A_241 = arith.constant 592 : index
    %swap3A_242 = tpu.vector_load %arg10[%swap3A_240, %swap3A_241] {strides = array<i32>} : memref<1x1024xf32, #tpu.memory_space<vmem>>, vector<1x16xf32>,
    %swap3A_243 = vector.shape_cast %swap3A_242 : vector<1x16xf32> to vector<16xf32>
    %swap3A_244 = vector.shape_cast %broadcast_in_dim3A_17 : vector<16xf32> to vector<1x16xf32>
    tpu.vector_store %arg10[%swap3A_240, %swap3A_241], %swap3A_244 {strides = array<i32>} : memref<1x1024xf32, #tpu.memory_space<vmem>>, vector<1x16xf32>,
    %swap3A_245 = arith.constant 0 : i32
    %swap3A_246 = arith.index_cast %swap3A_245 : i32 to index
    %swap3A_247 = arith.constant 608 : index
    %swap3A_248 = tpu.vector_load %arg10[%swap3A_246, %swap3A_247] {strides = array<i32>} : memref<1x1024xf32, #tpu.memory_space<vmem>>, vector<1x16xf32>,
    %swap3A_249 = vector.shape_cast %swap3A_248 : vector<1x16xf32> to vector<16xf32>
    %swap3A_250 = vector.shape_cast %broadcast_in_dim3A_17 : vector<16xf32> to vector<1x16xf32>
    tpu.vector_store %arg10[%swap3A_246, %swap3A_247], %swap3A_250 {strides = array<i32>} : memref<1x1024xf32, #tpu.memory_space<vmem>>, vector<1x16xf32>,
    %swap3A_251 = arith.constant 0 : i32
    %swap3A_252 = arith.index_cast %swap3A_251 : i32 to index
    %swap3A_253 = arith.constant 624 : index
    %swap3A_254 = tpu.vector_load %arg10[%swap3A_252, %swap3A_253] {strides = array<i32>} : memref<1x1024xf32, #tpu.memory_space<vmem>>, vector<1x16xf32>,
    %swap3A_255 = vector.shape_cast %swap3A_254 : vector<1x16xf32> to vector<16xf32>
    %swap3A_256 = vector.shape_cast %broadcast_in_dim3A_17 : vector<16xf32> to vector<1x16xf32>
    tpu.vector_store %arg10[%swap3A_252, %swap3A_253], %swap3A_256 {strides = array<i32>} : memref<1x1024xf32, #tpu.memory_space<vmem>>, vector<1x16xf32>,
    %swap3A_257 = arith.constant 0 : i32
    %swap3A_258 = arith.index_cast %swap3A_257 : i32 to index
    %swap3A_259 = arith.constant 640 : index
    %swap3A_260 = tpu.vector_load %arg10[%swap3A_258, %swap3A_259] {strides = array<i32>} : memref<1x1024xf32, #tpu.memory_space<vmem>>, vector<1x16xf32>,
    %swap3A_261 = vector.shape_cast %swap3A_260 : vector<1x16xf32> to vector<16xf32>
    %swap3A_262 = vector.shape_cast %broadcast_in_dim3A_17 : vector<16xf32> to vector<1x16xf32>
    tpu.vector_store %arg10[%swap3A_258, %swap3A_259], %swap3A_262 {strides = array<i32>} : memref<1x1024xf32, #tpu.memory_space<vmem>>, vector<1x16xf32>,
    %swap3A_263 = arith.constant 0 : i32
    %swap3A_264 = arith.index_cast %swap3A_263 : i32 to index
    %swap3A_265 = arith.constant 656 : index
    %swap3A_266 = tpu.vector_load %arg10[%swap3A_264, %swap3A_265] {strides = array<i32>} : memref<1x1024xf32, #tpu.memory_space<vmem>>, vector<1x16xf32>,
    %swap3A_267 = vector.shape_cast %swap3A_266 : vector<1x16xf32> to vector<16xf32>
    %swap3A_268 = vector.shape_cast %broadcast_in_dim3A_17 : vector<16xf32> to vector<1x16xf32>
    tpu.vector_store %arg10[%swap3A_264, %swap3A_265], %swap3A_268 {strides = array<i32>} : memref<1x1024xf32, #tpu.memory_space<vmem>>, vector<1x16xf32>,
    %swap3A_269 = arith.constant 0 : i32
    %swap3A_270 = arith.index_cast %swap3A_269 : i32 to index
    %swap3A_271 = arith.constant 672 : index
    %swap3A_272 = tpu.vector_load %arg10[%swap3A_270, %swap3A_271] {strides = array<i32>} : memref<1x1024xf32, #tpu.memory_space<vmem>>, vector<1x16xf32>,
    %swap3A_273 = vector.shape_cast %swap3A_272 : vector<1x16xf32> to vector<16xf32>
    %swap3A_274 = vector.shape_cast %broadcast_in_dim3A_17 : vector<16xf32> to vector<1x16xf32>
    tpu.vector_store %arg10[%swap3A_270, %swap3A_271], %swap3A_274 {strides = array<i32>} : memref<1x1024xf32, #tpu.memory_space<vmem>>, vector<1x16xf32>,
    %swap3A_275 = arith.constant 0 : i32
    %swap3A_276 = arith.index_cast %swap3A_275 : i32 to index
    %swap3A_277 = arith.constant 688 : index
    %swap3A_278 = tpu.vector_load %arg10[%swap3A_276, %swap3A_277] {strides = array<i32>} : memref<1x1024xf32, #tpu.memory_space<vmem>>, vector<1x16xf32>,
    %swap3A_279 = vector.shape_cast %swap3A_278 : vector<1x16xf32> to vector<16xf32>
    %swap3A_280 = vector.shape_cast %broadcast_in_dim3A_17 : vector<16xf32> to vector<1x16xf32>
    tpu.vector_store %arg10[%swap3A_276, %swap3A_277], %swap3A_280 {strides = array<i32>} : memref<1x1024xf32, #tpu.memory_space<vmem>>, vector<1x16xf32>,
    %swap3A_281 = arith.constant 0 : i32
    %swap3A_282 = arith.index_cast %swap3A_281 : i32 to index
    %swap3A_283 = arith.constant 704 : index
    %swap3A_284 = tpu.vector_load %arg10[%swap3A_282, %swap3A_283] {strides = array<i32>} : memref<1x1024xf32, #tpu.memory_space<vmem>>, vector<1x16xf32>,
    %swap3A_285 = vector.shape_cast %swap3A_284 : vector<1x16xf32> to vector<16xf32>
    %swap3A_286 = vector.shape_cast %broadcast_in_dim3A_17 : vector<16xf32> to vector<1x16xf32>
    tpu.vector_store %arg10[%swap3A_282, %swap3A_283], %swap3A_286 {strides = array<i32>} : memref<1x1024xf32, #tpu.memory_space<vmem>>, vector<1x16xf32>,
    %swap3A_287 = arith.constant 0 : i32
    %swap3A_288 = arith.index_cast %swap3A_287 : i32 to index
    %swap3A_289 = arith.constant 720 : index
    %swap3A_290 = tpu.vector_load %arg10[%swap3A_288, %swap3A_289] {strides = array<i32>} : memref<1x1024xf32, #tpu.memory_space<vmem>>, vector<1x16xf32>,
    %swap3A_291 = vector.shape_cast %swap3A_290 : vector<1x16xf32> to vector<16xf32>
    %swap3A_292 = vector.shape_cast %broadcast_in_dim3A_17 : vector<16xf32> to vector<1x16xf32>
    tpu.vector_store %arg10[%swap3A_288, %swap3A_289], %swap3A_292 {strides = array<i32>} : memref<1x1024xf32, #tpu.memory_space<vmem>>, vector<1x16xf32>,
    %swap3A_293 = arith.constant 0 : i32
    %swap3A_294 = arith.index_cast %swap3A_293 : i32 to index
    %swap3A_295 = arith.constant 736 : index
    %swap3A_296 = tpu.vector_load %arg10[%swap3A_294, %swap3A_295] {strides = array<i32>} : memref<1x1024xf32, #tpu.memory_space<vmem>>, vector<1x16xf32>,
    %swap3A_297 = vector.shape_cast %swap3A_296 : vector<1x16xf32> to vector<16xf32>
    %swap3A_298 = vector.shape_cast %broadcast_in_dim3A_17 : vector<16xf32> to vector<1x16xf32>
    tpu.vector_store %arg10[%swap3A_294, %swap3A_295], %swap3A_298 {strides = array<i32>} : memref<1x1024xf32, #tpu.memory_space<vmem>>, vector<1x16xf32>,
    %swap3A_299 = arith.constant 0 : i32
    %swap3A_300 = arith.index_cast %swap3A_299 : i32 to index
    %swap3A_301 = arith.constant 752 : index
    %swap3A_302 = tpu.vector_load %arg10[%swap3A_300, %swap3A_301] {strides = array<i32>} : memref<1x1024xf32, #tpu.memory_space<vmem>>, vector<1x16xf32>,
    %swap3A_303 = vector.shape_cast %swap3A_302 : vector<1x16xf32> to vector<16xf32>
    %swap3A_304 = vector.shape_cast %broadcast_in_dim3A_17 : vector<16xf32> to vector<1x16xf32>
    tpu.vector_store %arg10[%swap3A_300, %swap3A_301], %swap3A_304 {strides = array<i32>} : memref<1x1024xf32, #tpu.memory_space<vmem>>, vector<1x16xf32>,
    %swap3A_305 = arith.constant 0 : i32
    %swap3A_306 = arith.index_cast %swap3A_305 : i32 to index
    %swap3A_307 = arith.constant 768 : index
    %swap3A_308 = tpu.vector_load %arg10[%swap3A_306, %swap3A_307] {strides = array<i32>} : memref<1x1024xf32, #tpu.memory_space<vmem>>, vector<1x16xf32>,
    %swap3A_309 = vector.shape_cast %swap3A_308 : vector<1x16xf32> to vector<16xf32>
    %swap3A_310 = vector.shape_cast %broadcast_in_dim3A_17 : vector<16xf32> to vector<1x16xf32>
    tpu.vector_store %arg10[%swap3A_306, %swap3A_307], %swap3A_310 {strides = array<i32>} : memref<1x1024xf32, #tpu.memory_space<vmem>>, vector<1x16xf32>,
    %swap3A_311 = arith.constant 0 : i32
    %swap3A_312 = arith.index_cast %swap3A_311 : i32 to index
    %swap3A_313 = arith.constant 784 : index
    %swap3A_314 = tpu.vector_load %arg10[%swap3A_312, %swap3A_313] {strides = array<i32>} : memref<1x1024xf32, #tpu.memory_space<vmem>>, vector<1x16xf32>,
    %swap3A_315 = vector.shape_cast %swap3A_314 : vector<1x16xf32> to vector<16xf32>
    %swap3A_316 = vector.shape_cast %broadcast_in_dim3A_17 : vector<16xf32> to vector<1x16xf32>
    tpu.vector_store %arg10[%swap3A_312, %swap3A_313], %swap3A_316 {strides = array<i32>} : memref<1x1024xf32, #tpu.memory_space<vmem>>, vector<1x16xf32>,
    %swap3A_317 = arith.constant 0 : i32
    %swap3A_318 = arith.index_cast %swap3A_317 : i32 to index
    %swap3A_319 = arith.constant 800 : index
    %swap3A_320 = tpu.vector_load %arg10[%swap3A_318, %swap3A_319] {strides = array<i32>} : memref<1x1024xf32, #tpu.memory_space<vmem>>, vector<1x16xf32>,
    %swap3A_321 = vector.shape_cast %swap3A_320 : vector<1x16xf32> to vector<16xf32>
    %swap3A_322 = vector.shape_cast %broadcast_in_dim3A_17 : vector<16xf32> to vector<1x16xf32>
    tpu.vector_store %arg10[%swap3A_318, %swap3A_319], %swap3A_322 {strides = array<i32>} : memref<1x1024xf32, #tpu.memory_space<vmem>>, vector<1x16xf32>,
    %swap3A_323 = arith.constant 0 : i32
    %swap3A_324 = arith.index_cast %swap3A_323 : i32 to index
    %swap3A_325 = arith.constant 816 : index
    %swap3A_326 = tpu.vector_load %arg10[%swap3A_324, %swap3A_325] {strides = array<i32>} : memref<1x1024xf32, #tpu.memory_space<vmem>>, vector<1x16xf32>,
    %swap3A_327 = vector.shape_cast %swap3A_326 : vector<1x16xf32> to vector<16xf32>
    %swap3A_328 = vector.shape_cast %broadcast_in_dim3A_17 : vector<16xf32> to vector<1x16xf32>
    tpu.vector_store %arg10[%swap3A_324, %swap3A_325], %swap3A_328 {strides = array<i32>} : memref<1x1024xf32, #tpu.memory_space<vmem>>, vector<1x16xf32>,
    %swap3A_329 = arith.constant 0 : i32
    %swap3A_330 = arith.index_cast %swap3A_329 : i32 to index
    %swap3A_331 = arith.constant 832 : index
    %swap3A_332 = tpu.vector_load %arg10[%swap3A_330, %swap3A_331] {strides = array<i32>} : memref<1x1024xf32, #tpu.memory_space<vmem>>, vector<1x16xf32>,
    %swap3A_333 = vector.shape_cast %swap3A_332 : vector<1x16xf32> to vector<16xf32>
    %swap3A_334 = vector.shape_cast %broadcast_in_dim3A_17 : vector<16xf32> to vector<1x16xf32>
    tpu.vector_store %arg10[%swap3A_330, %swap3A_331], %swap3A_334 {strides = array<i32>} : memref<1x1024xf32, #tpu.memory_space<vmem>>, vector<1x16xf32>,
    %swap3A_335 = arith.constant 0 : i32
    %swap3A_336 = arith.index_cast %swap3A_335 : i32 to index
    %swap3A_337 = arith.constant 848 : index
    %swap3A_338 = tpu.vector_load %arg10[%swap3A_336, %swap3A_337] {strides = array<i32>} : memref<1x1024xf32, #tpu.memory_space<vmem>>, vector<1x16xf32>,
    %swap3A_339 = vector.shape_cast %swap3A_338 : vector<1x16xf32> to vector<16xf32>
    %swap3A_340 = vector.shape_cast %broadcast_in_dim3A_17 : vector<16xf32> to vector<1x16xf32>
    tpu.vector_store %arg10[%swap3A_336, %swap3A_337], %swap3A_340 {strides = array<i32>} : memref<1x1024xf32, #tpu.memory_space<vmem>>, vector<1x16xf32>,
    %swap3A_341 = arith.constant 0 : i32
    %swap3A_342 = arith.index_cast %swap3A_341 : i32 to index
    %swap3A_343 = arith.constant 864 : index
    %swap3A_344 = tpu.vector_load %arg10[%swap3A_342, %swap3A_343] {strides = array<i32>} : memref<1x1024xf32, #tpu.memory_space<vmem>>, vector<1x16xf32>,
    %swap3A_345 = vector.shape_cast %swap3A_344 : vector<1x16xf32> to vector<16xf32>
    %swap3A_346 = vector.shape_cast %broadcast_in_dim3A_17 : vector<16xf32> to vector<1x16xf32>
    tpu.vector_store %arg10[%swap3A_342, %swap3A_343], %swap3A_346 {strides = array<i32>} : memref<1x1024xf32, #tpu.memory_space<vmem>>, vector<1x16xf32>,
    %swap3A_347 = arith.constant 0 : i32
    %swap3A_348 = arith.index_cast %swap3A_347 : i32 to index
    %swap3A_349 = arith.constant 880 : index
    %swap3A_350 = tpu.vector_load %arg10[%swap3A_348, %swap3A_349] {strides = array<i32>} : memref<1x1024xf32, #tpu.memory_space<vmem>>, vector<1x16xf32>,
    %swap3A_351 = vector.shape_cast %swap3A_350 : vector<1x16xf32> to vector<16xf32>
    %swap3A_352 = vector.shape_cast %broadcast_in_dim3A_17 : vector<16xf32> to vector<1x16xf32>
    tpu.vector_store %arg10[%swap3A_348, %swap3A_349], %swap3A_352 {strides = array<i32>} : memref<1x1024xf32, #tpu.memory_space<vmem>>, vector<1x16xf32>,
    %swap3A_353 = arith.constant 0 : i32
    %swap3A_354 = arith.index_cast %swap3A_353 : i32 to index
    %swap3A_355 = arith.constant 896 : index
    %swap3A_356 = tpu.vector_load %arg10[%swap3A_354, %swap3A_355] {strides = array<i32>} : memref<1x1024xf32, #tpu.memory_space<vmem>>, vector<1x16xf32>,
    %swap3A_357 = vector.shape_cast %swap3A_356 : vector<1x16xf32> to vector<16xf32>
    %swap3A_358 = vector.shape_cast %broadcast_in_dim3A_17 : vector<16xf32> to vector<1x16xf32>
    tpu.vector_store %arg10[%swap3A_354, %swap3A_355], %swap3A_358 {strides = array<i32>} : memref<1x1024xf32, #tpu.memory_space<vmem>>, vector<1x16xf32>,
    %swap3A_359 = arith.constant 0 : i32
    %swap3A_360 = arith.index_cast %swap3A_359 : i32 to index
    %swap3A_361 = arith.constant 912 : index
    %swap3A_362 = tpu.vector_load %arg10[%swap3A_360, %swap3A_361] {strides = array<i32>} : memref<1x1024xf32, #tpu.memory_space<vmem>>, vector<1x16xf32>,
    %swap3A_363 = vector.shape_cast %swap3A_362 : vector<1x16xf32> to vector<16xf32>
    %swap3A_364 = vector.shape_cast %broadcast_in_dim3A_17 : vector<16xf32> to vector<1x16xf32>
    tpu.vector_store %arg10[%swap3A_360, %swap3A_361], %swap3A_364 {strides = array<i32>} : memref<1x1024xf32, #tpu.memory_space<vmem>>, vector<1x16xf32>,
    %swap3A_365 = arith.constant 0 : i32
    %swap3A_366 = arith.index_cast %swap3A_365 : i32 to index
    %swap3A_367 = arith.constant 928 : index
    %swap3A_368 = tpu.vector_load %arg10[%swap3A_366, %swap3A_367] {strides = array<i32>} : memref<1x1024xf32, #tpu.memory_space<vmem>>, vector<1x16xf32>,
    %swap3A_369 = vector.shape_cast %swap3A_368 : vector<1x16xf32> to vector<16xf32>
    %swap3A_370 = vector.shape_cast %broadcast_in_dim3A_17 : vector<16xf32> to vector<1x16xf32>
    tpu.vector_store %arg10[%swap3A_366, %swap3A_367], %swap3A_370 {strides = array<i32>} : memref<1x1024xf32, #tpu.memory_space<vmem>>, vector<1x16xf32>,
    %swap3A_371 = arith.constant 0 : i32
    %swap3A_372 = arith.index_cast %swap3A_371 : i32 to index
    %swap3A_373 = arith.constant 944 : index
    %swap3A_374 = tpu.vector_load %arg10[%swap3A_372, %swap3A_373] {strides = array<i32>} : memref<1x1024xf32, #tpu.memory_space<vmem>>, vector<1x16xf32>,
    %swap3A_375 = vector.shape_cast %swap3A_374 : vector<1x16xf32> to vector<16xf32>
    %swap3A_376 = vector.shape_cast %broadcast_in_dim3A_17 : vector<16xf32> to vector<1x16xf32>
    tpu.vector_store %arg10[%swap3A_372, %swap3A_373], %swap3A_376 {strides = array<i32>} : memref<1x1024xf32, #tpu.memory_space<vmem>>, vector<1x16xf32>,
    %swap3A_377 = arith.constant 0 : i32
    %swap3A_378 = arith.index_cast %swap3A_377 : i32 to index
    %swap3A_379 = arith.constant 960 : index
    %swap3A_380 = tpu.vector_load %arg10[%swap3A_378, %swap3A_379] {strides = array<i32>} : memref<1x1024xf32, #tpu.memory_space<vmem>>, vector<1x16xf32>,
    %swap3A_381 = vector.shape_cast %swap3A_380 : vector<1x16xf32> to vector<16xf32>
    %swap3A_382 = vector.shape_cast %broadcast_in_dim3A_17 : vector<16xf32> to vector<1x16xf32>
    tpu.vector_store %arg10[%swap3A_378, %swap3A_379], %swap3A_382 {strides = array<i32>} : memref<1x1024xf32, #tpu.memory_space<vmem>>, vector<1x16xf32>,
    %swap3A_383 = arith.constant 0 : i32
    %swap3A_384 = arith.index_cast %swap3A_383 : i32 to index
    %swap3A_385 = arith.constant 976 : index
    %swap3A_386 = tpu.vector_load %arg10[%swap3A_384, %swap3A_385] {strides = array<i32>} : memref<1x1024xf32, #tpu.memory_space<vmem>>, vector<1x16xf32>,
    %swap3A_387 = vector.shape_cast %swap3A_386 : vector<1x16xf32> to vector<16xf32>
    %swap3A_388 = vector.shape_cast %broadcast_in_dim3A_17 : vector<16xf32> to vector<1x16xf32>
    tpu.vector_store %arg10[%swap3A_384, %swap3A_385], %swap3A_388 {strides = array<i32>} : memref<1x1024xf32, #tpu.memory_space<vmem>>, vector<1x16xf32>,
    %swap3A_389 = arith.constant 0 : i32
    %swap3A_390 = arith.index_cast %swap3A_389 : i32 to index
    %swap3A_391 = arith.constant 992 : index
    %swap3A_392 = tpu.vector_load %arg10[%swap3A_390, %swap3A_391] {strides = array<i32>} : memref<1x1024xf32, #tpu.memory_space<vmem>>, vector<1x16xf32>,
    %swap3A_393 = vector.shape_cast %swap3A_392 : vector<1x16xf32> to vector<16xf32>
    %swap3A_394 = vector.shape_cast %broadcast_in_dim3A_17 : vector<16xf32> to vector<1x16xf32>
    tpu.vector_store %arg10[%swap3A_390, %swap3A_391], %swap3A_394 {strides = array<i32>} : memref<1x1024xf32, #tpu.memory_space<vmem>>, vector<1x16xf32>,
    %swap3A_395 = arith.constant 0 : i32
    %swap3A_396 = arith.index_cast %swap3A_395 : i32 to index
    %swap3A_397 = arith.constant 1008 : index
    %swap3A_398 = tpu.vector_load %arg10[%swap3A_396, %swap3A_397] {strides = array<i32>} : memref<1x1024xf32, #tpu.memory_space<vmem>>, vector<1x16xf32>,
    %swap3A_399 = vector.shape_cast %swap3A_398 : vector<1x16xf32> to vector<16xf32>
    %swap3A_400 = vector.shape_cast %broadcast_in_dim3A_17 : vector<16xf32> to vector<1x16xf32>
    tpu.vector_store %arg10[%swap3A_396, %swap3A_397], %swap3A_400 {strides = array<i32>} : memref<1x1024xf32, #tpu.memory_space<vmem>>, vector<1x16xf32>,
    %dma_wait3A = arith.constant 0 : i32
    %dma_wait3A_401 = tpu.memref_slice %arg6[%dma_wait3A] : memref<128xi32, #tpu.memory_space<vmem>> -> memref<32xi32, #tpu.memory_space<vmem>>
    %dma_wait3A_402 = arith.constant 0 : i32
    %dma_wait3A_403 = arith.constant 0 : i32
    %dma_wait3A_404 = tpu.memref_slice %arg3[%dma_wait3A_402, %dma_wait3A_403] : memref<50257x1024xf32, #tpu.memory_space<hbm>> -> memref<50257x1024xf32, #tpu.memory_space<hbm>>
    tpu.wait_indirect_dma semaphore(%arg11 : memref<!tpu.dma_semaphore, #tpu.memory_space<semaphore_mem>>) src(%dma_wait3A_404 : memref<50257x1024xf32, #tpu.memory_space<hbm>>) dst(%arg7 : memref<32x1024xf32, #tpu.memory_space<vmem>>)
    %add3A_405 = arith.constant 0 : i32
    %add3A_406 = arith.addi %mul3A_2, %add3A_405 : i32
    %dma_start3A_407 = arith.constant 0 : i32
    %dma_start3A_408 = tpu.memref_slice %arg4[%add3A_406, %dma_start3A_407] : memref<4096x1024xf32, #tpu.memory_space<hbm>> -> memref<32x1024xf32, #tpu.memory_space<hbm>>
    %dma_start3A_409 = arith.constant 0 : i32
    %dma_start3A_410 = tpu.memref_slice %arg4[%add3A_406, %dma_start3A_409] : memref<4096x1024xf32, #tpu.memory_space<hbm>> -> memref<32x1024xf32, #tpu.memory_space<hbm>>
    tpu.enqueue_dma source(%arg7 : memref<32x1024xf32, #tpu.memory_space<vmem>>) target(%dma_start3A_410 : memref<32x1024xf32, #tpu.memory_space<hbm>>) target_semaphore(%arg14 : memref<!tpu.dma_semaphore, #tpu.memory_space<semaphore_mem>>)
    %broadcast_in_dim3A_411 = arith.constant 0.000000e+00 : f32
    %broadcast_in_dim3A_412 = vector.broadcast %broadcast_in_dim3A_411 : f32 to vector<16xf32>
    %scan3A = arith.constant 0 : i32
    %scan3A_413 = arith.constant 0 : i32
    %scan3A_414 = arith.constant 64 : i32
    %scan3A_415 = arith.addi %scan3A_413, %scan3A_414 : i32
    %scan3A_416 = arith.constant 1 : i32
    scf.for %scan3A_496 = %scan3A_413 to %scan3A_415 step %scan3A_416  : i32 {
      %mul3A_497 = arith.constant 16 : i32
      %mul3A_498 = arith.muli %mul3A_497, %scan3A_496 : i32
      %get3A = arith.constant 0 : i32
      %get3A_499 = arith.index_cast %get3A : i32 to index
      %get3A_500 = arith.index_cast %mul3A_498 : i32 to index
      %get3A_501 = tpu.vector_load %arg7[%get3A_499, %get3A_500] {strides = array<i32>} : memref<32x1024xf32, #tpu.memory_space<vmem>>, vector<1x16xf32>,
      %get3A_502 = vector.shape_cast %get3A_501 : vector<1x16xf32> to vector<16xf32>
      %add3A_503 = arith.addf %broadcast_in_dim3A_412, %get3A_502 : vector<16xf32>
      %get3A_504 = arith.constant 1 : i32
      %get3A_505 = arith.index_cast %get3A_504 : i32 to index
      %get3A_506 = arith.index_cast %mul3A_498 : i32 to index
      %get3A_507 = tpu.vector_load %arg7[%get3A_505, %get3A_506] {strides = array<i32>} : memref<32x1024xf32, #tpu.memory_space<vmem>>, vector<1x16xf32>,
      %get3A_508 = vector.shape_cast %get3A_507 : vector<1x16xf32> to vector<16xf32>
      %add3A_509 = arith.addf %broadcast_in_dim3A_412, %get3A_508 : vector<16xf32>
      %get3A_510 = arith.constant 2 : i32
      %get3A_511 = arith.index_cast %get3A_510 : i32 to index
      %get3A_512 = arith.index_cast %mul3A_498 : i32 to index
      %get3A_513 = tpu.vector_load %arg7[%get3A_511, %get3A_512] {strides = array<i32>} : memref<32x1024xf32, #tpu.memory_space<vmem>>, vector<1x16xf32>,
      %get3A_514 = vector.shape_cast %get3A_513 : vector<1x16xf32> to vector<16xf32>
      %add3A_515 = arith.addf %broadcast_in_dim3A_412, %get3A_514 : vector<16xf32>
      %get3A_516 = arith.constant 3 : i32
      %get3A_517 = arith.index_cast %get3A_516 : i32 to index
      %get3A_518 = arith.index_cast %mul3A_498 : i32 to index
      %get3A_519 = tpu.vector_load %arg7[%get3A_517, %get3A_518] {strides = array<i32>} : memref<32x1024xf32, #tpu.memory_space<vmem>>, vector<1x16xf32>,
      %get3A_520 = vector.shape_cast %get3A_519 : vector<1x16xf32> to vector<16xf32>
      %add3A_521 = arith.addf %broadcast_in_dim3A_412, %get3A_520 : vector<16xf32>
      %get3A_522 = arith.constant 4 : i32
      %get3A_523 = arith.index_cast %get3A_522 : i32 to index
      %get3A_524 = arith.index_cast %mul3A_498 : i32 to index
      %get3A_525 = tpu.vector_load %arg7[%get3A_523, %get3A_524] {strides = array<i32>} : memref<32x1024xf32, #tpu.memory_space<vmem>>, vector<1x16xf32>,
      %get3A_526 = vector.shape_cast %get3A_525 : vector<1x16xf32> to vector<16xf32>
      %add3A_527 = arith.addf %add3A_503, %get3A_526 : vector<16xf32>
      %get3A_528 = arith.constant 5 : i32
      %get3A_529 = arith.index_cast %get3A_528 : i32 to index
      %get3A_530 = arith.index_cast %mul3A_498 : i32 to index
      %get3A_531 = tpu.vector_load %arg7[%get3A_529, %get3A_530] {strides = array<i32>} : memref<32x1024xf32, #tpu.memory_space<vmem>>, vector<1x16xf32>,
      %get3A_532 = vector.shape_cast %get3A_531 : vector<1x16xf32> to vector<16xf32>
      %add3A_533 = arith.addf %add3A_509, %get3A_532 : vector<16xf32>
      %get3A_534 = arith.constant 6 : i32
      %get3A_535 = arith.index_cast %get3A_534 : i32 to index
      %get3A_536 = arith.index_cast %mul3A_498 : i32 to index
      %get3A_537 = tpu.vector_load %arg7[%get3A_535, %get3A_536] {strides = array<i32>} : memref<32x1024xf32, #tpu.memory_space<vmem>>, vector<1x16xf32>,
      %get3A_538 = vector.shape_cast %get3A_537 : vector<1x16xf32> to vector<16xf32>
      %add3A_539 = arith.addf %add3A_515, %get3A_538 : vector<16xf32>
      %get3A_540 = arith.constant 7 : i32
      %get3A_541 = arith.index_cast %get3A_540 : i32 to index
      %get3A_542 = arith.index_cast %mul3A_498 : i32 to index
      %get3A_543 = tpu.vector_load %arg7[%get3A_541, %get3A_542] {strides = array<i32>} : memref<32x1024xf32, #tpu.memory_space<vmem>>, vector<1x16xf32>,
      %get3A_544 = vector.shape_cast %get3A_543 : vector<1x16xf32> to vector<16xf32>
      %add3A_545 = arith.addf %add3A_521, %get3A_544 : vector<16xf32>
      %get3A_546 = arith.constant 8 : i32
      %get3A_547 = arith.index_cast %get3A_546 : i32 to index
      %get3A_548 = arith.index_cast %mul3A_498 : i32 to index
      %get3A_549 = tpu.vector_load %arg7[%get3A_547, %get3A_548] {strides = array<i32>} : memref<32x1024xf32, #tpu.memory_space<vmem>>, vector<1x16xf32>,
      %get3A_550 = vector.shape_cast %get3A_549 : vector<1x16xf32> to vector<16xf32>
      %add3A_551 = arith.addf %add3A_527, %get3A_550 : vector<16xf32>
      %get3A_552 = arith.constant 9 : i32
      %get3A_553 = arith.index_cast %get3A_552 : i32 to index
      %get3A_554 = arith.index_cast %mul3A_498 : i32 to index
      %get3A_555 = tpu.vector_load %arg7[%get3A_553, %get3A_554] {strides = array<i32>} : memref<32x1024xf32, #tpu.memory_space<vmem>>, vector<1x16xf32>,
      %get3A_556 = vector.shape_cast %get3A_555 : vector<1x16xf32> to vector<16xf32>
      %add3A_557 = arith.addf %add3A_533, %get3A_556 : vector<16xf32>
      %get3A_558 = arith.constant 10 : i32
      %get3A_559 = arith.index_cast %get3A_558 : i32 to index
      %get3A_560 = arith.index_cast %mul3A_498 : i32 to index
      %get3A_561 = tpu.vector_load %arg7[%get3A_559, %get3A_560] {strides = array<i32>} : memref<32x1024xf32, #tpu.memory_space<vmem>>, vector<1x16xf32>,
      %get3A_562 = vector.shape_cast %get3A_561 : vector<1x16xf32> to vector<16xf32>
      %add3A_563 = arith.addf %add3A_539, %get3A_562 : vector<16xf32>
      %get3A_564 = arith.constant 11 : i32
      %get3A_565 = arith.index_cast %get3A_564 : i32 to index
      %get3A_566 = arith.index_cast %mul3A_498 : i32 to index
      %get3A_567 = tpu.vector_load %arg7[%get3A_565, %get3A_566] {strides = array<i32>} : memref<32x1024xf32, #tpu.memory_space<vmem>>, vector<1x16xf32>,
      %get3A_568 = vector.shape_cast %get3A_567 : vector<1x16xf32> to vector<16xf32>
      %add3A_569 = arith.addf %add3A_545, %get3A_568 : vector<16xf32>
      %get3A_570 = arith.constant 12 : i32
      %get3A_571 = arith.index_cast %get3A_570 : i32 to index
      %get3A_572 = arith.index_cast %mul3A_498 : i32 to index
      %get3A_573 = tpu.vector_load %arg7[%get3A_571, %get3A_572] {strides = array<i32>} : memref<32x1024xf32, #tpu.memory_space<vmem>>, vector<1x16xf32>,
      %get3A_574 = vector.shape_cast %get3A_573 : vector<1x16xf32> to vector<16xf32>
      %add3A_575 = arith.addf %add3A_551, %get3A_574 : vector<16xf32>
      %get3A_576 = arith.constant 13 : i32
      %get3A_577 = arith.index_cast %get3A_576 : i32 to index
      %get3A_578 = arith.index_cast %mul3A_498 : i32 to index
      %get3A_579 = tpu.vector_load %arg7[%get3A_577, %get3A_578] {strides = array<i32>} : memref<32x1024xf32, #tpu.memory_space<vmem>>, vector<1x16xf32>,
      %get3A_580 = vector.shape_cast %get3A_579 : vector<1x16xf32> to vector<16xf32>
      %add3A_581 = arith.addf %add3A_557, %get3A_580 : vector<16xf32>
      %get3A_582 = arith.constant 14 : i32
      %get3A_583 = arith.index_cast %get3A_582 : i32 to index
      %get3A_584 = arith.index_cast %mul3A_498 : i32 to index
      %get3A_585 = tpu.vector_load %arg7[%get3A_583, %get3A_584] {strides = array<i32>} : memref<32x1024xf32, #tpu.memory_space<vmem>>, vector<1x16xf32>,
      %get3A_586 = vector.shape_cast %get3A_585 : vector<1x16xf32> to vector<16xf32>
      %add3A_587 = arith.addf %add3A_563, %get3A_586 : vector<16xf32>
      %get3A_588 = arith.constant 15 : i32
      %get3A_589 = arith.index_cast %get3A_588 : i32 to index
      %get3A_590 = arith.index_cast %mul3A_498 : i32 to index
      %get3A_591 = tpu.vector_load %arg7[%get3A_589, %get3A_590] {strides = array<i32>} : memref<32x1024xf32, #tpu.memory_space<vmem>>, vector<1x16xf32>,
      %get3A_592 = vector.shape_cast %get3A_591 : vector<1x16xf32> to vector<16xf32>
      %add3A_593 = arith.addf %add3A_569, %get3A_592 : vector<16xf32>
      %get3A_594 = arith.constant 16 : i32
      %get3A_595 = arith.index_cast %get3A_594 : i32 to index
      %get3A_596 = arith.index_cast %mul3A_498 : i32 to index
      %get3A_597 = tpu.vector_load %arg7[%get3A_595, %get3A_596] {strides = array<i32>} : memref<32x1024xf32, #tpu.memory_space<vmem>>, vector<1x16xf32>,
      %get3A_598 = vector.shape_cast %get3A_597 : vector<1x16xf32> to vector<16xf32>
      %add3A_599 = arith.addf %add3A_575, %get3A_598 : vector<16xf32>
      %get3A_600 = arith.constant 17 : i32
      %get3A_601 = arith.index_cast %get3A_600 : i32 to index
      %get3A_602 = arith.index_cast %mul3A_498 : i32 to index
      %get3A_603 = tpu.vector_load %arg7[%get3A_601, %get3A_602] {strides = array<i32>} : memref<32x1024xf32, #tpu.memory_space<vmem>>, vector<1x16xf32>,
      %get3A_604 = vector.shape_cast %get3A_603 : vector<1x16xf32> to vector<16xf32>
      %add3A_605 = arith.addf %add3A_581, %get3A_604 : vector<16xf32>
      %get3A_606 = arith.constant 18 : i32
      %get3A_607 = arith.index_cast %get3A_606 : i32 to index
      %get3A_608 = arith.index_cast %mul3A_498 : i32 to index
      %get3A_609 = tpu.vector_load %arg7[%get3A_607, %get3A_608] {strides = array<i32>} : memref<32x1024xf32, #tpu.memory_space<vmem>>, vector<1x16xf32>,
      %get3A_610 = vector.shape_cast %get3A_609 : vector<1x16xf32> to vector<16xf32>
      %add3A_611 = arith.addf %add3A_587, %get3A_610 : vector<16xf32>
      %get3A_612 = arith.constant 19 : i32
      %get3A_613 = arith.index_cast %get3A_612 : i32 to index
      %get3A_614 = arith.index_cast %mul3A_498 : i32 to index
      %get3A_615 = tpu.vector_load %arg7[%get3A_613, %get3A_614] {strides = array<i32>} : memref<32x1024xf32, #tpu.memory_space<vmem>>, vector<1x16xf32>,
      %get3A_616 = vector.shape_cast %get3A_615 : vector<1x16xf32> to vector<16xf32>
      %add3A_617 = arith.addf %add3A_593, %get3A_616 : vector<16xf32>
      %get3A_618 = arith.constant 20 : i32
      %get3A_619 = arith.index_cast %get3A_618 : i32 to index
      %get3A_620 = arith.index_cast %mul3A_498 : i32 to index
      %get3A_621 = tpu.vector_load %arg7[%get3A_619, %get3A_620] {strides = array<i32>} : memref<32x1024xf32, #tpu.memory_space<vmem>>, vector<1x16xf32>,
      %get3A_622 = vector.shape_cast %get3A_621 : vector<1x16xf32> to vector<16xf32>
      %add3A_623 = arith.addf %add3A_599, %get3A_622 : vector<16xf32>
      %get3A_624 = arith.constant 21 : i32
      %get3A_625 = arith.index_cast %get3A_624 : i32 to index
      %get3A_626 = arith.index_cast %mul3A_498 : i32 to index
      %get3A_627 = tpu.vector_load %arg7[%get3A_625, %get3A_626] {strides = array<i32>} : memref<32x1024xf32, #tpu.memory_space<vmem>>, vector<1x16xf32>,
      %get3A_628 = vector.shape_cast %get3A_627 : vector<1x16xf32> to vector<16xf32>
      %add3A_629 = arith.addf %add3A_605, %get3A_628 : vector<16xf32>
      %get3A_630 = arith.constant 22 : i32
      %get3A_631 = arith.index_cast %get3A_630 : i32 to index
      %get3A_632 = arith.index_cast %mul3A_498 : i32 to index
      %get3A_633 = tpu.vector_load %arg7[%get3A_631, %get3A_632] {strides = array<i32>} : memref<32x1024xf32, #tpu.memory_space<vmem>>, vector<1x16xf32>,
      %get3A_634 = vector.shape_cast %get3A_633 : vector<1x16xf32> to vector<16xf32>
      %add3A_635 = arith.addf %add3A_611, %get3A_634 : vector<16xf32>
      %get3A_636 = arith.constant 23 : i32
      %get3A_637 = arith.index_cast %get3A_636 : i32 to index
      %get3A_638 = arith.index_cast %mul3A_498 : i32 to index
      %get3A_639 = tpu.vector_load %arg7[%get3A_637, %get3A_638] {strides = array<i32>} : memref<32x1024xf32, #tpu.memory_space<vmem>>, vector<1x16xf32>,
      %get3A_640 = vector.shape_cast %get3A_639 : vector<1x16xf32> to vector<16xf32>
      %add3A_641 = arith.addf %add3A_617, %get3A_640 : vector<16xf32>
      %get3A_642 = arith.constant 24 : i32
      %get3A_643 = arith.index_cast %get3A_642 : i32 to index
      %get3A_644 = arith.index_cast %mul3A_498 : i32 to index
      %get3A_645 = tpu.vector_load %arg7[%get3A_643, %get3A_644] {strides = array<i32>} : memref<32x1024xf32, #tpu.memory_space<vmem>>, vector<1x16xf32>,
      %get3A_646 = vector.shape_cast %get3A_645 : vector<1x16xf32> to vector<16xf32>
      %add3A_647 = arith.addf %add3A_623, %get3A_646 : vector<16xf32>
      %get3A_648 = arith.constant 25 : i32
      %get3A_649 = arith.index_cast %get3A_648 : i32 to index
      %get3A_650 = arith.index_cast %mul3A_498 : i32 to index
      %get3A_651 = tpu.vector_load %arg7[%get3A_649, %get3A_650] {strides = array<i32>} : memref<32x1024xf32, #tpu.memory_space<vmem>>, vector<1x16xf32>,
      %get3A_652 = vector.shape_cast %get3A_651 : vector<1x16xf32> to vector<16xf32>
      %add3A_653 = arith.addf %add3A_629, %get3A_652 : vector<16xf32>
      %get3A_654 = arith.constant 26 : i32
      %get3A_655 = arith.index_cast %get3A_654 : i32 to index
      %get3A_656 = arith.index_cast %mul3A_498 : i32 to index
      %get3A_657 = tpu.vector_load %arg7[%get3A_655, %get3A_656] {strides = array<i32>} : memref<32x1024xf32, #tpu.memory_space<vmem>>, vector<1x16xf32>,
      %get3A_658 = vector.shape_cast %get3A_657 : vector<1x16xf32> to vector<16xf32>
      %add3A_659 = arith.addf %add3A_635, %get3A_658 : vector<16xf32>
      %get3A_660 = arith.constant 27 : i32
      %get3A_661 = arith.index_cast %get3A_660 : i32 to index
      %get3A_662 = arith.index_cast %mul3A_498 : i32 to index
      %get3A_663 = tpu.vector_load %arg7[%get3A_661, %get3A_662] {strides = array<i32>} : memref<32x1024xf32, #tpu.memory_space<vmem>>, vector<1x16xf32>,
      %get3A_664 = vector.shape_cast %get3A_663 : vector<1x16xf32> to vector<16xf32>
      %add3A_665 = arith.addf %add3A_641, %get3A_664 : vector<16xf32>
      %get3A_666 = arith.constant 28 : i32
      %get3A_667 = arith.index_cast %get3A_666 : i32 to index
      %get3A_668 = arith.index_cast %mul3A_498 : i32 to index
      %get3A_669 = tpu.vector_load %arg7[%get3A_667, %get3A_668] {strides = array<i32>} : memref<32x1024xf32, #tpu.memory_space<vmem>>, vector<1x16xf32>,
      %get3A_670 = vector.shape_cast %get3A_669 : vector<1x16xf32> to vector<16xf32>
      %add3A_671 = arith.addf %add3A_647, %get3A_670 : vector<16xf32>
      %get3A_672 = arith.constant 29 : i32
      %get3A_673 = arith.index_cast %get3A_672 : i32 to index
      %get3A_674 = arith.index_cast %mul3A_498 : i32 to index
      %get3A_675 = tpu.vector_load %arg7[%get3A_673, %get3A_674] {strides = array<i32>} : memref<32x1024xf32, #tpu.memory_space<vmem>>, vector<1x16xf32>,
      %get3A_676 = vector.shape_cast %get3A_675 : vector<1x16xf32> to vector<16xf32>
      %add3A_677 = arith.addf %add3A_653, %get3A_676 : vector<16xf32>
      %get3A_678 = arith.constant 30 : i32
      %get3A_679 = arith.index_cast %get3A_678 : i32 to index
      %get3A_680 = arith.index_cast %mul3A_498 : i32 to index
      %get3A_681 = tpu.vector_load %arg7[%get3A_679, %get3A_680] {strides = array<i32>} : memref<32x1024xf32, #tpu.memory_space<vmem>>, vector<1x16xf32>,
      %get3A_682 = vector.shape_cast %get3A_681 : vector<1x16xf32> to vector<16xf32>
      %add3A_683 = arith.addf %add3A_659, %get3A_682 : vector<16xf32>
      %get3A_684 = arith.constant 31 : i32
      %get3A_685 = arith.index_cast %get3A_684 : i32 to index
      %get3A_686 = arith.index_cast %mul3A_498 : i32 to index
      %get3A_687 = tpu.vector_load %arg7[%get3A_685, %get3A_686] {strides = array<i32>} : memref<32x1024xf32, #tpu.memory_space<vmem>>, vector<1x16xf32>,
      %get3A_688 = vector.shape_cast %get3A_687 : vector<1x16xf32> to vector<16xf32>
      %add3A_689 = arith.addf %add3A_665, %get3A_688 : vector<16xf32>
      %add3A_690 = arith.addf %add3A_671, %add3A_677 : vector<16xf32>
      %add3A_691 = arith.addf %add3A_683, %add3A_689 : vector<16xf32>
      %add3A_692 = arith.addf %add3A_690, %add3A_691 : vector<16xf32>
      %swap3A_693 = arith.constant 0 : i32
      %swap3A_694 = arith.index_cast %swap3A_693 : i32 to index
      %swap3A_695 = arith.index_cast %mul3A_498 : i32 to index
      %swap3A_696 = tpu.vector_load %arg10[%swap3A_694, %swap3A_695] {strides = array<i32>} : memref<1x1024xf32, #tpu.memory_space<vmem>>, vector<1x16xf32>,
      %swap3A_697 = vector.shape_cast %swap3A_696 : vector<1x16xf32> to vector<16xf32>
      %swap3A_698 = vector.shape_cast %add3A_692 : vector<16xf32> to vector<1x16xf32>
      tpu.vector_store %arg10[%swap3A_694, %swap3A_695], %swap3A_698 {add = true, strides = array<i32>} : memref<1x1024xf32, #tpu.memory_space<vmem>>, vector<1x16xf32>,
    }
    %scan3A_417 = arith.constant 64 : i32
    %dma_wait3A_418 = arith.constant 0 : i32
    %dma_wait3A_419 = tpu.memref_slice %arg4[%add3A_406, %dma_wait3A_418] : memref<4096x1024xf32, #tpu.memory_space<hbm>> -> memref<32x1024xf32, #tpu.memory_space<hbm>>
    %dma_wait3A_420 = arith.constant 0 : i32
    %dma_wait3A_421 = tpu.memref_slice %arg4[%add3A_406, %dma_wait3A_420] : memref<4096x1024xf32, #tpu.memory_space<hbm>> -> memref<32x1024xf32, #tpu.memory_space<hbm>>
    tpu.wait_dma2 semaphore(%arg14 : memref<!tpu.dma_semaphore, #tpu.memory_space<semaphore_mem>>) src(%arg7 : memref<32x1024xf32, #tpu.memory_space<vmem>>) dst(%dma_wait3A_421 : memref<32x1024xf32, #tpu.memory_space<hbm>>)
    %dma_start3A_422 = arith.constant 96 : i32
    %dma_start3A_423 = tpu.memref_slice %arg6[%dma_start3A_422] : memref<128xi32, #tpu.memory_space<vmem>> -> memref<32xi32, #tpu.memory_space<vmem>>
    %dma_start3A_424 = arith.constant 0 : i32
    %dma_start3A_425 = arith.constant 0 : i32
    %dma_start3A_426 = tpu.memref_slice %arg3[%dma_start3A_424, %dma_start3A_425] : memref<50257x1024xf32, #tpu.memory_space<hbm>> -> memref<50257x1024xf32, #tpu.memory_space<hbm>>
    tpu.enqueue_indirect_dma source(%dma_start3A_426 : memref<50257x1024xf32, #tpu.memory_space<hbm>>) target(%arg7 : memref<32x1024xf32, #tpu.memory_space<vmem>>) offsets(%dma_start3A_423 : memref<32xi32, #tpu.memory_space<vmem>>) semaphore(%arg11 : memref<!tpu.dma_semaphore, #tpu.memory_space<semaphore_mem>>)
    %dma_wait3A_427 = arith.constant 32 : i32
    %dma_wait3A_428 = tpu.memref_slice %arg6[%dma_wait3A_427] : memref<128xi32, #tpu.memory_space<vmem>> -> memref<32xi32, #tpu.memory_space<vmem>>
    %dma_wait3A_429 = arith.constant 0 : i32
    %dma_wait3A_430 = arith.constant 0 : i32
    %dma_wait3A_431 = tpu.memref_slice %arg3[%dma_wait3A_429, %dma_wait3A_430] : memref<50257x1024xf32, #tpu.memory_space<hbm>> -> memref<50257x1024xf32, #tpu.memory_space<hbm>>
    tpu.wait_indirect_dma semaphore(%arg12 : memref<!tpu.dma_semaphore, #tpu.memory_space<semaphore_mem>>) src(%dma_wait3A_431 : memref<50257x1024xf32, #tpu.memory_space<hbm>>) dst(%arg8 : memref<32x1024xf32, #tpu.memory_space<vmem>>)
    %add3A_432 = arith.constant 32 : i32
    %add3A_433 = arith.addi %mul3A_2, %add3A_432 : i32
    %dma_start3A_434 = arith.constant 0 : i32
    %dma_start3A_435 = tpu.memref_slice %arg4[%add3A_433, %dma_start3A_434] : memref<4096x1024xf32, #tpu.memory_space<hbm>> -> memref<32x1024xf32, #tpu.memory_space<hbm>>
    %dma_start3A_436 = arith.constant 0 : i32
    %dma_start3A_437 = tpu.memref_slice %arg4[%add3A_433, %dma_start3A_436] : memref<4096x1024xf32, #tpu.memory_space<hbm>> -> memref<32x1024xf32, #tpu.memory_space<hbm>>
    tpu.enqueue_dma source(%arg8 : memref<32x1024xf32, #tpu.memory_space<vmem>>) target(%dma_start3A_437 : memref<32x1024xf32, #tpu.memory_space<hbm>>) target_semaphore(%arg15 : memref<!tpu.dma_semaphore, #tpu.memory_space<semaphore_mem>>)
    %broadcast_in_dim3A_438 = arith.constant 0.000000e+00 : f32
    %broadcast_in_dim3A_439 = vector.broadcast %broadcast_in_dim3A_438 : f32 to vector<16xf32>
    %scan3A_440 = arith.constant 0 : i32
    %scan3A_441 = arith.constant 0 : i32
    %scan3A_442 = arith.constant 64 : i32
    %scan3A_443 = arith.addi %scan3A_441, %scan3A_442 : i32
    %scan3A_444 = arith.constant 1 : i32
    scf.for %scan3A_496 = %scan3A_441 to %scan3A_443 step %scan3A_444  : i32 {
      %mul3A_497 = arith.constant 16 : i32
      %mul3A_498 = arith.muli %mul3A_497, %scan3A_496 : i32
      %get3A = arith.constant 0 : i32
      %get3A_499 = arith.index_cast %get3A : i32 to index
      %get3A_500 = arith.index_cast %mul3A_498 : i32 to index
      %get3A_501 = tpu.vector_load %arg8[%get3A_499, %get3A_500] {strides = array<i32>} : memref<32x1024xf32, #tpu.memory_space<vmem>>, vector<1x16xf32>,
      %get3A_502 = vector.shape_cast %get3A_501 : vector<1x16xf32> to vector<16xf32>
      %add3A_503 = arith.addf %broadcast_in_dim3A_439, %get3A_502 : vector<16xf32>
      %get3A_504 = arith.constant 1 : i32
      %get3A_505 = arith.index_cast %get3A_504 : i32 to index
      %get3A_506 = arith.index_cast %mul3A_498 : i32 to index
      %get3A_507 = tpu.vector_load %arg8[%get3A_505, %get3A_506] {strides = array<i32>} : memref<32x1024xf32, #tpu.memory_space<vmem>>, vector<1x16xf32>,
      %get3A_508 = vector.shape_cast %get3A_507 : vector<1x16xf32> to vector<16xf32>
      %add3A_509 = arith.addf %broadcast_in_dim3A_439, %get3A_508 : vector<16xf32>
      %get3A_510 = arith.constant 2 : i32
      %get3A_511 = arith.index_cast %get3A_510 : i32 to index
      %get3A_512 = arith.index_cast %mul3A_498 : i32 to index
      %get3A_513 = tpu.vector_load %arg8[%get3A_511, %get3A_512] {strides = array<i32>} : memref<32x1024xf32, #tpu.memory_space<vmem>>, vector<1x16xf32>,
      %get3A_514 = vector.shape_cast %get3A_513 : vector<1x16xf32> to vector<16xf32>
      %add3A_515 = arith.addf %broadcast_in_dim3A_439, %get3A_514 : vector<16xf32>
      %get3A_516 = arith.constant 3 : i32
      %get3A_517 = arith.index_cast %get3A_516 : i32 to index
      %get3A_518 = arith.index_cast %mul3A_498 : i32 to index
      %get3A_519 = tpu.vector_load %arg8[%get3A_517, %get3A_518] {strides = array<i32>} : memref<32x1024xf32, #tpu.memory_space<vmem>>, vector<1x16xf32>,
      %get3A_520 = vector.shape_cast %get3A_519 : vector<1x16xf32> to vector<16xf32>
      %add3A_521 = arith.addf %broadcast_in_dim3A_439, %get3A_520 : vector<16xf32>
      %get3A_522 = arith.constant 4 : i32
      %get3A_523 = arith.index_cast %get3A_522 : i32 to index
      %get3A_524 = arith.index_cast %mul3A_498 : i32 to index
      %get3A_525 = tpu.vector_load %arg8[%get3A_523, %get3A_524] {strides = array<i32>} : memref<32x1024xf32, #tpu.memory_space<vmem>>, vector<1x16xf32>,
      %get3A_526 = vector.shape_cast %get3A_525 : vector<1x16xf32> to vector<16xf32>
      %add3A_527 = arith.addf %add3A_503, %get3A_526 : vector<16xf32>
      %get3A_528 = arith.constant 5 : i32
      %get3A_529 = arith.index_cast %get3A_528 : i32 to index
      %get3A_530 = arith.index_cast %mul3A_498 : i32 to index
      %get3A_531 = tpu.vector_load %arg8[%get3A_529, %get3A_530] {strides = array<i32>} : memref<32x1024xf32, #tpu.memory_space<vmem>>, vector<1x16xf32>,
      %get3A_532 = vector.shape_cast %get3A_531 : vector<1x16xf32> to vector<16xf32>
      %add3A_533 = arith.addf %add3A_509, %get3A_532 : vector<16xf32>
      %get3A_534 = arith.constant 6 : i32
      %get3A_535 = arith.index_cast %get3A_534 : i32 to index
      %get3A_536 = arith.index_cast %mul3A_498 : i32 to index
      %get3A_537 = tpu.vector_load %arg8[%get3A_535, %get3A_536] {strides = array<i32>} : memref<32x1024xf32, #tpu.memory_space<vmem>>, vector<1x16xf32>,
      %get3A_538 = vector.shape_cast %get3A_537 : vector<1x16xf32> to vector<16xf32>
      %add3A_539 = arith.addf %add3A_515, %get3A_538 : vector<16xf32>
      %get3A_540 = arith.constant 7 : i32
      %get3A_541 = arith.index_cast %get3A_540 : i32 to index
      %get3A_542 = arith.index_cast %mul3A_498 : i32 to index
      %get3A_543 = tpu.vector_load %arg8[%get3A_541, %get3A_542] {strides = array<i32>} : memref<32x1024xf32, #tpu.memory_space<vmem>>, vector<1x16xf32>,
      %get3A_544 = vector.shape_cast %get3A_543 : vector<1x16xf32> to vector<16xf32>
      %add3A_545 = arith.addf %add3A_521, %get3A_544 : vector<16xf32>
      %get3A_546 = arith.constant 8 : i32
      %get3A_547 = arith.index_cast %get3A_546 : i32 to index
      %get3A_548 = arith.index_cast %mul3A_498 : i32 to index
      %get3A_549 = tpu.vector_load %arg8[%get3A_547, %get3A_548] {strides = array<i32>} : memref<32x1024xf32, #tpu.memory_space<vmem>>, vector<1x16xf32>,
      %get3A_550 = vector.shape_cast %get3A_549 : vector<1x16xf32> to vector<16xf32>
      %add3A_551 = arith.addf %add3A_527, %get3A_550 : vector<16xf32>
      %get3A_552 = arith.constant 9 : i32
      %get3A_553 = arith.index_cast %get3A_552 : i32 to index
      %get3A_554 = arith.index_cast %mul3A_498 : i32 to index
      %get3A_555 = tpu.vector_load %arg8[%get3A_553, %get3A_554] {strides = array<i32>} : memref<32x1024xf32, #tpu.memory_space<vmem>>, vector<1x16xf32>,
      %get3A_556 = vector.shape_cast %get3A_555 : vector<1x16xf32> to vector<16xf32>
      %add3A_557 = arith.addf %add3A_533, %get3A_556 : vector<16xf32>
      %get3A_558 = arith.constant 10 : i32
      %get3A_559 = arith.index_cast %get3A_558 : i32 to index
      %get3A_560 = arith.index_cast %mul3A_498 : i32 to index
      %get3A_561 = tpu.vector_load %arg8[%get3A_559, %get3A_560] {strides = array<i32>} : memref<32x1024xf32, #tpu.memory_space<vmem>>, vector<1x16xf32>,
      %get3A_562 = vector.shape_cast %get3A_561 : vector<1x16xf32> to vector<16xf32>
      %add3A_563 = arith.addf %add3A_539, %get3A_562 : vector<16xf32>
      %get3A_564 = arith.constant 11 : i32
      %get3A_565 = arith.index_cast %get3A_564 : i32 to index
      %get3A_566 = arith.index_cast %mul3A_498 : i32 to index
      %get3A_567 = tpu.vector_load %arg8[%get3A_565, %get3A_566] {strides = array<i32>} : memref<32x1024xf32, #tpu.memory_space<vmem>>, vector<1x16xf32>,
      %get3A_568 = vector.shape_cast %get3A_567 : vector<1x16xf32> to vector<16xf32>
      %add3A_569 = arith.addf %add3A_545, %get3A_568 : vector<16xf32>
      %get3A_570 = arith.constant 12 : i32
      %get3A_571 = arith.index_cast %get3A_570 : i32 to index
      %get3A_572 = arith.index_cast %mul3A_498 : i32 to index
      %get3A_573 = tpu.vector_load %arg8[%get3A_571, %get3A_572] {strides = array<i32>} : memref<32x1024xf32, #tpu.memory_space<vmem>>, vector<1x16xf32>,
      %get3A_574 = vector.shape_cast %get3A_573 : vector<1x16xf32> to vector<16xf32>
      %add3A_575 = arith.addf %add3A_551, %get3A_574 : vector<16xf32>
      %get3A_576 = arith.constant 13 : i32
      %get3A_577 = arith.index_cast %get3A_576 : i32 to index
      %get3A_578 = arith.index_cast %mul3A_498 : i32 to index
      %get3A_579 = tpu.vector_load %arg8[%get3A_577, %get3A_578] {strides = array<i32>} : memref<32x1024xf32, #tpu.memory_space<vmem>>, vector<1x16xf32>,
      %get3A_580 = vector.shape_cast %get3A_579 : vector<1x16xf32> to vector<16xf32>
      %add3A_581 = arith.addf %add3A_557, %get3A_580 : vector<16xf32>
      %get3A_582 = arith.constant 14 : i32
      %get3A_583 = arith.index_cast %get3A_582 : i32 to index
      %get3A_584 = arith.index_cast %mul3A_498 : i32 to index
      %get3A_585 = tpu.vector_load %arg8[%get3A_583, %get3A_584] {strides = array<i32>} : memref<32x1024xf32, #tpu.memory_space<vmem>>, vector<1x16xf32>,
      %get3A_586 = vector.shape_cast %get3A_585 : vector<1x16xf32> to vector<16xf32>
      %add3A_587 = arith.addf %add3A_563, %get3A_586 : vector<16xf32>
      %get3A_588 = arith.constant 15 : i32
      %get3A_589 = arith.index_cast %get3A_588 : i32 to index
      %get3A_590 = arith.index_cast %mul3A_498 : i32 to index
      %get3A_591 = tpu.vector_load %arg8[%get3A_589, %get3A_590] {strides = array<i32>} : memref<32x1024xf32, #tpu.memory_space<vmem>>, vector<1x16xf32>,
      %get3A_592 = vector.shape_cast %get3A_591 : vector<1x16xf32> to vector<16xf32>
      %add3A_593 = arith.addf %add3A_569, %get3A_592 : vector<16xf32>
      %get3A_594 = arith.constant 16 : i32
      %get3A_595 = arith.index_cast %get3A_594 : i32 to index
      %get3A_596 = arith.index_cast %mul3A_498 : i32 to index
      %get3A_597 = tpu.vector_load %arg8[%get3A_595, %get3A_596] {strides = array<i32>} : memref<32x1024xf32, #tpu.memory_space<vmem>>, vector<1x16xf32>,
      %get3A_598 = vector.shape_cast %get3A_597 : vector<1x16xf32> to vector<16xf32>
      %add3A_599 = arith.addf %add3A_575, %get3A_598 : vector<16xf32>
      %get3A_600 = arith.constant 17 : i32
      %get3A_601 = arith.index_cast %get3A_600 : i32 to index
      %get3A_602 = arith.index_cast %mul3A_498 : i32 to index
      %get3A_603 = tpu.vector_load %arg8[%get3A_601, %get3A_602] {strides = array<i32>} : memref<32x1024xf32, #tpu.memory_space<vmem>>, vector<1x16xf32>,
      %get3A_604 = vector.shape_cast %get3A_603 : vector<1x16xf32> to vector<16xf32>
      %add3A_605 = arith.addf %add3A_581, %get3A_604 : vector<16xf32>
      %get3A_606 = arith.constant 18 : i32
      %get3A_607 = arith.index_cast %get3A_606 : i32 to index
      %get3A_608 = arith.index_cast %mul3A_498 : i32 to index
      %get3A_609 = tpu.vector_load %arg8[%get3A_607, %get3A_608] {strides = array<i32>} : memref<32x1024xf32, #tpu.memory_space<vmem>>, vector<1x16xf32>,
      %get3A_610 = vector.shape_cast %get3A_609 : vector<1x16xf32> to vector<16xf32>
      %add3A_611 = arith.addf %add3A_587, %get3A_610 : vector<16xf32>
      %get3A_612 = arith.constant 19 : i32
      %get3A_613 = arith.index_cast %get3A_612 : i32 to index
      %get3A_614 = arith.index_cast %mul3A_498 : i32 to index
      %get3A_615 = tpu.vector_load %arg8[%get3A_613, %get3A_614] {strides = array<i32>} : memref<32x1024xf32, #tpu.memory_space<vmem>>, vector<1x16xf32>,
      %get3A_616 = vector.shape_cast %get3A_615 : vector<1x16xf32> to vector<16xf32>
      %add3A_617 = arith.addf %add3A_593, %get3A_616 : vector<16xf32>
      %get3A_618 = arith.constant 20 : i32
      %get3A_619 = arith.index_cast %get3A_618 : i32 to index
      %get3A_620 = arith.index_cast %mul3A_498 : i32 to index
      %get3A_621 = tpu.vector_load %arg8[%get3A_619, %get3A_620] {strides = array<i32>} : memref<32x1024xf32, #tpu.memory_space<vmem>>, vector<1x16xf32>,
      %get3A_622 = vector.shape_cast %get3A_621 : vector<1x16xf32> to vector<16xf32>
      %add3A_623 = arith.addf %add3A_599, %get3A_622 : vector<16xf32>
      %get3A_624 = arith.constant 21 : i32
      %get3A_625 = arith.index_cast %get3A_624 : i32 to index
      %get3A_626 = arith.index_cast %mul3A_498 : i32 to index
      %get3A_627 = tpu.vector_load %arg8[%get3A_625, %get3A_626] {strides = array<i32>} : memref<32x1024xf32, #tpu.memory_space<vmem>>, vector<1x16xf32>,
      %get3A_628 = vector.shape_cast %get3A_627 : vector<1x16xf32> to vector<16xf32>
      %add3A_629 = arith.addf %add3A_605, %get3A_628 : vector<16xf32>
      %get3A_630 = arith.constant 22 : i32
      %get3A_631 = arith.index_cast %get3A_630 : i32 to index
      %get3A_632 = arith.index_cast %mul3A_498 : i32 to index
      %get3A_633 = tpu.vector_load %arg8[%get3A_631, %get3A_632] {strides = array<i32>} : memref<32x1024xf32, #tpu.memory_space<vmem>>, vector<1x16xf32>,
      %get3A_634 = vector.shape_cast %get3A_633 : vector<1x16xf32> to vector<16xf32>
      %add3A_635 = arith.addf %add3A_611, %get3A_634 : vector<16xf32>
      %get3A_636 = arith.constant 23 : i32
      %get3A_637 = arith.index_cast %get3A_636 : i32 to index
      %get3A_638 = arith.index_cast %mul3A_498 : i32 to index
      %get3A_639 = tpu.vector_load %arg8[%get3A_637, %get3A_638] {strides = array<i32>} : memref<32x1024xf32, #tpu.memory_space<vmem>>, vector<1x16xf32>,
      %get3A_640 = vector.shape_cast %get3A_639 : vector<1x16xf32> to vector<16xf32>
      %add3A_641 = arith.addf %add3A_617, %get3A_640 : vector<16xf32>
      %get3A_642 = arith.constant 24 : i32
      %get3A_643 = arith.index_cast %get3A_642 : i32 to index
      %get3A_644 = arith.index_cast %mul3A_498 : i32 to index
      %get3A_645 = tpu.vector_load %arg8[%get3A_643, %get3A_644] {strides = array<i32>} : memref<32x1024xf32, #tpu.memory_space<vmem>>, vector<1x16xf32>,
      %get3A_646 = vector.shape_cast %get3A_645 : vector<1x16xf32> to vector<16xf32>
      %add3A_647 = arith.addf %add3A_623, %get3A_646 : vector<16xf32>
      %get3A_648 = arith.constant 25 : i32
      %get3A_649 = arith.index_cast %get3A_648 : i32 to index
      %get3A_650 = arith.index_cast %mul3A_498 : i32 to index
      %get3A_651 = tpu.vector_load %arg8[%get3A_649, %get3A_650] {strides = array<i32>} : memref<32x1024xf32, #tpu.memory_space<vmem>>, vector<1x16xf32>,
      %get3A_652 = vector.shape_cast %get3A_651 : vector<1x16xf32> to vector<16xf32>
      %add3A_653 = arith.addf %add3A_629, %get3A_652 : vector<16xf32>
      %get3A_654 = arith.constant 26 : i32
      %get3A_655 = arith.index_cast %get3A_654 : i32 to index
      %get3A_656 = arith.index_cast %mul3A_498 : i32 to index
      %get3A_657 = tpu.vector_load %arg8[%get3A_655, %get3A_656] {strides = array<i32>} : memref<32x1024xf32, #tpu.memory_space<vmem>>, vector<1x16xf32>,
      %get3A_658 = vector.shape_cast %get3A_657 : vector<1x16xf32> to vector<16xf32>
      %add3A_659 = arith.addf %add3A_635, %get3A_658 : vector<16xf32>
      %get3A_660 = arith.constant 27 : i32
      %get3A_661 = arith.index_cast %get3A_660 : i32 to index
      %get3A_662 = arith.index_cast %mul3A_498 : i32 to index
      %get3A_663 = tpu.vector_load %arg8[%get3A_661, %get3A_662] {strides = array<i32>} : memref<32x1024xf32, #tpu.memory_space<vmem>>, vector<1x16xf32>,
      %get3A_664 = vector.shape_cast %get3A_663 : vector<1x16xf32> to vector<16xf32>
      %add3A_665 = arith.addf %add3A_641, %get3A_664 : vector<16xf32>
      %get3A_666 = arith.constant 28 : i32
      %get3A_667 = arith.index_cast %get3A_666 : i32 to index
      %get3A_668 = arith.index_cast %mul3A_498 : i32 to index
      %get3A_669 = tpu.vector_load %arg8[%get3A_667, %get3A_668] {strides = array<i32>} : memref<32x1024xf32, #tpu.memory_space<vmem>>, vector<1x16xf32>,
      %get3A_670 = vector.shape_cast %get3A_669 : vector<1x16xf32> to vector<16xf32>
      %add3A_671 = arith.addf %add3A_647, %get3A_670 : vector<16xf32>
      %get3A_672 = arith.constant 29 : i32
      %get3A_673 = arith.index_cast %get3A_672 : i32 to index
      %get3A_674 = arith.index_cast %mul3A_498 : i32 to index
      %get3A_675 = tpu.vector_load %arg8[%get3A_673, %get3A_674] {strides = array<i32>} : memref<32x1024xf32, #tpu.memory_space<vmem>>, vector<1x16xf32>,
      %get3A_676 = vector.shape_cast %get3A_675 : vector<1x16xf32> to vector<16xf32>
      %add3A_677 = arith.addf %add3A_653, %get3A_676 : vector<16xf32>
      %get3A_678 = arith.constant 30 : i32
      %get3A_679 = arith.index_cast %get3A_678 : i32 to index
      %get3A_680 = arith.index_cast %mul3A_498 : i32 to index
      %get3A_681 = tpu.vector_load %arg8[%get3A_679, %get3A_680] {strides = array<i32>} : memref<32x1024xf32, #tpu.memory_space<vmem>>, vector<1x16xf32>,
      %get3A_682 = vector.shape_cast %get3A_681 : vector<1x16xf32> to vector<16xf32>
      %add3A_683 = arith.addf %add3A_659, %get3A_682 : vector<16xf32>
      %get3A_684 = arith.constant 31 : i32
      %get3A_685 = arith.index_cast %get3A_684 : i32 to index
      %get3A_686 = arith.index_cast %mul3A_498 : i32 to index
      %get3A_687 = tpu.vector_load %arg8[%get3A_685, %get3A_686] {strides = array<i32>} : memref<32x1024xf32, #tpu.memory_space<vmem>>, vector<1x16xf32>,
      %get3A_688 = vector.shape_cast %get3A_687 : vector<1x16xf32> to vector<16xf32>
      %add3A_689 = arith.addf %add3A_665, %get3A_688 : vector<16xf32>
      %add3A_690 = arith.addf %add3A_671, %add3A_677 : vector<16xf32>
      %add3A_691 = arith.addf %add3A_683, %add3A_689 : vector<16xf32>
      %add3A_692 = arith.addf %add3A_690, %add3A_691 : vector<16xf32>
      %swap3A_693 = arith.constant 0 : i32
      %swap3A_694 = arith.index_cast %swap3A_693 : i32 to index
      %swap3A_695 = arith.index_cast %mul3A_498 : i32 to index
      %swap3A_696 = tpu.vector_load %arg10[%swap3A_694, %swap3A_695] {strides = array<i32>} : memref<1x1024xf32, #tpu.memory_space<vmem>>, vector<1x16xf32>,
      %swap3A_697 = vector.shape_cast %swap3A_696 : vector<1x16xf32> to vector<16xf32>
      %swap3A_698 = vector.shape_cast %add3A_692 : vector<16xf32> to vector<1x16xf32>
      tpu.vector_store %arg10[%swap3A_694, %swap3A_695], %swap3A_698 {add = true, strides = array<i32>} : memref<1x1024xf32, #tpu.memory_space<vmem>>, vector<1x16xf32>,
    }
    %scan3A_445 = arith.constant 64 : i32
    %dma_wait3A_446 = arith.constant 64 : i32
    %dma_wait3A_447 = tpu.memref_slice %arg6[%dma_wait3A_446] : memref<128xi32, #tpu.memory_space<vmem>> -> memref<32xi32, #tpu.memory_space<vmem>>
    %dma_wait3A_448 = arith.constant 0 : i32
    %dma_wait3A_449 = arith.constant 0 : i32
    %dma_wait3A_450 = tpu.memref_slice %arg3[%dma_wait3A_448, %dma_wait3A_449] : memref<50257x1024xf32, #tpu.memory_space<hbm>> -> memref<50257x1024xf32, #tpu.memory_space<hbm>>
    tpu.wait_indirect_dma semaphore(%arg13 : memref<!tpu.dma_semaphore, #tpu.memory_space<semaphore_mem>>) src(%dma_wait3A_450 : memref<50257x1024xf32, #tpu.memory_space<hbm>>) dst(%arg9 : memref<32x1024xf32, #tpu.memory_space<vmem>>)
    %add3A_451 = arith.constant 64 : i32
    %add3A_452 = arith.addi %mul3A_2, %add3A_451 : i32
    %dma_start3A_453 = arith.constant 0 : i32
    %dma_start3A_454 = tpu.memref_slice %arg4[%add3A_452, %dma_start3A_453] : memref<4096x1024xf32, #tpu.memory_space<hbm>> -> memref<32x1024xf32, #tpu.memory_space<hbm>>
    %dma_start3A_455 = arith.constant 0 : i32
    %dma_start3A_456 = tpu.memref_slice %arg4[%add3A_452, %dma_start3A_455] : memref<4096x1024xf32, #tpu.memory_space<hbm>> -> memref<32x1024xf32, #tpu.memory_space<hbm>>
    tpu.enqueue_dma source(%arg9 : memref<32x1024xf32, #tpu.memory_space<vmem>>) target(%dma_start3A_456 : memref<32x1024xf32, #tpu.memory_space<hbm>>) target_semaphore(%arg16 : memref<!tpu.dma_semaphore, #tpu.memory_space<semaphore_mem>>)
    %broadcast_in_dim3A_457 = arith.constant 0.000000e+00 : f32
    %broadcast_in_dim3A_458 = vector.broadcast %broadcast_in_dim3A_457 : f32 to vector<16xf32>
    %scan3A_459 = arith.constant 0 : i32
    %scan3A_460 = arith.constant 0 : i32
    %scan3A_461 = arith.constant 64 : i32
    %scan3A_462 = arith.addi %scan3A_460, %scan3A_461 : i32
    %scan3A_463 = arith.constant 1 : i32
    scf.for %scan3A_496 = %scan3A_460 to %scan3A_462 step %scan3A_463  : i32 {
      %mul3A_497 = arith.constant 16 : i32
      %mul3A_498 = arith.muli %mul3A_497, %scan3A_496 : i32
      %get3A = arith.constant 0 : i32
      %get3A_499 = arith.index_cast %get3A : i32 to index
      %get3A_500 = arith.index_cast %mul3A_498 : i32 to index
      %get3A_501 = tpu.vector_load %arg9[%get3A_499, %get3A_500] {strides = array<i32>} : memref<32x1024xf32, #tpu.memory_space<vmem>>, vector<1x16xf32>,
      %get3A_502 = vector.shape_cast %get3A_501 : vector<1x16xf32> to vector<16xf32>
      %add3A_503 = arith.addf %broadcast_in_dim3A_458, %get3A_502 : vector<16xf32>
      %get3A_504 = arith.constant 1 : i32
      %get3A_505 = arith.index_cast %get3A_504 : i32 to index
      %get3A_506 = arith.index_cast %mul3A_498 : i32 to index
      %get3A_507 = tpu.vector_load %arg9[%get3A_505, %get3A_506] {strides = array<i32>} : memref<32x1024xf32, #tpu.memory_space<vmem>>, vector<1x16xf32>,
      %get3A_508 = vector.shape_cast %get3A_507 : vector<1x16xf32> to vector<16xf32>
      %add3A_509 = arith.addf %broadcast_in_dim3A_458, %get3A_508 : vector<16xf32>
      %get3A_510 = arith.constant 2 : i32
      %get3A_511 = arith.index_cast %get3A_510 : i32 to index
      %get3A_512 = arith.index_cast %mul3A_498 : i32 to index
      %get3A_513 = tpu.vector_load %arg9[%get3A_511, %get3A_512] {strides = array<i32>} : memref<32x1024xf32, #tpu.memory_space<vmem>>, vector<1x16xf32>,
      %get3A_514 = vector.shape_cast %get3A_513 : vector<1x16xf32> to vector<16xf32>
      %add3A_515 = arith.addf %broadcast_in_dim3A_458, %get3A_514 : vector<16xf32>
      %get3A_516 = arith.constant 3 : i32
      %get3A_517 = arith.index_cast %get3A_516 : i32 to index
      %get3A_518 = arith.index_cast %mul3A_498 : i32 to index
      %get3A_519 = tpu.vector_load %arg9[%get3A_517, %get3A_518] {strides = array<i32>} : memref<32x1024xf32, #tpu.memory_space<vmem>>, vector<1x16xf32>,
      %get3A_520 = vector.shape_cast %get3A_519 : vector<1x16xf32> to vector<16xf32>
      %add3A_521 = arith.addf %broadcast_in_dim3A_458, %get3A_520 : vector<16xf32>
      %get3A_522 = arith.constant 4 : i32
      %get3A_523 = arith.index_cast %get3A_522 : i32 to index
      %get3A_524 = arith.index_cast %mul3A_498 : i32 to index
      %get3A_525 = tpu.vector_load %arg9[%get3A_523, %get3A_524] {strides = array<i32>} : memref<32x1024xf32, #tpu.memory_space<vmem>>, vector<1x16xf32>,
      %get3A_526 = vector.shape_cast %get3A_525 : vector<1x16xf32> to vector<16xf32>
      %add3A_527 = arith.addf %add3A_503, %get3A_526 : vector<16xf32>
      %get3A_528 = arith.constant 5 : i32
      %get3A_529 = arith.index_cast %get3A_528 : i32 to index
      %get3A_530 = arith.index_cast %mul3A_498 : i32 to index
      %get3A_531 = tpu.vector_load %arg9[%get3A_529, %get3A_530] {strides = array<i32>} : memref<32x1024xf32, #tpu.memory_space<vmem>>, vector<1x16xf32>,
      %get3A_532 = vector.shape_cast %get3A_531 : vector<1x16xf32> to vector<16xf32>
      %add3A_533 = arith.addf %add3A_509, %get3A_532 : vector<16xf32>
      %get3A_534 = arith.constant 6 : i32
      %get3A_535 = arith.index_cast %get3A_534 : i32 to index
      %get3A_536 = arith.index_cast %mul3A_498 : i32 to index
      %get3A_537 = tpu.vector_load %arg9[%get3A_535, %get3A_536] {strides = array<i32>} : memref<32x1024xf32, #tpu.memory_space<vmem>>, vector<1x16xf32>,
      %get3A_538 = vector.shape_cast %get3A_537 : vector<1x16xf32> to vector<16xf32>
      %add3A_539 = arith.addf %add3A_515, %get3A_538 : vector<16xf32>
      %get3A_540 = arith.constant 7 : i32
      %get3A_541 = arith.index_cast %get3A_540 : i32 to index
      %get3A_542 = arith.index_cast %mul3A_498 : i32 to index
      %get3A_543 = tpu.vector_load %arg9[%get3A_541, %get3A_542] {strides = array<i32>} : memref<32x1024xf32, #tpu.memory_space<vmem>>, vector<1x16xf32>,
      %get3A_544 = vector.shape_cast %get3A_543 : vector<1x16xf32> to vector<16xf32>
      %add3A_545 = arith.addf %add3A_521, %get3A_544 : vector<16xf32>
      %get3A_546 = arith.constant 8 : i32
      %get3A_547 = arith.index_cast %get3A_546 : i32 to index
      %get3A_548 = arith.index_cast %mul3A_498 : i32 to index
      %get3A_549 = tpu.vector_load %arg9[%get3A_547, %get3A_548] {strides = array<i32>} : memref<32x1024xf32, #tpu.memory_space<vmem>>, vector<1x16xf32>,
      %get3A_550 = vector.shape_cast %get3A_549 : vector<1x16xf32> to vector<16xf32>
      %add3A_551 = arith.addf %add3A_527, %get3A_550 : vector<16xf32>
      %get3A_552 = arith.constant 9 : i32
      %get3A_553 = arith.index_cast %get3A_552 : i32 to index
      %get3A_554 = arith.index_cast %mul3A_498 : i32 to index
      %get3A_555 = tpu.vector_load %arg9[%get3A_553, %get3A_554] {strides = array<i32>} : memref<32x1024xf32, #tpu.memory_space<vmem>>, vector<1x16xf32>,
      %get3A_556 = vector.shape_cast %get3A_555 : vector<1x16xf32> to vector<16xf32>
      %add3A_557 = arith.addf %add3A_533, %get3A_556 : vector<16xf32>
      %get3A_558 = arith.constant 10 : i32
      %get3A_559 = arith.index_cast %get3A_558 : i32 to index
      %get3A_560 = arith.index_cast %mul3A_498 : i32 to index
      %get3A_561 = tpu.vector_load %arg9[%get3A_559, %get3A_560] {strides = array<i32>} : memref<32x1024xf32, #tpu.memory_space<vmem>>, vector<1x16xf32>,
      %get3A_562 = vector.shape_cast %get3A_561 : vector<1x16xf32> to vector<16xf32>
      %add3A_563 = arith.addf %add3A_539, %get3A_562 : vector<16xf32>
      %get3A_564 = arith.constant 11 : i32
      %get3A_565 = arith.index_cast %get3A_564 : i32 to index
      %get3A_566 = arith.index_cast %mul3A_498 : i32 to index
      %get3A_567 = tpu.vector_load %arg9[%get3A_565, %get3A_566] {strides = array<i32>} : memref<32x1024xf32, #tpu.memory_space<vmem>>, vector<1x16xf32>,
      %get3A_568 = vector.shape_cast %get3A_567 : vector<1x16xf32> to vector<16xf32>
      %add3A_569 = arith.addf %add3A_545, %get3A_568 : vector<16xf32>
      %get3A_570 = arith.constant 12 : i32
      %get3A_571 = arith.index_cast %get3A_570 : i32 to index
      %get3A_572 = arith.index_cast %mul3A_498 : i32 to index
      %get3A_573 = tpu.vector_load %arg9[%get3A_571, %get3A_572] {strides = array<i32>} : memref<32x1024xf32, #tpu.memory_space<vmem>>, vector<1x16xf32>,
      %get3A_574 = vector.shape_cast %get3A_573 : vector<1x16xf32> to vector<16xf32>
      %add3A_575 = arith.addf %add3A_551, %get3A_574 : vector<16xf32>
      %get3A_576 = arith.constant 13 : i32
      %get3A_577 = arith.index_cast %get3A_576 : i32 to index
      %get3A_578 = arith.index_cast %mul3A_498 : i32 to index
      %get3A_579 = tpu.vector_load %arg9[%get3A_577, %get3A_578] {strides = array<i32>} : memref<32x1024xf32, #tpu.memory_space<vmem>>, vector<1x16xf32>,
      %get3A_580 = vector.shape_cast %get3A_579 : vector<1x16xf32> to vector<16xf32>
      %add3A_581 = arith.addf %add3A_557, %get3A_580 : vector<16xf32>
      %get3A_582 = arith.constant 14 : i32
      %get3A_583 = arith.index_cast %get3A_582 : i32 to index
      %get3A_584 = arith.index_cast %mul3A_498 : i32 to index
      %get3A_585 = tpu.vector_load %arg9[%get3A_583, %get3A_584] {strides = array<i32>} : memref<32x1024xf32, #tpu.memory_space<vmem>>, vector<1x16xf32>,
      %get3A_586 = vector.shape_cast %get3A_585 : vector<1x16xf32> to vector<16xf32>
      %add3A_587 = arith.addf %add3A_563, %get3A_586 : vector<16xf32>
      %get3A_588 = arith.constant 15 : i32
      %get3A_589 = arith.index_cast %get3A_588 : i32 to index
      %get3A_590 = arith.index_cast %mul3A_498 : i32 to index
      %get3A_591 = tpu.vector_load %arg9[%get3A_589, %get3A_590] {strides = array<i32>} : memref<32x1024xf32, #tpu.memory_space<vmem>>, vector<1x16xf32>,
      %get3A_592 = vector.shape_cast %get3A_591 : vector<1x16xf32> to vector<16xf32>
      %add3A_593 = arith.addf %add3A_569, %get3A_592 : vector<16xf32>
      %get3A_594 = arith.constant 16 : i32
      %get3A_595 = arith.index_cast %get3A_594 : i32 to index
      %get3A_596 = arith.index_cast %mul3A_498 : i32 to index
      %get3A_597 = tpu.vector_load %arg9[%get3A_595, %get3A_596] {strides = array<i32>} : memref<32x1024xf32, #tpu.memory_space<vmem>>, vector<1x16xf32>,
      %get3A_598 = vector.shape_cast %get3A_597 : vector<1x16xf32> to vector<16xf32>
      %add3A_599 = arith.addf %add3A_575, %get3A_598 : vector<16xf32>
      %get3A_600 = arith.constant 17 : i32
      %get3A_601 = arith.index_cast %get3A_600 : i32 to index
      %get3A_602 = arith.index_cast %mul3A_498 : i32 to index
      %get3A_603 = tpu.vector_load %arg9[%get3A_601, %get3A_602] {strides = array<i32>} : memref<32x1024xf32, #tpu.memory_space<vmem>>, vector<1x16xf32>,
      %get3A_604 = vector.shape_cast %get3A_603 : vector<1x16xf32> to vector<16xf32>
      %add3A_605 = arith.addf %add3A_581, %get3A_604 : vector<16xf32>
      %get3A_606 = arith.constant 18 : i32
      %get3A_607 = arith.index_cast %get3A_606 : i32 to index
      %get3A_608 = arith.index_cast %mul3A_498 : i32 to index
      %get3A_609 = tpu.vector_load %arg9[%get3A_607, %get3A_608] {strides = array<i32>} : memref<32x1024xf32, #tpu.memory_space<vmem>>, vector<1x16xf32>,
      %get3A_610 = vector.shape_cast %get3A_609 : vector<1x16xf32> to vector<16xf32>
      %add3A_611 = arith.addf %add3A_587, %get3A_610 : vector<16xf32>
      %get3A_612 = arith.constant 19 : i32
      %get3A_613 = arith.index_cast %get3A_612 : i32 to index
      %get3A_614 = arith.index_cast %mul3A_498 : i32 to index
      %get3A_615 = tpu.vector_load %arg9[%get3A_613, %get3A_614] {strides = array<i32>} : memref<32x1024xf32, #tpu.memory_space<vmem>>, vector<1x16xf32>,
      %get3A_616 = vector.shape_cast %get3A_615 : vector<1x16xf32> to vector<16xf32>
      %add3A_617 = arith.addf %add3A_593, %get3A_616 : vector<16xf32>
      %get3A_618 = arith.constant 20 : i32
      %get3A_619 = arith.index_cast %get3A_618 : i32 to index
      %get3A_620 = arith.index_cast %mul3A_498 : i32 to index
      %get3A_621 = tpu.vector_load %arg9[%get3A_619, %get3A_620] {strides = array<i32>} : memref<32x1024xf32, #tpu.memory_space<vmem>>, vector<1x16xf32>,
      %get3A_622 = vector.shape_cast %get3A_621 : vector<1x16xf32> to vector<16xf32>
      %add3A_623 = arith.addf %add3A_599, %get3A_622 : vector<16xf32>
      %get3A_624 = arith.constant 21 : i32
      %get3A_625 = arith.index_cast %get3A_624 : i32 to index
      %get3A_626 = arith.index_cast %mul3A_498 : i32 to index
      %get3A_627 = tpu.vector_load %arg9[%get3A_625, %get3A_626] {strides = array<i32>} : memref<32x1024xf32, #tpu.memory_space<vmem>>, vector<1x16xf32>,
      %get3A_628 = vector.shape_cast %get3A_627 : vector<1x16xf32> to vector<16xf32>
      %add3A_629 = arith.addf %add3A_605, %get3A_628 : vector<16xf32>
      %get3A_630 = arith.constant 22 : i32
      %get3A_631 = arith.index_cast %get3A_630 : i32 to index
      %get3A_632 = arith.index_cast %mul3A_498 : i32 to index
      %get3A_633 = tpu.vector_load %arg9[%get3A_631, %get3A_632] {strides = array<i32>} : memref<32x1024xf32, #tpu.memory_space<vmem>>, vector<1x16xf32>,
      %get3A_634 = vector.shape_cast %get3A_633 : vector<1x16xf32> to vector<16xf32>
      %add3A_635 = arith.addf %add3A_611, %get3A_634 : vector<16xf32>
      %get3A_636 = arith.constant 23 : i32
      %get3A_637 = arith.index_cast %get3A_636 : i32 to index
      %get3A_638 = arith.index_cast %mul3A_498 : i32 to index
      %get3A_639 = tpu.vector_load %arg9[%get3A_637, %get3A_638] {strides = array<i32>} : memref<32x1024xf32, #tpu.memory_space<vmem>>, vector<1x16xf32>,
      %get3A_640 = vector.shape_cast %get3A_639 : vector<1x16xf32> to vector<16xf32>
      %add3A_641 = arith.addf %add3A_617, %get3A_640 : vector<16xf32>
      %get3A_642 = arith.constant 24 : i32
      %get3A_643 = arith.index_cast %get3A_642 : i32 to index
      %get3A_644 = arith.index_cast %mul3A_498 : i32 to index
      %get3A_645 = tpu.vector_load %arg9[%get3A_643, %get3A_644] {strides = array<i32>} : memref<32x1024xf32, #tpu.memory_space<vmem>>, vector<1x16xf32>,
      %get3A_646 = vector.shape_cast %get3A_645 : vector<1x16xf32> to vector<16xf32>
      %add3A_647 = arith.addf %add3A_623, %get3A_646 : vector<16xf32>
      %get3A_648 = arith.constant 25 : i32
      %get3A_649 = arith.index_cast %get3A_648 : i32 to index
      %get3A_650 = arith.index_cast %mul3A_498 : i32 to index
      %get3A_651 = tpu.vector_load %arg9[%get3A_649, %get3A_650] {strides = array<i32>} : memref<32x1024xf32, #tpu.memory_space<vmem>>, vector<1x16xf32>,
      %get3A_652 = vector.shape_cast %get3A_651 : vector<1x16xf32> to vector<16xf32>
      %add3A_653 = arith.addf %add3A_629, %get3A_652 : vector<16xf32>
      %get3A_654 = arith.constant 26 : i32
      %get3A_655 = arith.index_cast %get3A_654 : i32 to index
      %get3A_656 = arith.index_cast %mul3A_498 : i32 to index
      %get3A_657 = tpu.vector_load %arg9[%get3A_655, %get3A_656] {strides = array<i32>} : memref<32x1024xf32, #tpu.memory_space<vmem>>, vector<1x16xf32>,
      %get3A_658 = vector.shape_cast %get3A_657 : vector<1x16xf32> to vector<16xf32>
      %add3A_659 = arith.addf %add3A_635, %get3A_658 : vector<16xf32>
      %get3A_660 = arith.constant 27 : i32
      %get3A_661 = arith.index_cast %get3A_660 : i32 to index
      %get3A_662 = arith.index_cast %mul3A_498 : i32 to index
      %get3A_663 = tpu.vector_load %arg9[%get3A_661, %get3A_662] {strides = array<i32>} : memref<32x1024xf32, #tpu.memory_space<vmem>>, vector<1x16xf32>,
      %get3A_664 = vector.shape_cast %get3A_663 : vector<1x16xf32> to vector<16xf32>
      %add3A_665 = arith.addf %add3A_641, %get3A_664 : vector<16xf32>
      %get3A_666 = arith.constant 28 : i32
      %get3A_667 = arith.index_cast %get3A_666 : i32 to index
      %get3A_668 = arith.index_cast %mul3A_498 : i32 to index
      %get3A_669 = tpu.vector_load %arg9[%get3A_667, %get3A_668] {strides = array<i32>} : memref<32x1024xf32, #tpu.memory_space<vmem>>, vector<1x16xf32>,
      %get3A_670 = vector.shape_cast %get3A_669 : vector<1x16xf32> to vector<16xf32>
      %add3A_671 = arith.addf %add3A_647, %get3A_670 : vector<16xf32>
      %get3A_672 = arith.constant 29 : i32
      %get3A_673 = arith.index_cast %get3A_672 : i32 to index
      %get3A_674 = arith.index_cast %mul3A_498 : i32 to index
      %get3A_675 = tpu.vector_load %arg9[%get3A_673, %get3A_674] {strides = array<i32>} : memref<32x1024xf32, #tpu.memory_space<vmem>>, vector<1x16xf32>,
      %get3A_676 = vector.shape_cast %get3A_675 : vector<1x16xf32> to vector<16xf32>
      %add3A_677 = arith.addf %add3A_653, %get3A_676 : vector<16xf32>
      %get3A_678 = arith.constant 30 : i32
      %get3A_679 = arith.index_cast %get3A_678 : i32 to index
      %get3A_680 = arith.index_cast %mul3A_498 : i32 to index
      %get3A_681 = tpu.vector_load %arg9[%get3A_679, %get3A_680] {strides = array<i32>} : memref<32x1024xf32, #tpu.memory_space<vmem>>, vector<1x16xf32>,
      %get3A_682 = vector.shape_cast %get3A_681 : vector<1x16xf32> to vector<16xf32>
      %add3A_683 = arith.addf %add3A_659, %get3A_682 : vector<16xf32>
      %get3A_684 = arith.constant 31 : i32
      %get3A_685 = arith.index_cast %get3A_684 : i32 to index
      %get3A_686 = arith.index_cast %mul3A_498 : i32 to index
      %get3A_687 = tpu.vector_load %arg9[%get3A_685, %get3A_686] {strides = array<i32>} : memref<32x1024xf32, #tpu.memory_space<vmem>>, vector<1x16xf32>,
      %get3A_688 = vector.shape_cast %get3A_687 : vector<1x16xf32> to vector<16xf32>
      %add3A_689 = arith.addf %add3A_665, %get3A_688 : vector<16xf32>
      %add3A_690 = arith.addf %add3A_671, %add3A_677 : vector<16xf32>
      %add3A_691 = arith.addf %add3A_683, %add3A_689 : vector<16xf32>
      %add3A_692 = arith.addf %add3A_690, %add3A_691 : vector<16xf32>
      %swap3A_693 = arith.constant 0 : i32
      %swap3A_694 = arith.index_cast %swap3A_693 : i32 to index
      %swap3A_695 = arith.index_cast %mul3A_498 : i32 to index
      %swap3A_696 = tpu.vector_load %arg10[%swap3A_694, %swap3A_695] {strides = array<i32>} : memref<1x1024xf32, #tpu.memory_space<vmem>>, vector<1x16xf32>,
      %swap3A_697 = vector.shape_cast %swap3A_696 : vector<1x16xf32> to vector<16xf32>
      %swap3A_698 = vector.shape_cast %add3A_692 : vector<16xf32> to vector<1x16xf32>
      tpu.vector_store %arg10[%swap3A_694, %swap3A_695], %swap3A_698 {add = true, strides = array<i32>} : memref<1x1024xf32, #tpu.memory_space<vmem>>, vector<1x16xf32>,
    }
    %scan3A_464 = arith.constant 64 : i32
    %dma_wait3A_465 = arith.constant 96 : i32
    %dma_wait3A_466 = tpu.memref_slice %arg6[%dma_wait3A_465] : memref<128xi32, #tpu.memory_space<vmem>> -> memref<32xi32, #tpu.memory_space<vmem>>
    %dma_wait3A_467 = arith.constant 0 : i32
    %dma_wait3A_468 = arith.constant 0 : i32
    %dma_wait3A_469 = tpu.memref_slice %arg3[%dma_wait3A_467, %dma_wait3A_468] : memref<50257x1024xf32, #tpu.memory_space<hbm>> -> memref<50257x1024xf32, #tpu.memory_space<hbm>>
    tpu.wait_indirect_dma semaphore(%arg11 : memref<!tpu.dma_semaphore, #tpu.memory_space<semaphore_mem>>) src(%dma_wait3A_469 : memref<50257x1024xf32, #tpu.memory_space<hbm>>) dst(%arg7 : memref<32x1024xf32, #tpu.memory_space<vmem>>)
    %add3A_470 = arith.constant 96 : i32
    %add3A_471 = arith.addi %mul3A_2, %add3A_470 : i32
    %dma_start3A_472 = arith.constant 0 : i32
    %dma_start3A_473 = tpu.memref_slice %arg4[%add3A_471, %dma_start3A_472] : memref<4096x1024xf32, #tpu.memory_space<hbm>> -> memref<32x1024xf32, #tpu.memory_space<hbm>>
    %dma_start3A_474 = arith.constant 0 : i32
    %dma_start3A_475 = tpu.memref_slice %arg4[%add3A_471, %dma_start3A_474] : memref<4096x1024xf32, #tpu.memory_space<hbm>> -> memref<32x1024xf32, #tpu.memory_space<hbm>>
    tpu.enqueue_dma source(%arg7 : memref<32x1024xf32, #tpu.memory_space<vmem>>) target(%dma_start3A_475 : memref<32x1024xf32, #tpu.memory_space<hbm>>) target_semaphore(%arg14 : memref<!tpu.dma_semaphore, #tpu.memory_space<semaphore_mem>>)
    %broadcast_in_dim3A_476 = arith.constant 0.000000e+00 : f32
    %broadcast_in_dim3A_477 = vector.broadcast %broadcast_in_dim3A_476 : f32 to vector<16xf32>
    %scan3A_478 = arith.constant 0 : i32
    %scan3A_479 = arith.constant 0 : i32
    %scan3A_480 = arith.constant 64 : i32
    %scan3A_481 = arith.addi %scan3A_479, %scan3A_480 : i32
    %scan3A_482 = arith.constant 1 : i32
    scf.for %scan3A_496 = %scan3A_479 to %scan3A_481 step %scan3A_482  : i32 {
      %mul3A_497 = arith.constant 16 : i32
      %mul3A_498 = arith.muli %mul3A_497, %scan3A_496 : i32
      %get3A = arith.constant 0 : i32
      %get3A_499 = arith.index_cast %get3A : i32 to index
      %get3A_500 = arith.index_cast %mul3A_498 : i32 to index
      %get3A_501 = tpu.vector_load %arg7[%get3A_499, %get3A_500] {strides = array<i32>} : memref<32x1024xf32, #tpu.memory_space<vmem>>, vector<1x16xf32>,
      %get3A_502 = vector.shape_cast %get3A_501 : vector<1x16xf32> to vector<16xf32>
      %add3A_503 = arith.addf %broadcast_in_dim3A_477, %get3A_502 : vector<16xf32>
      %get3A_504 = arith.constant 1 : i32
      %get3A_505 = arith.index_cast %get3A_504 : i32 to index
      %get3A_506 = arith.index_cast %mul3A_498 : i32 to index
      %get3A_507 = tpu.vector_load %arg7[%get3A_505, %get3A_506] {strides = array<i32>} : memref<32x1024xf32, #tpu.memory_space<vmem>>, vector<1x16xf32>,
      %get3A_508 = vector.shape_cast %get3A_507 : vector<1x16xf32> to vector<16xf32>
      %add3A_509 = arith.addf %broadcast_in_dim3A_477, %get3A_508 : vector<16xf32>
      %get3A_510 = arith.constant 2 : i32
      %get3A_511 = arith.index_cast %get3A_510 : i32 to index
      %get3A_512 = arith.index_cast %mul3A_498 : i32 to index
      %get3A_513 = tpu.vector_load %arg7[%get3A_511, %get3A_512] {strides = array<i32>} : memref<32x1024xf32, #tpu.memory_space<vmem>>, vector<1x16xf32>,
      %get3A_514 = vector.shape_cast %get3A_513 : vector<1x16xf32> to vector<16xf32>
      %add3A_515 = arith.addf %broadcast_in_dim3A_477, %get3A_514 : vector<16xf32>
      %get3A_516 = arith.constant 3 : i32
      %get3A_517 = arith.index_cast %get3A_516 : i32 to index
      %get3A_518 = arith.index_cast %mul3A_498 : i32 to index
      %get3A_519 = tpu.vector_load %arg7[%get3A_517, %get3A_518] {strides = array<i32>} : memref<32x1024xf32, #tpu.memory_space<vmem>>, vector<1x16xf32>,
      %get3A_520 = vector.shape_cast %get3A_519 : vector<1x16xf32> to vector<16xf32>
      %add3A_521 = arith.addf %broadcast_in_dim3A_477, %get3A_520 : vector<16xf32>
      %get3A_522 = arith.constant 4 : i32
      %get3A_523 = arith.index_cast %get3A_522 : i32 to index
      %get3A_524 = arith.index_cast %mul3A_498 : i32 to index
      %get3A_525 = tpu.vector_load %arg7[%get3A_523, %get3A_524] {strides = array<i32>} : memref<32x1024xf32, #tpu.memory_space<vmem>>, vector<1x16xf32>,
      %get3A_526 = vector.shape_cast %get3A_525 : vector<1x16xf32> to vector<16xf32>
      %add3A_527 = arith.addf %add3A_503, %get3A_526 : vector<16xf32>
      %get3A_528 = arith.constant 5 : i32
      %get3A_529 = arith.index_cast %get3A_528 : i32 to index
      %get3A_530 = arith.index_cast %mul3A_498 : i32 to index
      %get3A_531 = tpu.vector_load %arg7[%get3A_529, %get3A_530] {strides = array<i32>} : memref<32x1024xf32, #tpu.memory_space<vmem>>, vector<1x16xf32>,
      %get3A_532 = vector.shape_cast %get3A_531 : vector<1x16xf32> to vector<16xf32>
      %add3A_533 = arith.addf %add3A_509, %get3A_532 : vector<16xf32>
      %get3A_534 = arith.constant 6 : i32
      %get3A_535 = arith.index_cast %get3A_534 : i32 to index
      %get3A_536 = arith.index_cast %mul3A_498 : i32 to index
      %get3A_537 = tpu.vector_load %arg7[%get3A_535, %get3A_536] {strides = array<i32>} : memref<32x1024xf32, #tpu.memory_space<vmem>>, vector<1x16xf32>,
      %get3A_538 = vector.shape_cast %get3A_537 : vector<1x16xf32> to vector<16xf32>
      %add3A_539 = arith.addf %add3A_515, %get3A_538 : vector<16xf32>
      %get3A_540 = arith.constant 7 : i32
      %get3A_541 = arith.index_cast %get3A_540 : i32 to index
      %get3A_542 = arith.index_cast %mul3A_498 : i32 to index
      %get3A_543 = tpu.vector_load %arg7[%get3A_541, %get3A_542] {strides = array<i32>} : memref<32x1024xf32, #tpu.memory_space<vmem>>, vector<1x16xf32>,
      %get3A_544 = vector.shape_cast %get3A_543 : vector<1x16xf32> to vector<16xf32>
      %add3A_545 = arith.addf %add3A_521, %get3A_544 : vector<16xf32>
      %get3A_546 = arith.constant 8 : i32
      %get3A_547 = arith.index_cast %get3A_546 : i32 to index
      %get3A_548 = arith.index_cast %mul3A_498 : i32 to index
      %get3A_549 = tpu.vector_load %arg7[%get3A_547, %get3A_548] {strides = array<i32>} : memref<32x1024xf32, #tpu.memory_space<vmem>>, vector<1x16xf32>,
      %get3A_550 = vector.shape_cast %get3A_549 : vector<1x16xf32> to vector<16xf32>
      %add3A_551 = arith.addf %add3A_527, %get3A_550 : vector<16xf32>
      %get3A_552 = arith.constant 9 : i32
      %get3A_553 = arith.index_cast %get3A_552 : i32 to index
      %get3A_554 = arith.index_cast %mul3A_498 : i32 to index
      %get3A_555 = tpu.vector_load %arg7[%get3A_553, %get3A_554] {strides = array<i32>} : memref<32x1024xf32, #tpu.memory_space<vmem>>, vector<1x16xf32>,
      %get3A_556 = vector.shape_cast %get3A_555 : vector<1x16xf32> to vector<16xf32>
      %add3A_557 = arith.addf %add3A_533, %get3A_556 : vector<16xf32>
      %get3A_558 = arith.constant 10 : i32
      %get3A_559 = arith.index_cast %get3A_558 : i32 to index
      %get3A_560 = arith.index_cast %mul3A_498 : i32 to index
      %get3A_561 = tpu.vector_load %arg7[%get3A_559, %get3A_560] {strides = array<i32>} : memref<32x1024xf32, #tpu.memory_space<vmem>>, vector<1x16xf32>,
      %get3A_562 = vector.shape_cast %get3A_561 : vector<1x16xf32> to vector<16xf32>
      %add3A_563 = arith.addf %add3A_539, %get3A_562 : vector<16xf32>
      %get3A_564 = arith.constant 11 : i32
      %get3A_565 = arith.index_cast %get3A_564 : i32 to index
      %get3A_566 = arith.index_cast %mul3A_498 : i32 to index
      %get3A_567 = tpu.vector_load %arg7[%get3A_565, %get3A_566] {strides = array<i32>} : memref<32x1024xf32, #tpu.memory_space<vmem>>, vector<1x16xf32>,
      %get3A_568 = vector.shape_cast %get3A_567 : vector<1x16xf32> to vector<16xf32>
      %add3A_569 = arith.addf %add3A_545, %get3A_568 : vector<16xf32>
      %get3A_570 = arith.constant 12 : i32
      %get3A_571 = arith.index_cast %get3A_570 : i32 to index
      %get3A_572 = arith.index_cast %mul3A_498 : i32 to index
      %get3A_573 = tpu.vector_load %arg7[%get3A_571, %get3A_572] {strides = array<i32>} : memref<32x1024xf32, #tpu.memory_space<vmem>>, vector<1x16xf32>,
      %get3A_574 = vector.shape_cast %get3A_573 : vector<1x16xf32> to vector<16xf32>
      %add3A_575 = arith.addf %add3A_551, %get3A_574 : vector<16xf32>
      %get3A_576 = arith.constant 13 : i32
      %get3A_577 = arith.index_cast %get3A_576 : i32 to index
      %get3A_578 = arith.index_cast %mul3A_498 : i32 to index
      %get3A_579 = tpu.vector_load %arg7[%get3A_577, %get3A_578] {strides = array<i32>} : memref<32x1024xf32, #tpu.memory_space<vmem>>, vector<1x16xf32>,
      %get3A_580 = vector.shape_cast %get3A_579 : vector<1x16xf32> to vector<16xf32>
      %add3A_581 = arith.addf %add3A_557, %get3A_580 : vector<16xf32>
      %get3A_582 = arith.constant 14 : i32
      %get3A_583 = arith.index_cast %get3A_582 : i32 to index
      %get3A_584 = arith.index_cast %mul3A_498 : i32 to index
      %get3A_585 = tpu.vector_load %arg7[%get3A_583, %get3A_584] {strides = array<i32>} : memref<32x1024xf32, #tpu.memory_space<vmem>>, vector<1x16xf32>,
      %get3A_586 = vector.shape_cast %get3A_585 : vector<1x16xf32> to vector<16xf32>
      %add3A_587 = arith.addf %add3A_563, %get3A_586 : vector<16xf32>
      %get3A_588 = arith.constant 15 : i32
      %get3A_589 = arith.index_cast %get3A_588 : i32 to index
      %get3A_590 = arith.index_cast %mul3A_498 : i32 to index
      %get3A_591 = tpu.vector_load %arg7[%get3A_589, %get3A_590] {strides = array<i32>} : memref<32x1024xf32, #tpu.memory_space<vmem>>, vector<1x16xf32>,
      %get3A_592 = vector.shape_cast %get3A_591 : vector<1x16xf32> to vector<16xf32>
      %add3A_593 = arith.addf %add3A_569, %get3A_592 : vector<16xf32>
      %get3A_594 = arith.constant 16 : i32
      %get3A_595 = arith.index_cast %get3A_594 : i32 to index
      %get3A_596 = arith.index_cast %mul3A_498 : i32 to index
      %get3A_597 = tpu.vector_load %arg7[%get3A_595, %get3A_596] {strides = array<i32>} : memref<32x1024xf32, #tpu.memory_space<vmem>>, vector<1x16xf32>,
      %get3A_598 = vector.shape_cast %get3A_597 : vector<1x16xf32> to vector<16xf32>
      %add3A_599 = arith.addf %add3A_575, %get3A_598 : vector<16xf32>
      %get3A_600 = arith.constant 17 : i32
      %get3A_601 = arith.index_cast %get3A_600 : i32 to index
      %get3A_602 = arith.index_cast %mul3A_498 : i32 to index
      %get3A_603 = tpu.vector_load %arg7[%get3A_601, %get3A_602] {strides = array<i32>} : memref<32x1024xf32, #tpu.memory_space<vmem>>, vector<1x16xf32>,
      %get3A_604 = vector.shape_cast %get3A_603 : vector<1x16xf32> to vector<16xf32>
      %add3A_605 = arith.addf %add3A_581, %get3A_604 : vector<16xf32>
      %get3A_606 = arith.constant 18 : i32
      %get3A_607 = arith.index_cast %get3A_606 : i32 to index
      %get3A_608 = arith.index_cast %mul3A_498 : i32 to index
      %get3A_609 = tpu.vector_load %arg7[%get3A_607, %get3A_608] {strides = array<i32>} : memref<32x1024xf32, #tpu.memory_space<vmem>>, vector<1x16xf32>,
      %get3A_610 = vector.shape_cast %get3A_609 : vector<1x16xf32> to vector<16xf32>
      %add3A_611 = arith.addf %add3A_587, %get3A_610 : vector<16xf32>
      %get3A_612 = arith.constant 19 : i32
      %get3A_613 = arith.index_cast %get3A_612 : i32 to index
      %get3A_614 = arith.index_cast %mul3A_498 : i32 to index
      %get3A_615 = tpu.vector_load %arg7[%get3A_613, %get3A_614] {strides = array<i32>} : memref<32x1024xf32, #tpu.memory_space<vmem>>, vector<1x16xf32>,
      %get3A_616 = vector.shape_cast %get3A_615 : vector<1x16xf32> to vector<16xf32>
      %add3A_617 = arith.addf %add3A_593, %get3A_616 : vector<16xf32>
      %get3A_618 = arith.constant 20 : i32
      %get3A_619 = arith.index_cast %get3A_618 : i32 to index
      %get3A_620 = arith.index_cast %mul3A_498 : i32 to index
      %get3A_621 = tpu.vector_load %arg7[%get3A_619, %get3A_620] {strides = array<i32>} : memref<32x1024xf32, #tpu.memory_space<vmem>>, vector<1x16xf32>,
      %get3A_622 = vector.shape_cast %get3A_621 : vector<1x16xf32> to vector<16xf32>
      %add3A_623 = arith.addf %add3A_599, %get3A_622 : vector<16xf32>
      %get3A_624 = arith.constant 21 : i32
      %get3A_625 = arith.index_cast %get3A_624 : i32 to index
      %get3A_626 = arith.index_cast %mul3A_498 : i32 to index
      %get3A_627 = tpu.vector_load %arg7[%get3A_625, %get3A_626] {strides = array<i32>} : memref<32x1024xf32, #tpu.memory_space<vmem>>, vector<1x16xf32>,
      %get3A_628 = vector.shape_cast %get3A_627 : vector<1x16xf32> to vector<16xf32>
      %add3A_629 = arith.addf %add3A_605, %get3A_628 : vector<16xf32>
      %get3A_630 = arith.constant 22 : i32
      %get3A_631 = arith.index_cast %get3A_630 : i32 to index
      %get3A_632 = arith.index_cast %mul3A_498 : i32 to index
      %get3A_633 = tpu.vector_load %arg7[%get3A_631, %get3A_632] {strides = array<i32>} : memref<32x1024xf32, #tpu.memory_space<vmem>>, vector<1x16xf32>,
      %get3A_634 = vector.shape_cast %get3A_633 : vector<1x16xf32> to vector<16xf32>
      %add3A_635 = arith.addf %add3A_611, %get3A_634 : vector<16xf32>
      %get3A_636 = arith.constant 23 : i32
      %get3A_637 = arith.index_cast %get3A_636 : i32 to index
      %get3A_638 = arith.index_cast %mul3A_498 : i32 to index
      %get3A_639 = tpu.vector_load %arg7[%get3A_637, %get3A_638] {strides = array<i32>} : memref<32x1024xf32, #tpu.memory_space<vmem>>, vector<1x16xf32>,
      %get3A_640 = vector.shape_cast %get3A_639 : vector<1x16xf32> to vector<16xf32>
      %add3A_641 = arith.addf %add3A_617, %get3A_640 : vector<16xf32>
      %get3A_642 = arith.constant 24 : i32
      %get3A_643 = arith.index_cast %get3A_642 : i32 to index
      %get3A_644 = arith.index_cast %mul3A_498 : i32 to index
      %get3A_645 = tpu.vector_load %arg7[%get3A_643, %get3A_644] {strides = array<i32>} : memref<32x1024xf32, #tpu.memory_space<vmem>>, vector<1x16xf32>,
      %get3A_646 = vector.shape_cast %get3A_645 : vector<1x16xf32> to vector<16xf32>
      %add3A_647 = arith.addf %add3A_623, %get3A_646 : vector<16xf32>
      %get3A_648 = arith.constant 25 : i32
      %get3A_649 = arith.index_cast %get3A_648 : i32 to index
      %get3A_650 = arith.index_cast %mul3A_498 : i32 to index
      %get3A_651 = tpu.vector_load %arg7[%get3A_649, %get3A_650] {strides = array<i32>} : memref<32x1024xf32, #tpu.memory_space<vmem>>, vector<1x16xf32>,
      %get3A_652 = vector.shape_cast %get3A_651 : vector<1x16xf32> to vector<16xf32>
      %add3A_653 = arith.addf %add3A_629, %get3A_652 : vector<16xf32>
      %get3A_654 = arith.constant 26 : i32
      %get3A_655 = arith.index_cast %get3A_654 : i32 to index
      %get3A_656 = arith.index_cast %mul3A_498 : i32 to index
      %get3A_657 = tpu.vector_load %arg7[%get3A_655, %get3A_656] {strides = array<i32>} : memref<32x1024xf32, #tpu.memory_space<vmem>>, vector<1x16xf32>,
      %get3A_658 = vector.shape_cast %get3A_657 : vector<1x16xf32> to vector<16xf32>
      %add3A_659 = arith.addf %add3A_635, %get3A_658 : vector<16xf32>
      %get3A_660 = arith.constant 27 : i32
      %get3A_661 = arith.index_cast %get3A_660 : i32 to index
      %get3A_662 = arith.index_cast %mul3A_498 : i32 to index
      %get3A_663 = tpu.vector_load %arg7[%get3A_661, %get3A_662] {strides = array<i32>} : memref<32x1024xf32, #tpu.memory_space<vmem>>, vector<1x16xf32>,
      %get3A_664 = vector.shape_cast %get3A_663 : vector<1x16xf32> to vector<16xf32>
      %add3A_665 = arith.addf %add3A_641, %get3A_664 : vector<16xf32>
      %get3A_666 = arith.constant 28 : i32
      %get3A_667 = arith.index_cast %get3A_666 : i32 to index
      %get3A_668 = arith.index_cast %mul3A_498 : i32 to index
      %get3A_669 = tpu.vector_load %arg7[%get3A_667, %get3A_668] {strides = array<i32>} : memref<32x1024xf32, #tpu.memory_space<vmem>>, vector<1x16xf32>,
      %get3A_670 = vector.shape_cast %get3A_669 : vector<1x16xf32> to vector<16xf32>
      %add3A_671 = arith.addf %add3A_647, %get3A_670 : vector<16xf32>
      %get3A_672 = arith.constant 29 : i32
      %get3A_673 = arith.index_cast %get3A_672 : i32 to index
      %get3A_674 = arith.index_cast %mul3A_498 : i32 to index
      %get3A_675 = tpu.vector_load %arg7[%get3A_673, %get3A_674] {strides = array<i32>} : memref<32x1024xf32, #tpu.memory_space<vmem>>, vector<1x16xf32>,
      %get3A_676 = vector.shape_cast %get3A_675 : vector<1x16xf32> to vector<16xf32>
      %add3A_677 = arith.addf %add3A_653, %get3A_676 : vector<16xf32>
      %get3A_678 = arith.constant 30 : i32
      %get3A_679 = arith.index_cast %get3A_678 : i32 to index
      %get3A_680 = arith.index_cast %mul3A_498 : i32 to index
      %get3A_681 = tpu.vector_load %arg7[%get3A_679, %get3A_680] {strides = array<i32>} : memref<32x1024xf32, #tpu.memory_space<vmem>>, vector<1x16xf32>,
      %get3A_682 = vector.shape_cast %get3A_681 : vector<1x16xf32> to vector<16xf32>
      %add3A_683 = arith.addf %add3A_659, %get3A_682 : vector<16xf32>
      %get3A_684 = arith.constant 31 : i32
      %get3A_685 = arith.index_cast %get3A_684 : i32 to index
      %get3A_686 = arith.index_cast %mul3A_498 : i32 to index
      %get3A_687 = tpu.vector_load %arg7[%get3A_685, %get3A_686] {strides = array<i32>} : memref<32x1024xf32, #tpu.memory_space<vmem>>, vector<1x16xf32>,
      %get3A_688 = vector.shape_cast %get3A_687 : vector<1x16xf32> to vector<16xf32>
      %add3A_689 = arith.addf %add3A_665, %get3A_688 : vector<16xf32>
      %add3A_690 = arith.addf %add3A_671, %add3A_677 : vector<16xf32>
      %add3A_691 = arith.addf %add3A_683, %add3A_689 : vector<16xf32>
      %add3A_692 = arith.addf %add3A_690, %add3A_691 : vector<16xf32>
      %swap3A_693 = arith.constant 0 : i32
      %swap3A_694 = arith.index_cast %swap3A_693 : i32 to index
      %swap3A_695 = arith.index_cast %mul3A_498 : i32 to index
      %swap3A_696 = tpu.vector_load %arg10[%swap3A_694, %swap3A_695] {strides = array<i32>} : memref<1x1024xf32, #tpu.memory_space<vmem>>, vector<1x16xf32>,
      %swap3A_697 = vector.shape_cast %swap3A_696 : vector<1x16xf32> to vector<16xf32>
      %swap3A_698 = vector.shape_cast %add3A_692 : vector<16xf32> to vector<1x16xf32>
      tpu.vector_store %arg10[%swap3A_694, %swap3A_695], %swap3A_698 {add = true, strides = array<i32>} : memref<1x1024xf32, #tpu.memory_space<vmem>>, vector<1x16xf32>,
    }
    %scan3A_483 = arith.constant 64 : i32
    %dma_wait3A_484 = arith.constant 0 : i32
    %dma_wait3A_485 = tpu.memref_slice %arg4[%add3A_433, %dma_wait3A_484] : memref<4096x1024xf32, #tpu.memory_space<hbm>> -> memref<32x1024xf32, #tpu.memory_space<hbm>>
    %dma_wait3A_486 = arith.constant 0 : i32
    %dma_wait3A_487 = tpu.memref_slice %arg4[%add3A_433, %dma_wait3A_486] : memref<4096x1024xf32, #tpu.memory_space<hbm>> -> memref<32x1024xf32, #tpu.memory_space<hbm>>
    tpu.wait_dma2 semaphore(%arg15 : memref<!tpu.dma_semaphore, #tpu.memory_space<semaphore_mem>>) src(%arg8 : memref<32x1024xf32, #tpu.memory_space<vmem>>) dst(%dma_wait3A_487 : memref<32x1024xf32, #tpu.memory_space<hbm>>)
    %dma_wait3A_488 = arith.constant 0 : i32
    %dma_wait3A_489 = tpu.memref_slice %arg4[%add3A_452, %dma_wait3A_488] : memref<4096x1024xf32, #tpu.memory_space<hbm>> -> memref<32x1024xf32, #tpu.memory_space<hbm>>
    %dma_wait3A_490 = arith.constant 0 : i32
    %dma_wait3A_491 = tpu.memref_slice %arg4[%add3A_452, %dma_wait3A_490] : memref<4096x1024xf32, #tpu.memory_space<hbm>> -> memref<32x1024xf32, #tpu.memory_space<hbm>>
    tpu.wait_dma2 semaphore(%arg16 : memref<!tpu.dma_semaphore, #tpu.memory_space<semaphore_mem>>) src(%arg9 : memref<32x1024xf32, #tpu.memory_space<vmem>>) dst(%dma_wait3A_491 : memref<32x1024xf32, #tpu.memory_space<hbm>>)
    %dma_wait3A_492 = arith.constant 0 : i32
    %dma_wait3A_493 = tpu.memref_slice %arg4[%add3A_471, %dma_wait3A_492] : memref<4096x1024xf32, #tpu.memory_space<hbm>> -> memref<32x1024xf32, #tpu.memory_space<hbm>>
    %dma_wait3A_494 = arith.constant 0 : i32
    %dma_wait3A_495 = tpu.memref_slice %arg4[%add3A_471, %dma_wait3A_494] : memref<4096x1024xf32, #tpu.memory_space<hbm>> -> memref<32x1024xf32, #tpu.memory_space<hbm>>
    tpu.wait_dma2 semaphore(%arg14 : memref<!tpu.dma_semaphore, #tpu.memory_space<semaphore_mem>>) src(%arg7 : memref<32x1024xf32, #tpu.memory_space<vmem>>) dst(%dma_wait3A_495 : memref<32x1024xf32, #tpu.memory_space<hbm>>)
    "tpu.region"() ({
      %run_scoped3A_496 = tpu.sem_alloc : memref<!tpu.dma_semaphore, #tpu.memory_space<semaphore_mem>>
      %dma_start3A_497 = arith.constant 0 : i32
      %dma_start3A_498 = tpu.memref_slice %arg5[%add3A, %dma_start3A_497] : memref<32x1024xf32, #tpu.memory_space<hbm>> -> memref<1x1024xf32, #tpu.memory_space<hbm>>
      %dma_start3A_499 = arith.constant 0 : i32
      %dma_start3A_500 = tpu.memref_slice %arg5[%add3A, %dma_start3A_499] : memref<32x1024xf32, #tpu.memory_space<hbm>> -> memref<1x1024xf32, #tpu.memory_space<hbm>>
      tpu.enqueue_dma source(%arg10 : memref<1x1024xf32, #tpu.memory_space<vmem>>) target(%dma_start3A_500 : memref<1x1024xf32, #tpu.memory_space<hbm>>) target_semaphore(%run_scoped3A_496 : memref<!tpu.dma_semaphore, #tpu.memory_space<semaphore_mem>>)
      %dma_wait3A_501 = arith.constant 0 : i32
      %dma_wait3A_502 = tpu.memref_slice %arg5[%add3A, %dma_wait3A_501] : memref<32x1024xf32, #tpu.memory_space<hbm>> -> memref<1x1024xf32, #tpu.memory_space<hbm>>
      %dma_wait3A_503 = arith.constant 0 : i32
      %dma_wait3A_504 = tpu.memref_slice %arg5[%add3A, %dma_wait3A_503] : memref<32x1024xf32, #tpu.memory_space<hbm>> -> memref<1x1024xf32, #tpu.memory_space<hbm>>
      tpu.wait_dma2 semaphore(%run_scoped3A_496 : memref<!tpu.dma_semaphore, #tpu.memory_space<semaphore_mem>>) src(%arg10 : memref<1x1024xf32, #tpu.memory_space<vmem>>) dst(%dma_wait3A_504 : memref<1x1024xf32, #tpu.memory_space<hbm>>)
      tpu.yield
    }) : () -> ()
    return
  }
}

module attributes {stable_mosaic.version = 14 : i64} {
  func.func @_score_body(%arg0: memref<32x1024xf32, #tpu.memory_space<vmem>>, %arg1: memref<1024x24xf32, #tpu.memory_space<vmem>>, %arg2: memref<4xi32, #tpu.memory_space<smem>>) attributes {dimension_semantics = [], scalar_prefetch = 0 : i64, scratch_operands = 0 : i64, tpu.core_type = #tpu.core_type<tc>} {
    %get3A = arith.constant 0 : index
    %get3A_0 = arith.constant 0 : index
    %get3A_1 = vector.load %arg0[%get3A, %get3A_0] : memref<32x1024xf32, #tpu.memory_space<vmem>>, vector<32x1024xf32>
    %reduce_sum3A = arith.constant dense<0.000000e+00> : vector<1024xf32>
    %reduce_sum3A_2 = vector.multi_reduction <add>, %get3A_1, %reduce_sum3A [0] : vector<32x1024xf32> to vector<1024xf32>
    %broadcast_in_dim3A = vector.shape_cast %reduce_sum3A_2 : vector<1024xf32> to vector<1x1024xf32>
    %mul3A = arith.constant 2.44140625E-4 : f32
    %mul3A_3 = vector.broadcast %mul3A : f32 to vector<1x1024xf32>
    %mul3A_4 = arith.mulf %broadcast_in_dim3A, %mul3A_3 : vector<1x1024xf32>
    %reshape3A = vector.shape_cast %mul3A_4 : vector<1x1024xf32> to vector<1024x1xf32>
    %get3A_5 = arith.constant 0 : index
    %get3A_6 = arith.constant 0 : index
    %get3A_7 = vector.load %arg1[%get3A_5, %get3A_6] : memref<1024x24xf32, #tpu.memory_space<vmem>>, vector<1024x24xf32>
    %mul3A_8 = vector.broadcast %reshape3A : vector<1024x1xf32> to vector<1024x24xf32>
    %mul3A_9 = arith.mulf %mul3A_8, %get3A_7 : vector<1024x24xf32>
    %reduce_sum3A_10 = arith.constant dense<0.000000e+00> : vector<24xf32>
    %reduce_sum3A_11 = vector.multi_reduction <add>, %mul3A_9, %reduce_sum3A_10 [0] : vector<1024x24xf32> to vector<24xf32>
    %broadcast_in_dim3A_12 = vector.shape_cast %reduce_sum3A_11 : vector<24xf32> to vector<1x24xf32>
    %abs3A = math.absf %broadcast_in_dim3A_12 : vector<1x24xf32>
    %iota3A = tpu.iota {dimensions = array<i32: 1>} : vector<1x24xi32>
    %reduce_min3A = vector.shape_cast %abs3A : vector<1x24xf32> to vector<1x1x24xf32>
    %reduce_min3A_13 = arith.constant dense<0x7F800000> : vector<1xf32>
    %reduce_min3A_14 = vector.multi_reduction <minimumf>, %reduce_min3A, %reduce_min3A_13 [1, 2] : vector<1x1x24xf32> to vector<1xf32>
    %reduce_min3A_15 = vector.shape_cast %reduce_min3A_14 : vector<1xf32> to vector<1x1x1xf32>
    %reduce_min3A_16 = vector.extract %reduce_min3A_15[0, 0, 0] : f32 from vector<1x1x1xf32>
    %le3A = vector.broadcast %reduce_min3A_16 : f32 to vector<1x24xf32>
    %le3A_17 = arith.cmpf ole, %abs3A, %le3A : vector<1x24xf32>
    %jit3A = arith.constant 1073741824 : i32
    %broadcast_in_dim3A_18 = vector.broadcast %jit3A : i32 to vector<1x24xi32>
    %select_n3A = arith.select %le3A_17, %iota3A, %broadcast_in_dim3A_18 : vector<1x24xi1>, vector<1x24xi32>
    %reduce_min3A_19 = vector.shape_cast %select_n3A : vector<1x24xi32> to vector<1x1x24xi32>
    %reduce_min3A_20 = arith.constant dense<2147483647> : vector<1xi32>
    %reduce_min3A_21 = vector.multi_reduction <minsi>, %reduce_min3A_19, %reduce_min3A_20 [1, 2] : vector<1x1x24xi32> to vector<1xi32>
    %reduce_min3A_22 = vector.shape_cast %reduce_min3A_21 : vector<1xi32> to vector<1x1x1xi32>
    %reduce_min3A_23 = vector.extract %reduce_min3A_22[0, 0, 0] : i32 from vector<1x1x1xi32>
    %swap3A = arith.constant 0 : index
    %swap3A_24 = memref.load %arg2[%swap3A] : memref<4xi32, #tpu.memory_space<smem>>
    memref.store %reduce_min3A_23, %arg2[%swap3A] : memref<4xi32, #tpu.memory_space<smem>>
    %eq3A = vector.broadcast %reduce_min3A_23 : i32 to vector<1x24xi32>
    %eq3A_25 = arith.cmpi eq, %iota3A, %eq3A : vector<1x24xi32>
    %jit3A_26 = arith.constant 0x7F800000 : f32
    %broadcast_in_dim3A_27 = vector.broadcast %jit3A_26 : f32 to vector<1x24xf32>
    %select_n3A_28 = arith.select %eq3A_25, %broadcast_in_dim3A_27, %abs3A : vector<1x24xi1>, vector<1x24xf32>
    %reduce_min3A_29 = vector.shape_cast %select_n3A_28 : vector<1x24xf32> to vector<1x1x24xf32>
    %reduce_min3A_30 = arith.constant dense<0x7F800000> : vector<1xf32>
    %reduce_min3A_31 = vector.multi_reduction <minimumf>, %reduce_min3A_29, %reduce_min3A_30 [1, 2] : vector<1x1x24xf32> to vector<1xf32>
    %reduce_min3A_32 = vector.shape_cast %reduce_min3A_31 : vector<1xf32> to vector<1x1x1xf32>
    %reduce_min3A_33 = vector.extract %reduce_min3A_32[0, 0, 0] : f32 from vector<1x1x1xf32>
    %le3A_34 = vector.broadcast %reduce_min3A_33 : f32 to vector<1x24xf32>
    %le3A_35 = arith.cmpf ole, %select_n3A_28, %le3A_34 : vector<1x24xf32>
    %jit3A_36 = arith.constant 1073741824 : i32
    %broadcast_in_dim3A_37 = vector.broadcast %jit3A_36 : i32 to vector<1x24xi32>
    %select_n3A_38 = arith.select %le3A_35, %iota3A, %broadcast_in_dim3A_37 : vector<1x24xi1>, vector<1x24xi32>
    %reduce_min3A_39 = vector.shape_cast %select_n3A_38 : vector<1x24xi32> to vector<1x1x24xi32>
    %reduce_min3A_40 = arith.constant dense<2147483647> : vector<1xi32>
    %reduce_min3A_41 = vector.multi_reduction <minsi>, %reduce_min3A_39, %reduce_min3A_40 [1, 2] : vector<1x1x24xi32> to vector<1xi32>
    %reduce_min3A_42 = vector.shape_cast %reduce_min3A_41 : vector<1xi32> to vector<1x1x1xi32>
    %reduce_min3A_43 = vector.extract %reduce_min3A_42[0, 0, 0] : i32 from vector<1x1x1xi32>
    %swap3A_44 = arith.constant 1 : index
    %swap3A_45 = memref.load %arg2[%swap3A_44] : memref<4xi32, #tpu.memory_space<smem>>
    memref.store %reduce_min3A_43, %arg2[%swap3A_44] : memref<4xi32, #tpu.memory_space<smem>>
    %eq3A_46 = vector.broadcast %reduce_min3A_43 : i32 to vector<1x24xi32>
    %eq3A_47 = arith.cmpi eq, %iota3A, %eq3A_46 : vector<1x24xi32>
    %jit3A_48 = arith.constant 0x7F800000 : f32
    %broadcast_in_dim3A_49 = vector.broadcast %jit3A_48 : f32 to vector<1x24xf32>
    %select_n3A_50 = arith.select %eq3A_47, %broadcast_in_dim3A_49, %select_n3A_28 : vector<1x24xi1>, vector<1x24xf32>
    %reduce_min3A_51 = vector.shape_cast %select_n3A_50 : vector<1x24xf32> to vector<1x1x24xf32>
    %reduce_min3A_52 = arith.constant dense<0x7F800000> : vector<1xf32>
    %reduce_min3A_53 = vector.multi_reduction <minimumf>, %reduce_min3A_51, %reduce_min3A_52 [1, 2] : vector<1x1x24xf32> to vector<1xf32>
    %reduce_min3A_54 = vector.shape_cast %reduce_min3A_53 : vector<1xf32> to vector<1x1x1xf32>
    %reduce_min3A_55 = vector.extract %reduce_min3A_54[0, 0, 0] : f32 from vector<1x1x1xf32>
    %le3A_56 = vector.broadcast %reduce_min3A_55 : f32 to vector<1x24xf32>
    %le3A_57 = arith.cmpf ole, %select_n3A_50, %le3A_56 : vector<1x24xf32>
    %jit3A_58 = arith.constant 1073741824 : i32
    %broadcast_in_dim3A_59 = vector.broadcast %jit3A_58 : i32 to vector<1x24xi32>
    %select_n3A_60 = arith.select %le3A_57, %iota3A, %broadcast_in_dim3A_59 : vector<1x24xi1>, vector<1x24xi32>
    %reduce_min3A_61 = vector.shape_cast %select_n3A_60 : vector<1x24xi32> to vector<1x1x24xi32>
    %reduce_min3A_62 = arith.constant dense<2147483647> : vector<1xi32>
    %reduce_min3A_63 = vector.multi_reduction <minsi>, %reduce_min3A_61, %reduce_min3A_62 [1, 2] : vector<1x1x24xi32> to vector<1xi32>
    %reduce_min3A_64 = vector.shape_cast %reduce_min3A_63 : vector<1xi32> to vector<1x1x1xi32>
    %reduce_min3A_65 = vector.extract %reduce_min3A_64[0, 0, 0] : i32 from vector<1x1x1xi32>
    %swap3A_66 = arith.constant 2 : index
    %swap3A_67 = memref.load %arg2[%swap3A_66] : memref<4xi32, #tpu.memory_space<smem>>
    memref.store %reduce_min3A_65, %arg2[%swap3A_66] : memref<4xi32, #tpu.memory_space<smem>>
    %eq3A_68 = vector.broadcast %reduce_min3A_65 : i32 to vector<1x24xi32>
    %eq3A_69 = arith.cmpi eq, %iota3A, %eq3A_68 : vector<1x24xi32>
    %jit3A_70 = arith.constant 0x7F800000 : f32
    %broadcast_in_dim3A_71 = vector.broadcast %jit3A_70 : f32 to vector<1x24xf32>
    %select_n3A_72 = arith.select %eq3A_69, %broadcast_in_dim3A_71, %select_n3A_50 : vector<1x24xi1>, vector<1x24xf32>
    %reduce_min3A_73 = vector.shape_cast %select_n3A_72 : vector<1x24xf32> to vector<1x1x24xf32>
    %reduce_min3A_74 = arith.constant dense<0x7F800000> : vector<1xf32>
    %reduce_min3A_75 = vector.multi_reduction <minimumf>, %reduce_min3A_73, %reduce_min3A_74 [1, 2] : vector<1x1x24xf32> to vector<1xf32>
    %reduce_min3A_76 = vector.shape_cast %reduce_min3A_75 : vector<1xf32> to vector<1x1x1xf32>
    %reduce_min3A_77 = vector.extract %reduce_min3A_76[0, 0, 0] : f32 from vector<1x1x1xf32>
    %le3A_78 = vector.broadcast %reduce_min3A_77 : f32 to vector<1x24xf32>
    %le3A_79 = arith.cmpf ole, %select_n3A_72, %le3A_78 : vector<1x24xf32>
    %jit3A_80 = arith.constant 1073741824 : i32
    %broadcast_in_dim3A_81 = vector.broadcast %jit3A_80 : i32 to vector<1x24xi32>
    %select_n3A_82 = arith.select %le3A_79, %iota3A, %broadcast_in_dim3A_81 : vector<1x24xi1>, vector<1x24xi32>
    %reduce_min3A_83 = vector.shape_cast %select_n3A_82 : vector<1x24xi32> to vector<1x1x24xi32>
    %reduce_min3A_84 = arith.constant dense<2147483647> : vector<1xi32>
    %reduce_min3A_85 = vector.multi_reduction <minsi>, %reduce_min3A_83, %reduce_min3A_84 [1, 2] : vector<1x1x24xi32> to vector<1xi32>
    %reduce_min3A_86 = vector.shape_cast %reduce_min3A_85 : vector<1xi32> to vector<1x1x1xi32>
    %reduce_min3A_87 = vector.extract %reduce_min3A_86[0, 0, 0] : i32 from vector<1x1x1xi32>
    %swap3A_88 = arith.constant 3 : index
    %swap3A_89 = memref.load %arg2[%swap3A_88] : memref<4xi32, #tpu.memory_space<smem>>
    memref.store %reduce_min3A_87, %arg2[%swap3A_88] : memref<4xi32, #tpu.memory_space<smem>>
    return
  }
}

</mosaic_0001>

<sc_bundles>
// kernel: kernel.4.cloned.1.call-start
scs
__scs_entry_jumppad:
0x0: {  	(pc) =	sbr.rel $0x88, $3  }
0x1: {  	(tag) =	ssettag $0x0;
	lr =	simm.s32 $0x1  }
0x2: {  	[smem:$0x3F9E] =	sst lr;
	_ =	strace $0xD0000000  }
0x3: {  	_ = 	snop  }
0x4: {  	_ = 	snop  }
0x5: {  	_ = 	snop  }
0x6: {  	_ = 	snop  }
0x7: {  	_ = 	snop  }
__scs_overlays_trampoline_lowered:
0x8: {  	[smem:$0x3FAD] =	sst s0  }
0x9: {  	[smem:$0x3FAE] =	sst s1  }
0xa: {  	[smem:$0x3FAF] =	sst s2  }
0xb: {  	[smem:$0x3FB0] =	sst s3  }
0xc: {  	[smem:$0x3FB1] =	sst s4  }
0xd: {  	[smem:$0x3FB2] =	sst s5  }
0xe: {  	[smem:$0x3FB3] =	sst s6  }
0xf: {  	[smem:$0x3FB4] =	sst s7  }
0x10: {  	[smem:$0x3FB5] =	sst s8  }
0x11: {  	[smem:$0x3FB6] =	sst s9;
	s0 =	simm.s32 @!p0 $0x0  }
0x12: {  	s1 =	sld [smem:$0x3F9C];
	s0 =	simm.s32 @p0 $0x1  }
0x13: {  	[smem:$0x3FB7] =	sst s0;
	s0 =	simm.s32 @!p1 $0x0  }
0x14: {  	s2 =	sld [smem:$0x3F9B];
	s0 =	simm.s32 @p1 $0x1  }
0x15: {  	[smem:$0x3FB8] =	sst s0;
	s0 =	simm.s32 @!p2 $0x0  }
0x16: {  	s3 =	sld [smem:$0x3FDB];
	s0 =	simm.s32 @p2 $0x1  }
0x17: {  	s4 =	simm.s32 $0x1BF5;
	[smem:$0x3FBA] =	sst s0  }
0x18: {  	s0 =	sld [smem:$0x3F9D];
	_ =	swait.ge [sflag:s4], $0x0  }
0x19: {  	s7 =	sld [smem:$0x3F9E]  }
0x1a: {  	s8 =	sadd.s32 $0xFFFFE003, lr  }
0x1b: {  	s9 =	sadd.s32 $0xFFFFFEF7, lr;
	s5 =	simm.s32 $0xFFFFFFFF;
	p2 =	slt.u32 s8, $0xFFFFF086  }
0x1c: {  	p1 =	slt.u32 s9, $0xF7A;
	s5 =	simm.s32 @!p2 $0x0  }
0x1d: {  	s5 =	simm.s32 @p1 $0x1;
	p0 =	seq.s32 s7, s2  }
0x1e: {  	s7 =	smul.u32 @!p0 $0xF7A, s2;
	p2 =	seq.s32 @!p0 s5, $0x0  }
0x1f: {  	s9 =	smul.u32 $0xF7A, s1;
	s8 =	simm.s32 @!p0 $0x1BF5;
	p2 =	por !p2, p0  }
0x20: {  	[sflag:s8] =	ssyncset.s32 @!p0 $0xFFFFF086;
	s6 =	sadd.s32 @!p0 s3, s7;
	s7 =	simm.s32 @!p0 $0x108  }
0x21: {  	s3 =	sadd.s32 s3, s9;
	s6 =	sadd.s32 @!p0 $0x88, s6;
	s7 =	simm.s32 @p2 $0x1082  }
0x22: {  	[simem:s7], [sflag:s8] =	dma.local @!p0 [hbm:s6], $0xF7A  }
0x23: {  	s9 =	sor.u32 $0xD0000000, s2;
	s6 =	simm.s32 $0x108;
	_ =	swait.ge @!p0 [sflag:s8], $0x0  }
0x24: {  	s3 =	sadd.s32 $0x88, s3;
	s6 =	simm.s32 @!p1 $0x1082;
	[sflag:s4] =	ssyncset.s32 $0xFFFFF086  }
0x25: {  	[simem:s6], [sflag:s4] =	dma.local [hbm:s3], $0xF7A  }
0x26: {  	[smem:$0x3F9E] =	sst s1;
	(tag) =	ssettag s2;
	_ =	strace s9  }
0x27: {  	s1 =	sld [smem:$0x3FAE]  }
0x28: {  	s2 =	sld [smem:$0x3FAF]  }
0x29: {  	s4 =	sld [smem:$0x3FB1]  }
0x2a: {  	p0 =	seq.s32 s5, $0x0;
	s5 =	sld [smem:$0x3FB2]  }
0x2b: {  	s6 =	sld [smem:$0x3FB3]  }
0x2c: {  	s7 =	sld [smem:$0x3FB4]  }
0x2d: {  	s3 =	simm.s32 $0x108;
	s8 =	sld [smem:$0x3FB5]  }
0x2e: {  	s3 =	simm.s32 @!p0 $0x1082;
	s9 =	sld [smem:$0x3FB6]  }
0x2f: {  	lr =	sadd.s32 s0, s3;
	s0 =	sld [smem:$0x3FAD]  }
0x30: {  	s3 =	sld [smem:$0x3FB0]  }
0x31: {  	[smem:$0x3FB9] =	sst s10  }
0x32: {  	s10 =	sld [smem:$0x3FB7];
	_ =	sdelay $0x3  }
0x33: {  	p0 =	seq.s32 s10, $0x1;
	s10 =	sld [smem:$0x3FB9];
	_ =	sdelay $0x3  }
0x34: {  	[smem:$0x3FB9] =	sst s10  }
0x35: {  	s10 =	sld [smem:$0x3FB8];
	_ =	sdelay $0x3  }
0x36: {  	p1 =	seq.s32 s10, $0x1;
	s10 =	sld [smem:$0x3FB9];
	_ =	sdelay $0x3  }
0x37: {  	[smem:$0x3FB9] =	sst s10  }
0x38: {  	s10 =	sld [smem:$0x3FBA]  }
0x39: {  	_ = 	snop;
	(pc) =	sbr.ind lr, $3  }
0x3a: {  	_ = 	snop  }
0x3b: {  	_ = 	snop  }
0x3c: {  	p2 =	seq.s32 s10, $0x1;
	s10 =	sld [smem:$0x3FB9]  }
0x3d: {  	_ =	shalt  }
0x3e: {  	_ =	shalt  }
0x3f: {  	_ =	shalt  }
0x40: {  	_ =	shalt  }
0x41: {  	_ =	shalt  }
0x42: {  	_ =	shalt  }
0x43: {  	_ =	shalt  }
0x44: {  	_ =	shalt  }
0x45: {  	_ =	shalt  }
0x46: {  	_ =	shalt  }
0x47: {  	_ =	shalt  }
0x48: {  	_ =	shalt  }
0x49: {  	_ =	shalt  }
0x4a: {  	_ =	shalt  }
0x4b: {  	_ =	shalt  }
0x4c: {  	_ =	shalt  }
0x4d: {  	_ =	shalt  }
0x4e: {  	_ =	shalt  }
0x4f: {  	_ =	shalt  }
0x50: {  	_ =	shalt  }
0x51: {  	_ =	shalt  }
0x52: {  	_ =	shalt  }
0x53: {  	_ =	shalt  }
0x54: {  	_ =	shalt  }
0x55: {  	_ =	shalt  }
0x56: {  	_ =	shalt  }
0x57: {  	_ =	shalt  }
0x58: {  	_ =	shalt  }
0x59: {  	_ =	shalt  }
0x5a: {  	_ =	shalt  }
0x5b: {  	_ =	shalt  }
0x5c: {  	_ =	shalt  }
0x5d: {  	_ =	shalt  }
0x5e: {  	_ =	shalt  }
0x5f: {  	_ =	shalt  }
0x60: {  	_ =	shalt  }
0x61: {  	_ =	shalt  }
0x62: {  	_ =	shalt  }
0x63: {  	_ =	shalt  }
0x64: {  	_ =	shalt  }
0x65: {  	_ =	shalt  }
0x66: {  	_ =	shalt  }
0x67: {  	_ =	shalt  }
0x68: {  	_ =	shalt  }
0x69: {  	_ =	shalt  }
0x6a: {  	_ =	shalt  }
0x6b: {  	_ =	shalt  }
0x6c: {  	_ =	shalt  }
0x6d: {  	_ =	shalt  }
0x6e: {  	_ =	shalt  }
0x6f: {  	_ =	shalt  }
0x70: {  	_ =	shalt  }
0x71: {  	_ =	shalt  }
0x72: {  	_ =	shalt  }
0x73: {  	_ =	shalt  }
0x74: {  	_ =	shalt  }
0x75: {  	_ =	shalt  }
0x76: {  	_ =	shalt  }
0x77: {  	_ =	shalt  }
0x78: {  	_ =	shalt  }
0x79: {  	_ =	shalt  }
0x7a: {  	_ =	shalt  }
0x7b: {  	_ =	shalt  }
0x7c: {  	_ =	shalt  }
0x7d: {  	_ =	shalt  }
0x7e: {  	_ =	shalt  }
0x7f: {  	_ =	shalt  }
0x80: {  	_ =	shalt  }
0x81: {  	_ =	shalt  }
0x82: {  	_ =	shalt  }
0x83: {  	_ =	shalt  }
0x84: {  	_ =	shalt  }
0x85: {  	_ =	shalt  }
0x86: {  	_ =	shalt  }
0x87: {  	_ =	shalt  }
.Lfunc_end0:
.L_simem_size_0:
called_computation_lowered:
.L_overlay_start_0:
0x88: {  	s2 =	sld [smem:$0x3FD9]  }
0x89: {  	s3 =	sld [smem:$0x3FFE];
	_ =	sdelay $0x1  }
0x8a: {  	s1 =	srdreg.scid  }
0x8b: {  	s0 =	sand.u32 $0x1, s1  }
0x8c: {  	s14 =	sshll.u32 s0, $0xA;
	s2 =	sadd.s32 s3, s2  }
0x8d: {  	s2 =	sadd.s32 s2, s14  }
0x8e: {  	[smem:$0x3FC5] =	sst s2  }
0x8f: {  	_ = 	snop  }
0x90: {  	s2 =	sld [smem:$0x3FD0];
	_ =	sdelay $0x1  }
0x91: {  	s15 =	sld [smem:$0x3FC9]  }
0x92: {  	s5 =	simm.s32 $0xA;
	s6 =	simm.s32 $0x10;
	s4 =	sld [smem:$0x3FC8]  }
0x93: {  	[smem:s6], [sflag:s5] =	dma.local [hbm:s2], $0x1  }
0x94: {  	_ =	swait.eq [sflag:s5], $0x1  }
0x95: {  	[sflag:s5] =	ssyncset.done $0x0  }
0x96: {  	[sflag:s5] =	ssyncadd.s32 $0xFFFFFFFF  }
0x97: {  	s16 =	sld [smem:$0x10];
	(tm) =	ssettm $0x1  }
0x98: {  	s17 =	sld [smem:$0x3FFB];
	_ =	sdelay $0x3  }
0x99: {  	_ =	strace s17  }
0x9a: {  	s5 =	sld [smem:$0x3FFC];
	_ =	sdelay $0x3  }
0x9b: {  	_ =	strace s5  }
0x9c: {  	s5 =	sld [smem:$0x3FFD];
	_ =	sdelay $0x3  }
0x9d: {  	_ =	strace s5  }
0x9e: {  	_ =	strace $0x8FFFFFFF  }
0x9f: {  	s18 =	sld [smem:$0x3FDB];
	_ =	sdelay $0x1  }
0xa0: {  	s19 =	simm.s32 $_scs_section_size  }
0xa1: {  	s7 =	simm.s32 $_size__tile_overlayer_lowered;
	s8 =	simm.s32 $_tile_overlayer_lowered  }
0xa2: {  	s22 =	simm.s32 $0x1BFF;
	s21 =	sshll.u32 s8, $0x1;
	s5 =	sadd.s32 s19, s18  }
0xa3: {  	s9 =	simm.s32 $0x0;
	s20 =	sshll.u32 s7, $0x1;
	s7 =	sadd.s32 s21, s5  }
0xa4: {  	[timem:s9], [sflag:s22] =	dma.local [hbm:s7], s20  }
0xa5: {  	_ =	swait.ge [sflag:s22], s20  }
0xa6: {  	s6 =	ssub.s32 $0x0, s20;
	[sflag:s22] =	ssyncset.done $0x0  }
0xa7: {  	[sflag:s22] =	ssyncadd.s32 s6;
	_ =	sdelay $0x1  }
0xa8: {  	s23 =	simm.s32 $0x1B8B  }
0xa9: {  	_ =	swait.ge [sflag:s23], $0x1  }
0xaa: {  	[sflag:s23] =	ssyncset.done $0x0  }
0xab: {  	s25 =	simm.s32 $0x1B8E;
	s24 =	sld [smem:$0x3FFE];
	[sflag:s23] =	ssyncadd.s32 $0xFFFFFFFF  }
0xac: {  	s26 =	simm.s32 $execute0_lowered;
	[smem:$0x3FD2] =	sst s25  }
0xad: {  	s7 =	sshll.u32 s26, $0x1;
	_ =	strace $0x80000046;
	[dreg:$0x1] =	wrdreg $0xFFFFFFFF  }
0xae: {  	s28 =	simm.s32 $_size_execute0_lowered;
	s5 =	sadd.s32 s5, s7;
	[dreg:$0x0] =	wrdreg $0x0  }
0xaf: {  	s7 =	sshll.u32 s28, $0x1;
	[dreg:$0x2] =	wrdreg s5  }
0xb0: {  	[dreg:$0x3] =	wrdreg s7  }
0xb1: {  	[dreg:$0x4] =	wrdreg $0xC0  }
0xb2: {  	_ =	task [dreg:s9], $0x5FFFF  }
0xb3: {  	[dreg:$0x1] =	wrdreg $0xFFFFFFFF  }
0xb4: {  	[dreg:$0x0] =	wrdreg $0x60  }
0xb5: {  	[dreg:$0x2] =	wrdreg s15  }
0xb6: {  	[dreg:$0x3] =	wrdreg s4  }
0xb7: {  	[dreg:$0x4] =	wrdreg s16  }
0xb8: {  	[dreg:$0x5] =	wrdreg s24  }
0xb9: {  	[dreg:$0x6] =	wrdreg $0x9  }
0xba: {  	_ =	task.clear_ibuf [dreg:s9], $0x7FFFF;
	_ =	strace $0x90000046  }
0xbb: {  	s29 =	simm.s32 $0x9;
	_ =	strace $0x80000048  }
0xbc: {  	_ =	swait.ge [sflag:s29], $0x1  }
0xbd: {  	[sflag:s29] =	ssyncadd.s32 $0xFFFFFFFF  }
0xbe: {  	_ =	strace $0x90000048  }
0xbf: {  	_ =	sfence  }
0xc0: {  	s30 =	sld [smem:$0x0];
	_ =	sdelay $0x2  }
0xc1: {  	s31 =	sshll.u32 s1, $0xD;
	s1 =	sshrl.u32 s1, $0x2  }
0xc2: {  	s3 =	sand.u32 $0x4000, s31;
	s1 =	sadd.s32 s1, s30  }
0xc3: {  	s0 =	sor.u32 s3, s0;
	s1 =	sshll.u32 s1, $0x11  }
0xc4: {  	s0 =	sor.u32 s1, s0  }
0xc5: {  	s0 =	sadd.s32 $0x8F2B, s0  }
0xc6: {  	[sflag:s0] =	ssyncadd.remote.s32 $0x1  }
0xc7: {  	_ =	sfence.sel $0xFFFF  }
0xc8: {  	[dreg:$0x0] =	wrdreg $0xFFFFFFFF;
	(pc) =	sbr.abs _section_cstart, $3  }
0xc9: {  	[dreg:$0x1] =	wrdreg $0xFFFFFFFF  }
0xca: {  	_ =	task.clear_ibuf [dreg:s9], $0x2FFFF;
	_ =	strace $0x9FFFFFFF  }
0xcb: {  	(tm) =	ssettm $0x7FFFFFFF  }
tec
execute0_lowered:
.L_overlay_start_1:
0x0: {  	(tag) =	ssettag $0x1  }
0x1: {  	s0 =	rddreg [dreg:$0x0]  }
0x2: {  	s1 =	rddreg [dreg:$0x1]  }
0x3: {  	s2 =	rddreg [dreg:$0x2]  }
0x4: {  	s4 =	rddreg [dreg:$0x3];
	s3 =	simm.s32 $0x0;
	s7 =	stileid.u32  }
0x5: {  	s5 =	srdreg.scid;
	s14 =	simm.s32 $0x7;
	s15 =	simm.s32 $0x80  }
0x6: {  	s29 =	simm.s32 $0x6880;
	s30 =	simm.s32 $0x7080;
	s31 =	simm.s32 $0x7880  }
0x7: {  	s16 =	simm.s32 $0x1;
	s17 =	simm.s32 $0x4;
	s18 =	simm.s32 $0x2  }
0x8: {  	s19 =	simm.s32 $0x3;
	s20 =	simm.s32 $0x5;
	s21 =	simm.s32 $0x6  }
0x9: {  	s22 =	simm.s32 $0x18080;
	[smem:$0x7FF] =	sst s3;
	s6 =	sshll.u32 s7, $0x8  }
0xa: {  	s5 =	sand.u32 $0x1, s5;
	s7 =	sshll.u32 s7, $0x1;
	_ =	strace $0x80000047  }
0xb: {  	s6 =	sand.u32 $0xC00, s6;
	s8 =	ssub.s32 $0x2, s5;
	s5 =	sor.u32 s5, s7  }
0xc: {  	s4 =	sadd.s32 s6, s4;
	s25 =	sshrl.u32 s8, $0x1;
	s10 =	sshll.u32 s5, $0x4  }
0xd: {  	s26 =	sshll.u32 s5, $0xE;
	s5 =	sadd.s32 $0x100, s1;
	s6 =	sadd.s32 $0x200, s1  }
0xe: {  	s13 =	ssub.s32 s8, s25;
	s0 =	sadd.s32 s0, s10;
	s7 =	sadd.s32 s2, s26  }
0xf: {  	s8 =	sadd.s32 $0x300, s1;
	s28 =	sand.u32 $0x70, s10;
	s2 =	simm.s32 $0x10080  }
0x10: {  	v2 =	vlaneseq.u32;
	[dreg:$0x5] =	wrdreg s0;
	s9 =	sadd.s32 $0x1000, s7;
	s10 =	sadd.s32 $0x2000, s7  }
0x11: {  	vm0 =	vmmov $0xffff;
	v3 =	vimm.f32 $0.0e+00;
	v1 =	vshrl.u32 v2, $0x3;
	s11 =	sadd.s32 $0x3000, s7;
	s0 =	sadd.s32 s28, s4;
	s13 =	smax.u32 s13, $0x1  }
0x12: {  	v0 =	vand.u32 $0x7, v2;
	v2 =	vor.u32 $0x8, v2;
	v1 =	vmul.u32 $0x8, v1;
	s4 =	simm.s32 $0x0;
	s12 =	sadd.s32 $0xC00, s0;
	s0 =	simm.s32 $0x8080  }
.LBB2_1:
0x13: {  	s23 =	rddreg [dreg:$0x5]  }
0x14: {  	[tilespmem:s3], [sflag:$0x7] =	stream.linear.gather [hbm4b:s23+s3], $0x80, $0x38;
	[tilespmem:$0x18480] =	vst v63  }
0x15: {  	_ =	swait.ge [sflag:s14], $0x80  }
0x16: {  	[sflag:s14] =	ssyncset.done $0x0  }
0x17: {  	[sflag:s14] =	ssyncadd.s32 $0xFFFFFF80  }
0x18: {  	v4 =	vld [tilespmem:$0x0];
	_ =	sdelay $0x4  }
0x19: {  	v5 =	vshll.u32 v4, $0x3  }
0x1a: {  	v4 =	vand.u32 $0x7, v4;
	v5 =	vand.u32 $0xFFFFFFC0, v5  }
0x1b: {  	v4 =	vor.u32 v4, v5  }
0x1c: {  	v5 =	vperm.xlane v4, v0;
	_ =	sdelay $0x1  }
0x1d: {  	v5 =	vadd.s32 v1, v5;
	_ =	sdelay $0x4  }
0x1e: {  	[tilespmem:s15], [sflag:$0x1] =	stream.indirect_vreg.gather [hbm4b:s1+s3], $0x80, v5, vm0, $0xb8;
	[tilespmem:$0x18480] =	vst v63  }
0x1f: {  	s28 =	simm.s32 $0x880;
	v4 =	vperm.xlane v4, v2  }
0x20: {  	[tilespmem:s28], [sflag:$0x1] =	stream.indirect_vreg.gather [hbm4b:s5+s3], $0x80, v5, vm0, $0xb8;
	[tilespmem:$0x18480] =	vst v63  }
0x21: {  	s24 =	simm.s32 $0x1080;
	v4 =	vadd.s32 v1, v4  }
0x22: {  	[tilespmem:s24], [sflag:$0x1] =	stream.indirect_vreg.gather [hbm4b:s6+s3], $0x80, v5, vm0, $0xb8;
	[tilespmem:$0x18480] =	vst v63  }
0x23: {  	s25 =	simm.s32 $0x1880  }
0x24: {  	[tilespmem:s25], [sflag:$0x1] =	stream.indirect_vreg.gather [hbm4b:s8+s3], $0x80, v5, vm0, $0xb8;
	[tilespmem:$0x18480] =	vst v63  }
0x25: {  	s26 =	simm.s32 $0x2080  }
0x26: {  	[tilespmem:s26], [sflag:$0x1] =	stream.indirect_vreg.gather [hbm4b:s1+s3], $0x80, v4, vm0, $0xb8;
	[tilespmem:$0x18480] =	vst v63  }
0x27: {  	s28 =	simm.s32 $0x2880  }
0x28: {  	[tilespmem:s28], [sflag:$0x1] =	stream.indirect_vreg.gather [hbm4b:s5+s3], $0x80, v4, vm0, $0xb8;
	[tilespmem:$0x18480] =	vst v63  }
0x29: {  	s24 =	simm.s32 $0x3080  }
0x2a: {  	[tilespmem:s24], [sflag:$0x1] =	stream.indirect_vreg.gather [hbm4b:s6+s3], $0x80, v4, vm0, $0xb8;
	[tilespmem:$0x18480] =	vst v63  }
0x2b: {  	s25 =	simm.s32 $0x3880  }
0x2c: {  	[tilespmem:s25], [sflag:$0x1] =	stream.indirect_vreg.gather [hbm4b:s8+s3], $0x80, v4, vm0, $0xb8;
	[tilespmem:$0x18480] =	vst v63  }
0x2d: {  	v4 =	vld [tilespmem:$0x10];
	_ =	sdelay $0x4  }
0x2e: {  	v5 =	vshll.u32 v4, $0x3  }
0x2f: {  	v4 =	vand.u32 $0x7, v4;
	v5 =	vand.u32 $0xFFFFFFC0, v5  }
0x30: {  	v4 =	vor.u32 v4, v5  }
0x31: {  	v5 =	vperm.xlane v4, v0;
	_ =	sdelay $0x1  }
0x32: {  	v5 =	vadd.s32 v1, v5;
	_ =	sdelay $0x3  }
0x33: {  	s26 =	simm.s32 $0x4080  }
0x34: {  	[tilespmem:s26], [sflag:$0x1] =	stream.indirect_vreg.gather [hbm4b:s1+s3], $0x80, v5, vm0, $0xb8;
	[tilespmem:$0x18480] =	vst v63  }
0x35: {  	s28 =	simm.s32 $0x4880;
	v4 =	vperm.xlane v4, v2  }
0x36: {  	[tilespmem:s28], [sflag:$0x1] =	stream.indirect_vreg.gather [hbm4b:s5+s3], $0x80, v5, vm0, $0xb8;
	[tilespmem:$0x18480] =	vst v63  }
0x37: {  	s24 =	simm.s32 $0x5080;
	v4 =	vadd.s32 v1, v4  }
0x38: {  	[tilespmem:s24], [sflag:$0x1] =	stream.indirect_vreg.gather [hbm4b:s6+s3], $0x80, v5, vm0, $0xb8;
	[tilespmem:$0x18480] =	vst v63  }
0x39: {  	s25 =	simm.s32 $0x5880  }
0x3a: {  	[tilespmem:s25], [sflag:$0x1] =	stream.indirect_vreg.gather [hbm4b:s8+s3], $0x80, v5, vm0, $0xb8;
	[tilespmem:$0x18480] =	vst v63  }
0x3b: {  	s26 =	simm.s32 $0x6080  }
0x3c: {  	[tilespmem:s26], [sflag:$0x1] =	stream.indirect_vreg.gather [hbm4b:s1+s3], $0x80, v4, vm0, $0xb8;
	[tilespmem:$0x18480] =	vst v63  }
0x3d: {  	_ = 	snop  }
0x3e: {  	[tilespmem:s29], [sflag:$0x1] =	stream.indirect_vreg.gather [hbm4b:s5+s3], $0x80, v4, vm0, $0xb8;
	[tilespmem:$0x18480] =	vst v63  }
0x3f: {  	_ = 	snop  }
0x40: {  	[tilespmem:s30], [sflag:$0x1] =	stream.indirect_vreg.gather [hbm4b:s6+s3], $0x80, v4, vm0, $0xb8;
	[tilespmem:$0x18480] =	vst v63  }
0x41: {  	_ = 	snop  }
0x42: {  	[tilespmem:s31], [sflag:$0x1] =	stream.indirect_vreg.gather [hbm4b:s8+s3], $0x80, v4, vm0, $0xb8;
	[tilespmem:$0x18480] =	vst v63  }
0x43: {  	v4 =	vld [tilespmem:$0x20];
	_ =	sdelay $0x4  }
0x44: {  	v5 =	vshll.u32 v4, $0x3  }
0x45: {  	v4 =	vand.u32 $0x7, v4;
	v5 =	vand.u32 $0xFFFFFFC0, v5  }
0x46: {  	v4 =	vor.u32 v4, v5  }
0x47: {  	v5 =	vperm.xlane v4, v0;
	_ =	sdelay $0x1  }
0x48: {  	v5 =	vadd.s32 v1, v5;
	_ =	sdelay $0x4  }
0x49: {  	[tilespmem:s0], [sflag:$0x2] =	stream.indirect_vreg.gather [hbm4b:s1+s3], $0x80, v5, vm0, $0xb8;
	[tilespmem:$0x18480] =	vst v63  }
0x4a: {  	s28 =	simm.s32 $0x8880;
	v4 =	vperm.xlane v4, v2  }
0x4b: {  	[tilespmem:s28], [sflag:$0x2] =	stream.indirect_vreg.gather [hbm4b:s5+s3], $0x80, v5, vm0, $0xb8;
	[tilespmem:$0x18480] =	vst v63  }
0x4c: {  	s24 =	simm.s32 $0x9080;
	v4 =	vadd.s32 v1, v4  }
0x4d: {  	[tilespmem:s24], [sflag:$0x2] =	stream.indirect_vreg.gather [hbm4b:s6+s3], $0x80, v5, vm0, $0xb8;
	[tilespmem:$0x18480] =	vst v63  }
0x4e: {  	s25 =	simm.s32 $0x9880  }
0x4f: {  	[tilespmem:s25], [sflag:$0x2] =	stream.indirect_vreg.gather [hbm4b:s8+s3], $0x80, v5, vm0, $0xb8;
	[tilespmem:$0x18480] =	vst v63  }
0x50: {  	s26 =	simm.s32 $0xA080  }
0x51: {  	[tilespmem:s26], [sflag:$0x2] =	stream.indirect_vreg.gather [hbm4b:s1+s3], $0x80, v4, vm0, $0xb8;
	[tilespmem:$0x18480] =	vst v63  }
0x52: {  	s28 =	simm.s32 $0xA880  }
0x53: {  	[tilespmem:s28], [sflag:$0x2] =	stream.indirect_vreg.gather [hbm4b:s5+s3], $0x80, v4, vm0, $0xb8;
	[tilespmem:$0x18480] =	vst v63  }
0x54: {  	s24 =	simm.s32 $0xB080  }
0x55: {  	[tilespmem:s24], [sflag:$0x2] =	stream.indirect_vreg.gather [hbm4b:s6+s3], $0x80, v4, vm0, $0xb8;
	[tilespmem:$0x18480] =	vst v63  }
0x56: {  	s25 =	simm.s32 $0xB880  }
0x57: {  	[tilespmem:s25], [sflag:$0x2] =	stream.indirect_vreg.gather [hbm4b:s8+s3], $0x80, v4, vm0, $0xb8;
	[tilespmem:$0x18480] =	vst v63  }
0x58: {  	v4 =	vld [tilespmem:$0x30];
	_ =	sdelay $0x4  }
0x59: {  	v5 =	vshll.u32 v4, $0x3  }
0x5a: {  	v4 =	vand.u32 $0x7, v4;
	v5 =	vand.u32 $0xFFFFFFC0, v5  }
0x5b: {  	v4 =	vor.u32 v4, v5  }
0x5c: {  	v5 =	vperm.xlane v4, v0;
	_ =	sdelay $0x1  }
0x5d: {  	v5 =	vadd.s32 v1, v5;
	_ =	sdelay $0x3  }
0x5e: {  	s26 =	simm.s32 $0xC080  }
0x5f: {  	[tilespmem:s26], [sflag:$0x2] =	stream.indirect_vreg.gather [hbm4b:s1+s3], $0x80, v5, vm0, $0xb8;
	[tilespmem:$0x18480] =	vst v63  }
0x60: {  	s28 =	simm.s32 $0xC880;
	v4 =	vperm.xlane v4, v2  }
0x61: {  	[tilespmem:s28], [sflag:$0x2] =	stream.indirect_vreg.gather [hbm4b:s5+s3], $0x80, v5, vm0, $0xb8;
	[tilespmem:$0x18480] =	vst v63  }
0x62: {  	s24 =	simm.s32 $0xD080;
	v4 =	vadd.s32 v1, v4  }
0x63: {  	[tilespmem:s24], [sflag:$0x2] =	stream.indirect_vreg.gather [hbm4b:s6+s3], $0x80, v5, vm0, $0xb8;
	[tilespmem:$0x18480] =	vst v63  }
0x64: {  	s25 =	simm.s32 $0xD880  }
0x65: {  	[tilespmem:s25], [sflag:$0x2] =	stream.indirect_vreg.gather [hbm4b:s8+s3], $0x80, v5, vm0, $0xb8;
	[tilespmem:$0x18480] =	vst v63  }
0x66: {  	s26 =	simm.s32 $0xE080  }
0x67: {  	[tilespmem:s26], [sflag:$0x2] =	stream.indirect_vreg.gather [hbm4b:s1+s3], $0x80, v4, vm0, $0xb8;
	[tilespmem:$0x18480] =	vst v63  }
0x68: {  	s28 =	simm.s32 $0xE880  }
0x69: {  	[tilespmem:s28], [sflag:$0x2] =	stream.indirect_vreg.gather [hbm4b:s5+s3], $0x80, v4, vm0, $0xb8;
	[tilespmem:$0x18480] =	vst v63  }
0x6a: {  	s24 =	simm.s32 $0xF080  }
0x6b: {  	[tilespmem:s24], [sflag:$0x2] =	stream.indirect_vreg.gather [hbm4b:s6+s3], $0x80, v4, vm0, $0xb8;
	[tilespmem:$0x18480] =	vst v63  }
0x6c: {  	s25 =	simm.s32 $0xF880  }
0x6d: {  	[tilespmem:s25], [sflag:$0x2] =	stream.indirect_vreg.gather [hbm4b:s8+s3], $0x80, v4, vm0, $0xb8;
	[tilespmem:$0x18480] =	vst v63  }
0x6e: {  	v4 =	vld [tilespmem:$0x40];
	_ =	sdelay $0x4  }
0x6f: {  	v5 =	vshll.u32 v4, $0x3  }
0x70: {  	v4 =	vand.u32 $0x7, v4;
	v5 =	vand.u32 $0xFFFFFFC0, v5  }
0x71: {  	v4 =	vor.u32 v4, v5  }
0x72: {  	v5 =	vperm.xlane v4, v0;
	_ =	sdelay $0x1  }
0x73: {  	v5 =	vadd.s32 v1, v5;
	_ =	sdelay $0x4  }
0x74: {  	[tilespmem:s2], [sflag:$0x3] =	stream.indirect_vreg.gather [hbm4b:s1+s3], $0x80, v5, vm0, $0xb8;
	[tilespmem:$0x18480] =	vst v63  }
0x75: {  	s26 =	simm.s32 $0x10880;
	v4 =	vperm.xlane v4, v2  }
0x76: {  	[tilespmem:s26], [sflag:$0x3] =	stream.indirect_vreg.gather [hbm4b:s5+s3], $0x80, v5, vm0, $0xb8;
	[tilespmem:$0x18480] =	vst v63  }
0x77: {  	s28 =	simm.s32 $0x11080;
	v4 =	vadd.s32 v1, v4  }
0x78: {  	[tilespmem:s28], [sflag:$0x3] =	stream.indirect_vreg.gather [hbm4b:s6+s3], $0x80, v5, vm0, $0xb8;
	[tilespmem:$0x18480] =	vst v63  }
0x79: {  	s24 =	simm.s32 $0x11880  }
0x7a: {  	[tilespmem:s24], [sflag:$0x3] =	stream.indirect_vreg.gather [hbm4b:s8+s3], $0x80, v5, vm0, $0xb8;
	[tilespmem:$0x18480] =	vst v63  }
0x7b: {  	s25 =	simm.s32 $0x12080  }
0x7c: {  	[tilespmem:s25], [sflag:$0x3] =	stream.indirect_vreg.gather [hbm4b:s1+s3], $0x80, v4, vm0, $0xb8;
	[tilespmem:$0x18480] =	vst v63  }
0x7d: {  	s26 =	simm.s32 $0x12880  }
0x7e: {  	[tilespmem:s26], [sflag:$0x3] =	stream.indirect_vreg.gather [hbm4b:s5+s3], $0x80, v4, vm0, $0xb8;
	[tilespmem:$0x18480] =	vst v63  }
0x7f: {  	s28 =	simm.s32 $0x13080  }
0x80: {  	[tilespmem:s28], [sflag:$0x3] =	stream.indirect_vreg.gather [hbm4b:s6+s3], $0x80, v4, vm0, $0xb8;
	[tilespmem:$0x18480] =	vst v63  }
0x81: {  	s24 =	simm.s32 $0x13880  }
0x82: {  	[tilespmem:s24], [sflag:$0x3] =	stream.indirect_vreg.gather [hbm4b:s8+s3], $0x80, v4, vm0, $0xb8;
	[tilespmem:$0x18480] =	vst v63  }
0x83: {  	v4 =	vld [tilespmem:$0x50];
	_ =	sdelay $0x4  }
0x84: {  	v5 =	vshll.u32 v4, $0x3  }
0x85: {  	v4 =	vand.u32 $0x7, v4;
	v5 =	vand.u32 $0xFFFFFFC0, v5  }
0x86: {  	v4 =	vor.u32 v4, v5  }
0x87: {  	v5 =	vperm.xlane v4, v0;
	_ =	sdelay $0x1  }
0x88: {  	v5 =	vadd.s32 v1, v5;
	_ =	sdelay $0x3  }
0x89: {  	s25 =	simm.s32 $0x14080  }
0x8a: {  	[tilespmem:s25], [sflag:$0x3] =	stream.indirect_vreg.gather [hbm4b:s1+s3], $0x80, v5, vm0, $0xb8;
	[tilespmem:$0x18480] =	vst v63  }
0x8b: {  	s26 =	simm.s32 $0x14880;
	v4 =	vperm.xlane v4, v2  }
0x8c: {  	[tilespmem:s26], [sflag:$0x3] =	stream.indirect_vreg.gather [hbm4b:s5+s3], $0x80, v5, vm0, $0xb8;
	[tilespmem:$0x18480] =	vst v63  }
0x8d: {  	s28 =	simm.s32 $0x15080;
	v4 =	vadd.s32 v1, v4  }
0x8e: {  	[tilespmem:s28], [sflag:$0x3] =	stream.indirect_vreg.gather [hbm4b:s6+s3], $0x80, v5, vm0, $0xb8;
	[tilespmem:$0x18480] =	vst v63  }
0x8f: {  	s24 =	simm.s32 $0x15880  }
0x90: {  	[tilespmem:s24], [sflag:$0x3] =	stream.indirect_vreg.gather [hbm4b:s8+s3], $0x80, v5, vm0, $0xb8;
	[tilespmem:$0x18480] =	vst v63  }
0x91: {  	s25 =	simm.s32 $0x16080  }
0x92: {  	[tilespmem:s25], [sflag:$0x3] =	stream.indirect_vreg.gather [hbm4b:s1+s3], $0x80, v4, vm0, $0xb8;
	[tilespmem:$0x18480] =	vst v63  }
0x93: {  	s26 =	simm.s32 $0x16880  }
0x94: {  	[tilespmem:s26], [sflag:$0x3] =	stream.indirect_vreg.gather [hbm4b:s5+s3], $0x80, v4, vm0, $0xb8;
	[tilespmem:$0x18480] =	vst v63  }
0x95: {  	s28 =	simm.s32 $0x17080  }
0x96: {  	[tilespmem:s28], [sflag:$0x3] =	stream.indirect_vreg.gather [hbm4b:s6+s3], $0x80, v4, vm0, $0xb8;
	[tilespmem:$0x18480] =	vst v63  }
0x97: {  	s24 =	simm.s32 $0x17880  }
0x98: {  	[tilespmem:s24], [sflag:$0x3] =	stream.indirect_vreg.gather [hbm4b:s8+s3], $0x80, v4, vm0, $0xb8;
	[tilespmem:$0x18480] =	vst v63  }
0x99: {  	[tilespmem:$0x18080] =	vst v3  }
0x9a: {  	[tilespmem:$0x18090] =	vst v3  }
0x9b: {  	[tilespmem:$0x180A0] =	vst v3  }
0x9c: {  	[tilespmem:$0x180B0] =	vst v3  }
0x9d: {  	[tilespmem:$0x180C0] =	vst v3  }
0x9e: {  	[tilespmem:$0x180D0] =	vst v3  }
0x9f: {  	[tilespmem:$0x180E0] =	vst v3  }
0xa0: {  	[tilespmem:$0x180F0] =	vst v3  }
0xa1: {  	[tilespmem:$0x18100] =	vst v3  }
0xa2: {  	[tilespmem:$0x18110] =	vst v3  }
0xa3: {  	[tilespmem:$0x18120] =	vst v3  }
0xa4: {  	[tilespmem:$0x18130] =	vst v3  }
0xa5: {  	[tilespmem:$0x18140] =	vst v3  }
0xa6: {  	[tilespmem:$0x18150] =	vst v3  }
0xa7: {  	[tilespmem:$0x18160] =	vst v3  }
0xa8: {  	[tilespmem:$0x18170] =	vst v3  }
0xa9: {  	[tilespmem:$0x18180] =	vst v3  }
0xaa: {  	[tilespmem:$0x18190] =	vst v3  }
0xab: {  	[tilespmem:$0x181A0] =	vst v3  }
0xac: {  	[tilespmem:$0x181B0] =	vst v3  }
0xad: {  	[tilespmem:$0x181C0] =	vst v3  }
0xae: {  	[tilespmem:$0x181D0] =	vst v3  }
0xaf: {  	[tilespmem:$0x181E0] =	vst v3  }
0xb0: {  	[tilespmem:$0x181F0] =	vst v3  }
0xb1: {  	[tilespmem:$0x18200] =	vst v3  }
0xb2: {  	[tilespmem:$0x18210] =	vst v3  }
0xb3: {  	[tilespmem:$0x18220] =	vst v3  }
0xb4: {  	[tilespmem:$0x18230] =	vst v3  }
0xb5: {  	[tilespmem:$0x18240] =	vst v3  }
0xb6: {  	[tilespmem:$0x18250] =	vst v3  }
0xb7: {  	[tilespmem:$0x18260] =	vst v3  }
0xb8: {  	[tilespmem:$0x18270] =	vst v3  }
0xb9: {  	[tilespmem:$0x18280] =	vst v3  }
0xba: {  	[tilespmem:$0x18290] =	vst v3  }
0xbb: {  	[tilespmem:$0x182A0] =	vst v3  }
0xbc: {  	[tilespmem:$0x182B0] =	vst v3  }
0xbd: {  	[tilespmem:$0x182C0] =	vst v3  }
0xbe: {  	[tilespmem:$0x182D0] =	vst v3  }
0xbf: {  	[tilespmem:$0x182E0] =	vst v3  }
0xc0: {  	[tilespmem:$0x182F0] =	vst v3  }
0xc1: {  	[tilespmem:$0x18300] =	vst v3  }
0xc2: {  	[tilespmem:$0x18310] =	vst v3  }
0xc3: {  	[tilespmem:$0x18320] =	vst v3  }
0xc4: {  	[tilespmem:$0x18330] =	vst v3  }
0xc5: {  	[tilespmem:$0x18340] =	vst v3  }
0xc6: {  	[tilespmem:$0x18350] =	vst v3  }
0xc7: {  	[tilespmem:$0x18360] =	vst v3  }
0xc8: {  	[tilespmem:$0x18370] =	vst v3  }
0xc9: {  	[tilespmem:$0x18380] =	vst v3  }
0xca: {  	[tilespmem:$0x18390] =	vst v3  }
0xcb: {  	[tilespmem:$0x183A0] =	vst v3  }
0xcc: {  	[tilespmem:$0x183B0] =	vst v3  }
0xcd: {  	[tilespmem:$0x183C0] =	vst v3  }
0xce: {  	[tilespmem:$0x183D0] =	vst v3  }
0xcf: {  	[tilespmem:$0x183E0] =	vst v3  }
0xd0: {  	[tilespmem:$0x183F0] =	vst v3  }
0xd1: {  	[tilespmem:$0x18400] =	vst v3  }
0xd2: {  	[tilespmem:$0x18410] =	vst v3  }
0xd3: {  	[tilespmem:$0x18420] =	vst v3  }
0xd4: {  	[tilespmem:$0x18430] =	vst v3  }
0xd5: {  	[tilespmem:$0x18440] =	vst v3  }
0xd6: {  	[tilespmem:$0x18450] =	vst v3  }
0xd7: {  	[tilespmem:$0x18460] =	vst v3  }
0xd8: {  	[tilespmem:$0x18470] =	vst v3  }
0xd9: {  	_ =	swait.ge [sflag:s16], $0x8000  }
0xda: {  	s25 =	sand.u32 $0x70, s3;
	s24 =	sand.u32 $0x1C00, s3;
	[sflag:s16] =	ssyncset.done $0x0  }
0xdb: {  	s23 =	sor.u32 s25, s24;
	[sflag:s16] =	ssyncadd.s32 $0xFFFF8000  }
0xdc: {  	[hbm4b:s7+s3] =	stream.linear.scatter [tilespmem:s15], [sflag:$0x4], $0x8000, $0x38;
	[tilespmem:$0x18480] =	vst v63  }
0xdd: {  	v4 =	vld [tilespmem:s23+$0x6280]  }
0xde: {  	v5 =	vld [tilespmem:s23+$0x6300]  }
0xdf: {  	v6 =	vld [tilespmem:s23+$0x6080]  }
0xe0: {  	v7 =	vld [tilespmem:s23+$0x6100]  }
0xe1: {  	v8 =	vld [tilespmem:s23+$0x4280]  }
0xe2: {  	v9 =	vld [tilespmem:s23+$0x4300]  }
0xe3: {  	v10 =	vld [tilespmem:s23+$0x4080]  }
0xe4: {  	v11 =	vld [tilespmem:s23+$0x4100]  }
0xe5: {  	v12 =	vld [tilespmem:s23+$0x2280]  }
0xe6: {  	v13 =	vld [tilespmem:s23+$0x2300]  }
0xe7: {  	v14 =	vld [tilespmem:s23+$0x2080]  }
0xe8: {  	v15 =	vld [tilespmem:s23+$0x2100]  }
0xe9: {  	v16 =	vld [tilespmem:s23+$0x280]  }
0xea: {  	v17 =	vld [tilespmem:s23+$0x300]  }
0xeb: {  	v18 =	vld [tilespmem:s23+$0x80]  }
0xec: {  	v19 =	vld [tilespmem:s23+$0x100]  }
0xed: {  	v20 =	vld [tilespmem:s23+$0x180]  }
0xee: {  	v21 =	vld [tilespmem:s23+$0x200]  }
0xef: {  	v22 =	vld [tilespmem:s23+$0x380]  }
0xf0: {  	v23 =	vld [tilespmem:s23+$0x400]  }
0xf1: {  	v24 =	vld [tilespmem:s23+$0x2180]  }
0xf2: {  	v25 =	vld [tilespmem:s23+$0x2200];
	v18 =	vadd.f32 $0.0e+00, v18;
	v19 =	vadd.f32 $0.0e+00, v19  }
0xf3: {  	v26 =	vld [tilespmem:s23+$0x2380];
	v20 =	vadd.f32 $0.0e+00, v20;
	v21 =	vadd.f32 $0.0e+00, v21  }
0xf4: {  	v16 =	vadd.f32 v16, v18;
	v17 =	vadd.f32 v17, v19;
	v18 =	vld [tilespmem:s23+$0x2400]  }
0xf5: {  	v63 =	vld [tilespmem:s23+$0x4180];
	v19 =	vadd.f32 v22, v20;
	v20 =	vadd.f32 v23, v21  }
0xf6: {  	v14 =	vadd.f32 v14, v16;
	v15 =	vadd.f32 v15, v17;
	v16 =	vld [tilespmem:s23+$0x4200]  }
0xf7: {  	v17 =	vadd.f32 v24, v19;
	v19 =	vadd.f32 v25, v20;
	v20 =	vld [tilespmem:s23+$0x4380]  }
0xf8: {  	v12 =	vadd.f32 v12, v14;
	v13 =	vadd.f32 v13, v15;
	v14 =	vld [tilespmem:s23+$0x4400]  }
0xf9: {  	v15 =	vadd.f32 v26, v17;
	v17 =	vadd.f32 v18, v19;
	v18 =	vld [tilespmem:s23+$0x6180]  }
0xfa: {  	v10 =	vadd.f32 v10, v12;
	v11 =	vadd.f32 v11, v13;
	v12 =	vld [tilespmem:s23+$0x6200]  }
0xfb: {  	v13 =	vadd.f32 v63, v15;
	v15 =	vadd.f32 v16, v17;
	v16 =	vld [tilespmem:s23+$0x6380]  }
0xfc: {  	v8 =	vadd.f32 v8, v10;
	v9 =	vadd.f32 v9, v11;
	v10 =	vld [tilespmem:s23+$0x6400]  }
0xfd: {  	v11 =	vadd.f32 v20, v13;
	v13 =	vadd.f32 v14, v15  }
0xfe: {  	v6 =	vadd.f32 v6, v8;
	v7 =	vadd.f32 v7, v9  }
0xff: {  	v8 =	vadd.f32 v18, v11;
	v9 =	vadd.f32 v12, v13  }
0x100: {  	v4 =	vadd.f32 v4, v6;
	v5 =	vadd.f32 v5, v7  }
0x101: {  	v6 =	vadd.f32 v16, v8;
	v7 =	vadd.f32 v10, v9;
	_ =	sdelay $0x1  }
0x102: {  	v4 =	vadd.f32 v5, v4;
	v5 =	vadd.f32 v7, v6;
	_ =	sdelay $0x1  }
0x103: {  	s26 =	simm.s32 $0x10;
	s25 =	simm.s32 $0x80;
	v4 =	vadd.f32 v5, v4  }
0x104: {  	s28 =	sand.u32 $0x1C00, s25;
	s23 =	sand.u32 $0x70, s26  }
0x105: {  	s24 =	sor.u32 s23, s28;
	[tilespmem:s22+$0x0] =	vst.add.f32.msk $0xffff, v4  }
0x106: {  	v4 =	vld [tilespmem:s24+$0x6280]  }
0x107: {  	v5 =	vld [tilespmem:s24+$0x6300]  }
0x108: {  	v6 =	vld [tilespmem:s24+$0x6080]  }
0x109: {  	v7 =	vld [tilespmem:s24+$0x6100]  }
0x10a: {  	v8 =	vld [tilespmem:s24+$0x4280]  }
0x10b: {  	v9 =	vld [tilespmem:s24+$0x4300]  }
0x10c: {  	v10 =	vld [tilespmem:s24+$0x4080]  }
0x10d: {  	v11 =	vld [tilespmem:s24+$0x4100]  }
0x10e: {  	v12 =	vld [tilespmem:s24+$0x2280]  }
0x10f: {  	v13 =	vld [tilespmem:s24+$0x2300]  }
0x110: {  	v14 =	vld [tilespmem:s24+$0x2080]  }
0x111: {  	v15 =	vld [tilespmem:s24+$0x2100]  }
0x112: {  	v16 =	vld [tilespmem:s24+$0x280]  }
0x113: {  	v17 =	vld [tilespmem:s24+$0x300]  }
0x114: {  	v18 =	vld [tilespmem:s24+$0x80]  }
0x115: {  	s26 =	simm.s32 $0x20;
	s23 =	simm.s32 $0x18080;
	v19 =	vld [tilespmem:s24+$0x100]  }
.LBB2_2:
0x116: {  	p0 =	sne.s32 s26, $0x3F0;
	v20 =	vld [tilespmem:s24+$0x180]  }
0x117: {  	v21 =	vld [tilespmem:s24+$0x200]  }
0x118: {  	v22 =	vld [tilespmem:s24+$0x380]  }
0x119: {  	v23 =	vld [tilespmem:s24+$0x400]  }
0x11a: {  	v24 =	vld [tilespmem:s24+$0x2180]  }
0x11b: {  	v18 =	vadd.f32 $0.0e+00, v18;
	v19 =	vadd.f32 $0.0e+00, v19;
	v25 =	vld [tilespmem:s24+$0x2200]  }
0x11c: {  	v20 =	vadd.f32 $0.0e+00, v20;
	v21 =	vadd.f32 $0.0e+00, v21;
	v26 =	vld [tilespmem:s24+$0x2380]  }
0x11d: {  	v16 =	vadd.f32 v16, v18;
	v17 =	vadd.f32 v17, v19;
	v18 =	vld [tilespmem:s24+$0x2400]  }
0x11e: {  	v19 =	vadd.f32 v22, v20;
	v20 =	vadd.f32 v23, v21;
	v21 =	vld [tilespmem:s24+$0x4180]  }
0x11f: {  	v14 =	vadd.f32 v14, v16;
	v15 =	vadd.f32 v15, v17;
	v16 =	vld [tilespmem:s24+$0x4200]  }
0x120: {  	v17 =	vadd.f32 v24, v19;
	v19 =	vadd.f32 v25, v20;
	v20 =	vld [tilespmem:s24+$0x4380]  }
0x121: {  	v12 =	vadd.f32 v12, v14;
	v13 =	vadd.f32 v13, v15;
	v14 =	vld [tilespmem:s24+$0x4400]  }
0x122: {  	v15 =	vadd.f32 v26, v17;
	v17 =	vadd.f32 v18, v19;
	v18 =	vld [tilespmem:s24+$0x6180]  }
0x123: {  	v10 =	vadd.f32 v10, v12;
	v11 =	vadd.f32 v11, v13;
	v12 =	vld [tilespmem:s24+$0x6200]  }
0x124: {  	v13 =	vadd.f32 v21, v15;
	v15 =	vadd.f32 v16, v17;
	v16 =	vld [tilespmem:s24+$0x6380]  }
0x125: {  	v8 =	vadd.f32 v8, v10;
	v9 =	vadd.f32 v9, v11;
	v10 =	vld [tilespmem:s24+$0x6400]  }
0x126: {  	v11 =	vadd.f32 v20, v13;
	v13 =	vadd.f32 v14, v15  }
0x127: {  	v6 =	vadd.f32 v6, v8;
	v7 =	vadd.f32 v7, v9  }
0x128: {  	v8 =	vadd.f32 v18, v11;
	v9 =	vadd.f32 v12, v13  }
0x129: {  	v4 =	vadd.f32 v4, v6;
	v5 =	vadd.f32 v5, v7  }
0x12a: {  	v6 =	vadd.f32 v16, v8;
	v7 =	vadd.f32 v10, v9;
	_ =	sdelay $0x1  }
0x12b: {  	v4 =	vadd.f32 v5, v4;
	v5 =	vadd.f32 v7, v6;
	_ =	sdelay $0x1  }
0x12c: {  	s25 =	sadd.s32 $0x80, s25;
	v4 =	vadd.f32 v5, v4  }
0x12d: {  	s23 =	sadd.s32 $0x10, s23;
	s28 =	sand.u32 $0x1C00, s25;
	s24 =	sand.u32 $0x70, s26  }
0x12e: {  	s24 =	sor.u32 s24, s28;
	[tilespmem:s23+$0x0] =	vst.add.f32.msk $0xffff, v4  }
0x12f: {  	v4 =	vld [tilespmem:s24+$0x6280]  }
0x130: {  	v5 =	vld [tilespmem:s24+$0x6300]  }
0x131: {  	v6 =	vld [tilespmem:s24+$0x6080]  }
0x132: {  	v7 =	vld [tilespmem:s24+$0x6100]  }
0x133: {  	v8 =	vld [tilespmem:s24+$0x4280]  }
0x134: {  	v9 =	vld [tilespmem:s24+$0x4300]  }
0x135: {  	v10 =	vld [tilespmem:s24+$0x4080]  }
0x136: {  	v11 =	vld [tilespmem:s24+$0x4100]  }
0x137: {  	v12 =	vld [tilespmem:s24+$0x2280]  }
0x138: {  	v13 =	vld [tilespmem:s24+$0x2300]  }
0x139: {  	v14 =	vld [tilespmem:s24+$0x2080]  }
.Ltmp0:
0x13a: {  	v15 =	vld [tilespmem:s24+$0x2100];
	(pc) =	sbr.rel @p0 .LBB2_2-.Ltmp0, $4  }
0x13b: {  	v16 =	vld [tilespmem:s24+$0x280]  }
0x13c: {  	v17 =	vld [tilespmem:s24+$0x300]  }
0x13d: {  	v18 =	vld [tilespmem:s24+$0x80]  }
0x13e: {  	s26 =	sadd.s32 $0x10, s26;
	v19 =	vld [tilespmem:s24+$0x100]  }
0x13f: {  	v20 =	vld [tilespmem:s24+$0x180]  }
0x140: {  	v21 =	vld [tilespmem:s24+$0x200]  }
0x141: {  	v22 =	vld [tilespmem:s24+$0x380]  }
0x142: {  	v23 =	vld [tilespmem:s24+$0x400]  }
0x143: {  	v24 =	vld [tilespmem:s24+$0x2180]  }
0x144: {  	v25 =	vld [tilespmem:s24+$0x2200];
	v18 =	vadd.f32 $0.0e+00, v18;
	v19 =	vadd.f32 $0.0e+00, v19  }
0x145: {  	v26 =	vld [tilespmem:s24+$0x2380];
	v20 =	vadd.f32 $0.0e+00, v20;
	v21 =	vadd.f32 $0.0e+00, v21  }
0x146: {  	v16 =	vadd.f32 v16, v18;
	v18 =	vld [tilespmem:s24+$0x2400];
	v17 =	vadd.f32 v17, v19  }
0x147: {  	v56 =	vld [tilespmem:s24+$0x4180];
	v19 =	vadd.f32 v22, v20;
	v20 =	vadd.f32 v23, v21  }
0x148: {  	v14 =	vadd.f32 v14, v16;
	v16 =	vld [tilespmem:s24+$0x4200];
	v15 =	vadd.f32 v15, v17  }
0x149: {  	v17 =	vadd.f32 v24, v19;
	v19 =	vadd.f32 v25, v20;
	v20 =	vld [tilespmem:s24+$0x4380]  }
0x14a: {  	v12 =	vadd.f32 v12, v14;
	v14 =	vld [tilespmem:s24+$0x4400];
	v13 =	vadd.f32 v13, v15  }
0x14b: {  	v15 =	vadd.f32 v26, v17;
	v17 =	vadd.f32 v18, v19;
	v18 =	vld [tilespmem:s24+$0x6180]  }
0x14c: {  	v10 =	vadd.f32 v10, v12;
	v12 =	vld [tilespmem:s24+$0x6200];
	v11 =	vadd.f32 v11, v13  }
0x14d: {  	v13 =	vadd.f32 v56, v15;
	v15 =	vadd.f32 v16, v17;
	v16 =	vld [tilespmem:s24+$0x6380]  }
0x14e: {  	v8 =	vadd.f32 v8, v10;
	v10 =	vld [tilespmem:s24+$0x6400];
	v9 =	vadd.f32 v9, v11  }
0x14f: {  	v11 =	vadd.f32 v20, v13;
	v13 =	vadd.f32 v14, v15  }
0x150: {  	v6 =	vadd.f32 v6, v8;
	v7 =	vadd.f32 v7, v9  }
0x151: {  	v8 =	vadd.f32 v18, v11;
	v9 =	vadd.f32 v12, v13  }
0x152: {  	v4 =	vadd.f32 v4, v6;
	v5 =	vadd.f32 v5, v7  }
0x153: {  	v6 =	vadd.f32 v16, v8;
	v7 =	vadd.f32 v10, v9;
	_ =	sdelay $0x1  }
0x154: {  	v4 =	vadd.f32 v5, v4;
	v5 =	vadd.f32 v7, v6;
	_ =	sdelay $0x1  }
0x155: {  	v4 =	vadd.f32 v5, v4  }
0x156: {  	s23 =	sadd.s32 $0x10, s23  }
0x157: {  	[tilespmem:s23+$0x0] =	vst.add.f32.msk $0xffff, v4  }
0x158: {  	_ =	swait.ge [sflag:s17], $0x8000  }
0x159: {  	[sflag:s17] =	ssyncset.done $0x0  }
0x15a: {  	[sflag:s17] =	ssyncadd.s32 $0xFFFF8000  }
0x15b: {  	v4 =	vld [tilespmem:$0x60];
	_ =	sdelay $0x4  }
0x15c: {  	v5 =	vshll.u32 v4, $0x3  }
0x15d: {  	v4 =	vand.u32 $0x7, v4;
	v5 =	vand.u32 $0xFFFFFFC0, v5  }
0x15e: {  	v4 =	vor.u32 v4, v5  }
0x15f: {  	v5 =	vperm.xlane v4, v0;
	_ =	sdelay $0x1  }
0x160: {  	v5 =	vadd.s32 v1, v5;
	_ =	sdelay $0x3  }
0x161: {  	s23 =	simm.s32 $0x0  }
0x162: {  	[tilespmem:s15], [sflag:$0x1] =	stream.indirect_vreg.gather [hbm4b:s1+s23], $0x80, v5, vm0, $0xb8;
	[tilespmem:$0x18480] =	vst v63  }
0x163: {  	s26 =	simm.s32 $0x880;
	v4 =	vperm.xlane v4, v2  }
0x164: {  	[tilespmem:s26], [sflag:$0x1] =	stream.indirect_vreg.gather [hbm4b:s5+s23], $0x80, v5, vm0, $0xb8;
	[tilespmem:$0x18480] =	vst v63  }
0x165: {  	s28 =	simm.s32 $0x1080;
	v4 =	vadd.s32 v1, v4  }
0x166: {  	[tilespmem:s28], [sflag:$0x1] =	stream.indirect_vreg.gather [hbm4b:s6+s23], $0x80, v5, vm0, $0xb8;
	[tilespmem:$0x18480] =	vst v63  }
0x167: {  	s25 =	simm.s32 $0x1880  }
0x168: {  	[tilespmem:s25], [sflag:$0x1] =	stream.indirect_vreg.gather [hbm4b:s8+s23], $0x80, v5, vm0, $0xb8;
	[tilespmem:$0x18480] =	vst v63  }
0x169: {  	s26 =	simm.s32 $0x2080  }
0x16a: {  	[tilespmem:s26], [sflag:$0x1] =	stream.indirect_vreg.gather [hbm4b:s1+s23], $0x80, v4, vm0, $0xb8;
	[tilespmem:$0x18480] =	vst v63  }
0x16b: {  	s28 =	simm.s32 $0x2880  }
0x16c: {  	[tilespmem:s28], [sflag:$0x1] =	stream.indirect_vreg.gather [hbm4b:s5+s23], $0x80, v4, vm0, $0xb8;
	[tilespmem:$0x18480] =	vst v63  }
0x16d: {  	s25 =	simm.s32 $0x3080  }
0x16e: {  	[tilespmem:s25], [sflag:$0x1] =	stream.indirect_vreg.gather [hbm4b:s6+s23], $0x80, v4, vm0, $0xb8;
	[tilespmem:$0x18480] =	vst v63  }
0x16f: {  	s26 =	simm.s32 $0x3880  }
0x170: {  	[tilespmem:s26], [sflag:$0x1] =	stream.indirect_vreg.gather [hbm4b:s8+s23], $0x80, v4, vm0, $0xb8;
	[tilespmem:$0x18480] =	vst v63  }
0x171: {  	v4 =	vld [tilespmem:$0x70];
	_ =	sdelay $0x4  }
0x172: {  	v5 =	vshll.u32 v4, $0x3  }
0x173: {  	v4 =	vand.u32 $0x7, v4;
	v5 =	vand.u32 $0xFFFFFFC0, v5  }
0x174: {  	v4 =	vor.u32 v4, v5  }
0x175: {  	v5 =	vperm.xlane v4, v0;
	_ =	sdelay $0x1  }
0x176: {  	v5 =	vadd.s32 v1, v5;
	_ =	sdelay $0x3  }
0x177: {  	s28 =	simm.s32 $0x4080  }
0x178: {  	[tilespmem:s28], [sflag:$0x1] =	stream.indirect_vreg.gather [hbm4b:s1+s23], $0x80, v5, vm0, $0xb8;
	[tilespmem:$0x18480] =	vst v63  }
0x179: {  	s25 =	simm.s32 $0x4880;
	v4 =	vperm.xlane v4, v2  }
0x17a: {  	[tilespmem:s25], [sflag:$0x1] =	stream.indirect_vreg.gather [hbm4b:s5+s23], $0x80, v5, vm0, $0xb8;
	[tilespmem:$0x18480] =	vst v63  }
0x17b: {  	s26 =	simm.s32 $0x5080;
	v4 =	vadd.s32 v1, v4  }
0x17c: {  	[tilespmem:s26], [sflag:$0x1] =	stream.indirect_vreg.gather [hbm4b:s6+s23], $0x80, v5, vm0, $0xb8;
	[tilespmem:$0x18480] =	vst v63  }
0x17d: {  	s28 =	simm.s32 $0x5880  }
0x17e: {  	[tilespmem:s28], [sflag:$0x1] =	stream.indirect_vreg.gather [hbm4b:s8+s23], $0x80, v5, vm0, $0xb8;
	[tilespmem:$0x18480] =	vst v63  }
0x17f: {  	s25 =	simm.s32 $0x6080  }
0x180: {  	[tilespmem:s25], [sflag:$0x1] =	stream.indirect_vreg.gather [hbm4b:s1+s23], $0x80, v4, vm0, $0xb8;
	[tilespmem:$0x18480] =	vst v63  }
0x181: {  	_ = 	snop  }
0x182: {  	[tilespmem:s29], [sflag:$0x1] =	stream.indirect_vreg.gather [hbm4b:s5+s23], $0x80, v4, vm0, $0xb8;
	[tilespmem:$0x18480] =	vst v63  }
0x183: {  	_ = 	snop  }
0x184: {  	[tilespmem:s30], [sflag:$0x1] =	stream.indirect_vreg.gather [hbm4b:s6+s23], $0x80, v4, vm0, $0xb8;
	[tilespmem:$0x18480] =	vst v63  }
0x185: {  	_ = 	snop  }
0x186: {  	[tilespmem:s31], [sflag:$0x1] =	stream.indirect_vreg.gather [hbm4b:s8+s23], $0x80, v4, vm0, $0xb8;
	[tilespmem:$0x18480] =	vst v63  }
0x187: {  	_ =	swait.ge [sflag:s18], $0x8000  }
0x188: {  	[sflag:s18] =	ssyncset.done $0x0  }
0x189: {  	[sflag:s18] =	ssyncadd.s32 $0xFFFF8000  }
0x18a: {  	[hbm4b:s9+s23] =	stream.linear.scatter [tilespmem:s0], [sflag:$0x5], $0x8000, $0x38;
	[tilespmem:$0x18480] =	vst v63  }
0x18b: {  	s26 =	sand.u32 $0x70, s23;
	s23 =	sand.u32 $0x1C00, s23  }
0x18c: {  	s23 =	sor.u32 s26, s23  }
0x18d: {  	v4 =	vld [tilespmem:s23+$0xE280]  }
0x18e: {  	v5 =	vld [tilespmem:s23+$0xE300]  }
0x18f: {  	v6 =	vld [tilespmem:s23+$0xE080]  }
0x190: {  	v7 =	vld [tilespmem:s23+$0xE100]  }
0x191: {  	v8 =	vld [tilespmem:s23+$0xC280]  }
0x192: {  	v9 =	vld [tilespmem:s23+$0xC300]  }
0x193: {  	v10 =	vld [tilespmem:s23+$0xC080]  }
0x194: {  	v11 =	vld [tilespmem:s23+$0xC100]  }
0x195: {  	v12 =	vld [tilespmem:s23+$0xA280]  }
0x196: {  	v13 =	vld [tilespmem:s23+$0xA300]  }
0x197: {  	v14 =	vld [tilespmem:s23+$0xA080]  }
0x198: {  	v15 =	vld [tilespmem:s23+$0xA100]  }
0x199: {  	v16 =	vld [tilespmem:s23+$0x8280]  }
0x19a: {  	v17 =	vld [tilespmem:s23+$0x8300]  }
0x19b: {  	v18 =	vld [tilespmem:s23+$0x8080]  }
0x19c: {  	v19 =	vld [tilespmem:s23+$0x8100]  }
0x19d: {  	v20 =	vld [tilespmem:s23+$0x8180]  }
0x19e: {  	v57 =	vld [tilespmem:s23+$0x8200]  }
0x19f: {  	v58 =	vld [tilespmem:s23+$0x8380]  }
0x1a0: {  	v59 =	vld [tilespmem:s23+$0x8400]  }
0x1a1: {  	v60 =	vld [tilespmem:s23+$0xA180]  }
0x1a2: {  	v61 =	vld [tilespmem:s23+$0xA200];
	v18 =	vadd.f32 $0.0e+00, v18;
	v19 =	vadd.f32 $0.0e+00, v19  }
0x1a3: {  	v62 =	vld [tilespmem:s23+$0xA380];
	v20 =	vadd.f32 $0.0e+00, v20;
	v21 =	vadd.f32 $0.0e+00, v57  }
0x1a4: {  	v16 =	vadd.f32 v16, v18;
	v17 =	vadd.f32 v17, v19;
	v18 =	vld [tilespmem:s23+$0xA400]  }
0x1a5: {  	v63 =	vld [tilespmem:s23+$0xC180];
	v19 =	vadd.f32 v58, v20;
	v20 =	vadd.f32 v59, v21  }
0x1a6: {  	v14 =	vadd.f32 v14, v16;
	v15 =	vadd.f32 v15, v17;
	v16 =	vld [tilespmem:s23+$0xC200]  }
0x1a7: {  	v17 =	vadd.f32 v60, v19;
	v19 =	vadd.f32 v61, v20;
	v20 =	vld [tilespmem:s23+$0xC380]  }
0x1a8: {  	v12 =	vadd.f32 v12, v14;
	v13 =	vadd.f32 v13, v15;
	v14 =	vld [tilespmem:s23+$0xC400]  }
0x1a9: {  	v15 =	vadd.f32 v62, v17;
	v17 =	vadd.f32 v18, v19;
	v18 =	vld [tilespmem:s23+$0xE180]  }
0x1aa: {  	v10 =	vadd.f32 v10, v12;
	v11 =	vadd.f32 v11, v13;
	v12 =	vld [tilespmem:s23+$0xE200]  }
0x1ab: {  	v13 =	vadd.f32 v63, v15;
	v15 =	vadd.f32 v16, v17;
	v16 =	vld [tilespmem:s23+$0xE380]  }
0x1ac: {  	v8 =	vadd.f32 v8, v10;
	v9 =	vadd.f32 v9, v11;
	v10 =	vld [tilespmem:s23+$0xE400]  }
0x1ad: {  	v11 =	vadd.f32 v20, v13;
	v13 =	vadd.f32 v14, v15  }
0x1ae: {  	v6 =	vadd.f32 v6, v8;
	v7 =	vadd.f32 v7, v9  }
0x1af: {  	v8 =	vadd.f32 v18, v11;
	v9 =	vadd.f32 v12, v13  }
0x1b0: {  	v4 =	vadd.f32 v4, v6;
	v5 =	vadd.f32 v5, v7  }
0x1b1: {  	v6 =	vadd.f32 v16, v8;
	v7 =	vadd.f32 v10, v9;
	_ =	sdelay $0x1  }
0x1b2: {  	v4 =	vadd.f32 v5, v4;
	v5 =	vadd.f32 v7, v6;
	_ =	sdelay $0x1  }
0x1b3: {  	s28 =	simm.s32 $0x10;
	s25 =	simm.s32 $0x80;
	v4 =	vadd.f32 v5, v4  }
0x1b4: {  	s24 =	sand.u32 $0x70, s28;
	s26 =	sand.u32 $0x1C00, s25;
	s23 =	simm.s32 $0x18080  }
0x1b5: {  	s24 =	sor.u32 s24, s26;
	[tilespmem:s23+$0x0] =	vst.add.f32.msk $0xffff, v4  }
0x1b6: {  	v4 =	vld [tilespmem:s24+$0xE280]  }
0x1b7: {  	v5 =	vld [tilespmem:s24+$0xE300]  }
0x1b8: {  	v6 =	vld [tilespmem:s24+$0xE080]  }
0x1b9: {  	v7 =	vld [tilespmem:s24+$0xE100]  }
0x1ba: {  	v8 =	vld [tilespmem:s24+$0xC280]  }
0x1bb: {  	v9 =	vld [tilespmem:s24+$0xC300]  }
0x1bc: {  	v10 =	vld [tilespmem:s24+$0xC080]  }
0x1bd: {  	v11 =	vld [tilespmem:s24+$0xC100]  }
0x1be: {  	v12 =	vld [tilespmem:s24+$0xA280]  }
0x1bf: {  	v13 =	vld [tilespmem:s24+$0xA300]  }
0x1c0: {  	v14 =	vld [tilespmem:s24+$0xA080]  }
0x1c1: {  	v15 =	vld [tilespmem:s24+$0xA100]  }
0x1c2: {  	v16 =	vld [tilespmem:s24+$0x8280]  }
0x1c3: {  	v17 =	vld [tilespmem:s24+$0x8300]  }
0x1c4: {  	v18 =	vld [tilespmem:s24+$0x8080]  }
0x1c5: {  	s26 =	simm.s32 $0x20;
	v19 =	vld [tilespmem:s24+$0x8100]  }
.LBB2_4:
0x1c6: {  	p0 =	sne.s32 s26, $0x3F0;
	v20 =	vld [tilespmem:s24+$0x8180]  }
0x1c7: {  	v21 =	vld [tilespmem:s24+$0x8200]  }
0x1c8: {  	v22 =	vld [tilespmem:s24+$0x8380]  }
0x1c9: {  	v23 =	vld [tilespmem:s24+$0x8400]  }
0x1ca: {  	v24 =	vld [tilespmem:s24+$0xA180]  }
0x1cb: {  	v18 =	vadd.f32 $0.0e+00, v18;
	v19 =	vadd.f32 $0.0e+00, v19;
	v25 =	vld [tilespmem:s24+$0xA200]  }
0x1cc: {  	v20 =	vadd.f32 $0.0e+00, v20;
	v21 =	vadd.f32 $0.0e+00, v21;
	v26 =	vld [tilespmem:s24+$0xA380]  }
0x1cd: {  	v16 =	vadd.f32 v16, v18;
	v17 =	vadd.f32 v17, v19;
	v18 =	vld [tilespmem:s24+$0xA400]  }
0x1ce: {  	v19 =	vadd.f32 v22, v20;
	v20 =	vadd.f32 v23, v21;
	v21 =	vld [tilespmem:s24+$0xC180]  }
0x1cf: {  	v14 =	vadd.f32 v14, v16;
	v15 =	vadd.f32 v15, v17;
	v16 =	vld [tilespmem:s24+$0xC200]  }
0x1d0: {  	v17 =	vadd.f32 v24, v19;
	v19 =	vadd.f32 v25, v20;
	v20 =	vld [tilespmem:s24+$0xC380]  }
0x1d1: {  	v12 =	vadd.f32 v12, v14;
	v13 =	vadd.f32 v13, v15;
	v14 =	vld [tilespmem:s24+$0xC400]  }
0x1d2: {  	v15 =	vadd.f32 v26, v17;
	v17 =	vadd.f32 v18, v19;
	v18 =	vld [tilespmem:s24+$0xE180]  }
0x1d3: {  	v10 =	vadd.f32 v10, v12;
	v11 =	vadd.f32 v11, v13;
	v12 =	vld [tilespmem:s24+$0xE200]  }
0x1d4: {  	v13 =	vadd.f32 v21, v15;
	v15 =	vadd.f32 v16, v17;
	v16 =	vld [tilespmem:s24+$0xE380]  }
0x1d5: {  	v8 =	vadd.f32 v8, v10;
	v9 =	vadd.f32 v9, v11;
	v10 =	vld [tilespmem:s24+$0xE400]  }
0x1d6: {  	v11 =	vadd.f32 v20, v13;
	v13 =	vadd.f32 v14, v15  }
0x1d7: {  	v6 =	vadd.f32 v6, v8;
	v7 =	vadd.f32 v7, v9  }
0x1d8: {  	v8 =	vadd.f32 v18, v11;
	v9 =	vadd.f32 v12, v13  }
0x1d9: {  	v4 =	vadd.f32 v4, v6;
	v5 =	vadd.f32 v5, v7  }
0x1da: {  	v6 =	vadd.f32 v16, v8;
	v7 =	vadd.f32 v10, v9;
	_ =	sdelay $0x1  }
0x1db: {  	v4 =	vadd.f32 v5, v4;
	v5 =	vadd.f32 v7, v6;
	_ =	sdelay $0x1  }
0x1dc: {  	s25 =	sadd.s32 $0x80, s25;
	v4 =	vadd.f32 v5, v4  }
0x1dd: {  	s23 =	sadd.s32 $0x10, s23;
	s28 =	sand.u32 $0x1C00, s25;
	s24 =	sand.u32 $0x70, s26  }
0x1de: {  	s24 =	sor.u32 s24, s28;
	[tilespmem:s23+$0x0] =	vst.add.f32.msk $0xffff, v4  }
0x1df: {  	v4 =	vld [tilespmem:s24+$0xE280]  }
0x1e0: {  	v5 =	vld [tilespmem:s24+$0xE300]  }
0x1e1: {  	v6 =	vld [tilespmem:s24+$0xE080]  }
0x1e2: {  	v7 =	vld [tilespmem:s24+$0xE100]  }
0x1e3: {  	v8 =	vld [tilespmem:s24+$0xC280]  }
0x1e4: {  	v9 =	vld [tilespmem:s24+$0xC300]  }
0x1e5: {  	v10 =	vld [tilespmem:s24+$0xC080]  }
0x1e6: {  	v11 =	vld [tilespmem:s24+$0xC100]  }
0x1e7: {  	v12 =	vld [tilespmem:s24+$0xA280]  }
0x1e8: {  	v13 =	vld [tilespmem:s24+$0xA300]  }
0x1e9: {  	v14 =	vld [tilespmem:s24+$0xA080]  }
.Ltmp1:
0x1ea: {  	v15 =	vld [tilespmem:s24+$0xA100];
	(pc) =	sbr.rel @p0 .LBB2_4-.Ltmp1, $4  }
0x1eb: {  	v16 =	vld [tilespmem:s24+$0x8280]  }
0x1ec: {  	v17 =	vld [tilespmem:s24+$0x8300]  }
0x1ed: {  	v18 =	vld [tilespmem:s24+$0x8080]  }
0x1ee: {  	s26 =	sadd.s32 $0x10, s26;
	v19 =	vld [tilespmem:s24+$0x8100]  }
0x1ef: {  	v20 =	vld [tilespmem:s24+$0x8180]  }
0x1f0: {  	v21 =	vld [tilespmem:s24+$0x8200]  }
0x1f1: {  	v22 =	vld [tilespmem:s24+$0x8380]  }
0x1f2: {  	v23 =	vld [tilespmem:s24+$0x8400]  }
0x1f3: {  	v24 =	vld [tilespmem:s24+$0xA180]  }
0x1f4: {  	v25 =	vld [tilespmem:s24+$0xA200];
	v18 =	vadd.f32 $0.0e+00, v18;
	v19 =	vadd.f32 $0.0e+00, v19  }
0x1f5: {  	v26 =	vld [tilespmem:s24+$0xA380];
	v20 =	vadd.f32 $0.0e+00, v20;
	v21 =	vadd.f32 $0.0e+00, v21  }
0x1f6: {  	v16 =	vadd.f32 v16, v18;
	v18 =	vld [tilespmem:s24+$0xA400];
	v17 =	vadd.f32 v17, v19  }
0x1f7: {  	v56 =	vld [tilespmem:s24+$0xC180];
	v19 =	vadd.f32 v22, v20;
	v20 =	vadd.f32 v23, v21  }
0x1f8: {  	v14 =	vadd.f32 v14, v16;
	v16 =	vld [tilespmem:s24+$0xC200];
	v15 =	vadd.f32 v15, v17  }
0x1f9: {  	v17 =	vadd.f32 v24, v19;
	v19 =	vadd.f32 v25, v20;
	v20 =	vld [tilespmem:s24+$0xC380]  }
0x1fa: {  	v12 =	vadd.f32 v12, v14;
	v14 =	vld [tilespmem:s24+$0xC400];
	v13 =	vadd.f32 v13, v15  }
0x1fb: {  	v15 =	vadd.f32 v26, v17;
	v17 =	vadd.f32 v18, v19;
	v18 =	vld [tilespmem:s24+$0xE180]  }
0x1fc: {  	v10 =	vadd.f32 v10, v12;
	v12 =	vld [tilespmem:s24+$0xE200];
	v11 =	vadd.f32 v11, v13  }
0x1fd: {  	v13 =	vadd.f32 v56, v15;
	v15 =	vadd.f32 v16, v17;
	v16 =	vld [tilespmem:s24+$0xE380]  }
0x1fe: {  	v8 =	vadd.f32 v8, v10;
	v10 =	vld [tilespmem:s24+$0xE400];
	v9 =	vadd.f32 v9, v11  }
0x1ff: {  	v11 =	vadd.f32 v20, v13;
	v13 =	vadd.f32 v14, v15  }
0x200: {  	v6 =	vadd.f32 v6, v8;
	v7 =	vadd.f32 v7, v9  }
0x201: {  	v8 =	vadd.f32 v18, v11;
	v9 =	vadd.f32 v12, v13  }
0x202: {  	v4 =	vadd.f32 v4, v6;
	v5 =	vadd.f32 v5, v7  }
0x203: {  	v6 =	vadd.f32 v16, v8;
	v7 =	vadd.f32 v10, v9;
	_ =	sdelay $0x1  }
0x204: {  	v4 =	vadd.f32 v5, v4;
	v5 =	vadd.f32 v7, v6;
	_ =	sdelay $0x1  }
0x205: {  	v4 =	vadd.f32 v5, v4  }
0x206: {  	s23 =	sadd.s32 $0x10, s23  }
0x207: {  	[tilespmem:s23+$0x0] =	vst.add.f32.msk $0xffff, v4  }
0x208: {  	s25 =	simm.s32 $0x0;
	_ =	swait.ge [sflag:s19], $0x8000  }
0x209: {  	s26 =	sand.u32 $0x70, s25;
	s23 =	sand.u32 $0x1C00, s25;
	[sflag:s19] =	ssyncset.done $0x0  }
0x20a: {  	s23 =	sor.u32 s26, s23;
	[sflag:s19] =	ssyncadd.s32 $0xFFFF8000  }
0x20b: {  	[hbm4b:s10+s25] =	stream.linear.scatter [tilespmem:s2], [sflag:$0x6], $0x8000, $0x38;
	[tilespmem:$0x18480] =	vst v63  }
0x20c: {  	v4 =	vld [tilespmem:s23+$0x16280]  }
0x20d: {  	v5 =	vld [tilespmem:s23+$0x16300]  }
0x20e: {  	v6 =	vld [tilespmem:s23+$0x16080]  }
0x20f: {  	v7 =	vld [tilespmem:s23+$0x16100]  }
0x210: {  	v8 =	vld [tilespmem:s23+$0x14280]  }
0x211: {  	v9 =	vld [tilespmem:s23+$0x14300]  }
0x212: {  	v10 =	vld [tilespmem:s23+$0x14080]  }
0x213: {  	v11 =	vld [tilespmem:s23+$0x14100]  }
0x214: {  	v12 =	vld [tilespmem:s23+$0x12280]  }
0x215: {  	v13 =	vld [tilespmem:s23+$0x12300]  }
0x216: {  	v14 =	vld [tilespmem:s23+$0x12080]  }
0x217: {  	v15 =	vld [tilespmem:s23+$0x12100]  }
0x218: {  	v16 =	vld [tilespmem:s23+$0x10280]  }
0x219: {  	v17 =	vld [tilespmem:s23+$0x10300]  }
0x21a: {  	v18 =	vld [tilespmem:s23+$0x10080]  }
0x21b: {  	v19 =	vld [tilespmem:s23+$0x10100]  }
0x21c: {  	v20 =	vld [tilespmem:s23+$0x10180]  }
0x21d: {  	v57 =	vld [tilespmem:s23+$0x10200]  }
0x21e: {  	v58 =	vld [tilespmem:s23+$0x10380]  }
0x21f: {  	v59 =	vld [tilespmem:s23+$0x10400]  }
0x220: {  	v60 =	vld [tilespmem:s23+$0x12180]  }
0x221: {  	v61 =	vld [tilespmem:s23+$0x12200];
	v18 =	vadd.f32 $0.0e+00, v18;
	v19 =	vadd.f32 $0.0e+00, v19  }
0x222: {  	v62 =	vld [tilespmem:s23+$0x12380];
	v20 =	vadd.f32 $0.0e+00, v20;
	v21 =	vadd.f32 $0.0e+00, v57  }
0x223: {  	v16 =	vadd.f32 v16, v18;
	v17 =	vadd.f32 v17, v19;
	v18 =	vld [tilespmem:s23+$0x12400]  }
0x224: {  	v63 =	vld [tilespmem:s23+$0x14180];
	v19 =	vadd.f32 v58, v20;
	v20 =	vadd.f32 v59, v21  }
0x225: {  	v14 =	vadd.f32 v14, v16;
	v15 =	vadd.f32 v15, v17;
	v16 =	vld [tilespmem:s23+$0x14200]  }
0x226: {  	v17 =	vadd.f32 v60, v19;
	v19 =	vadd.f32 v61, v20;
	v20 =	vld [tilespmem:s23+$0x14380]  }
0x227: {  	v12 =	vadd.f32 v12, v14;
	v13 =	vadd.f32 v13, v15;
	v14 =	vld [tilespmem:s23+$0x14400]  }
0x228: {  	v15 =	vadd.f32 v62, v17;
	v17 =	vadd.f32 v18, v19;
	v18 =	vld [tilespmem:s23+$0x16180]  }
0x229: {  	v10 =	vadd.f32 v10, v12;
	v11 =	vadd.f32 v11, v13;
	v12 =	vld [tilespmem:s23+$0x16200]  }
0x22a: {  	v13 =	vadd.f32 v63, v15;
	v15 =	vadd.f32 v16, v17;
	v16 =	vld [tilespmem:s23+$0x16380]  }
0x22b: {  	v8 =	vadd.f32 v8, v10;
	v9 =	vadd.f32 v9, v11;
	v10 =	vld [tilespmem:s23+$0x16400]  }
0x22c: {  	v11 =	vadd.f32 v20, v13;
	v13 =	vadd.f32 v14, v15  }
0x22d: {  	v6 =	vadd.f32 v6, v8;
	v7 =	vadd.f32 v7, v9  }
0x22e: {  	v8 =	vadd.f32 v18, v11;
	v9 =	vadd.f32 v12, v13  }
0x22f: {  	v4 =	vadd.f32 v4, v6;
	v5 =	vadd.f32 v5, v7  }
0x230: {  	v6 =	vadd.f32 v16, v8;
	v7 =	vadd.f32 v10, v9;
	_ =	sdelay $0x1  }
0x231: {  	v4 =	vadd.f32 v5, v4;
	v5 =	vadd.f32 v7, v6;
	_ =	sdelay $0x1  }
0x232: {  	s28 =	simm.s32 $0x10;
	s25 =	simm.s32 $0x80;
	v4 =	vadd.f32 v5, v4  }
0x233: {  	s24 =	sand.u32 $0x70, s28;
	s26 =	sand.u32 $0x1C00, s25;
	s23 =	simm.s32 $0x18080  }
0x234: {  	s24 =	sor.u32 s24, s26;
	[tilespmem:s23+$0x0] =	vst.add.f32.msk $0xffff, v4  }
0x235: {  	v4 =	vld [tilespmem:s24+$0x16280]  }
0x236: {  	v5 =	vld [tilespmem:s24+$0x16300]  }
0x237: {  	v6 =	vld [tilespmem:s24+$0x16080]  }
0x238: {  	v7 =	vld [tilespmem:s24+$0x16100]  }
0x239: {  	v8 =	vld [tilespmem:s24+$0x14280]  }
0x23a: {  	v9 =	vld [tilespmem:s24+$0x14300]  }
0x23b: {  	v10 =	vld [tilespmem:s24+$0x14080]  }
0x23c: {  	v11 =	vld [tilespmem:s24+$0x14100]  }
0x23d: {  	v12 =	vld [tilespmem:s24+$0x12280]  }
0x23e: {  	v13 =	vld [tilespmem:s24+$0x12300]  }
0x23f: {  	v14 =	vld [tilespmem:s24+$0x12080]  }
0x240: {  	v15 =	vld [tilespmem:s24+$0x12100]  }
0x241: {  	v16 =	vld [tilespmem:s24+$0x10280]  }
0x242: {  	v17 =	vld [tilespmem:s24+$0x10300]  }
0x243: {  	v18 =	vld [tilespmem:s24+$0x10080]  }
0x244: {  	s26 =	simm.s32 $0x20;
	v19 =	vld [tilespmem:s24+$0x10100]  }
.LBB2_6:
0x245: {  	p0 =	sne.s32 s26, $0x3F0;
	v20 =	vld [tilespmem:s24+$0x10180]  }
0x246: {  	v21 =	vld [tilespmem:s24+$0x10200]  }
0x247: {  	v22 =	vld [tilespmem:s24+$0x10380]  }
0x248: {  	v23 =	vld [tilespmem:s24+$0x10400]  }
0x249: {  	v24 =	vld [tilespmem:s24+$0x12180]  }
0x24a: {  	v18 =	vadd.f32 $0.0e+00, v18;
	v19 =	vadd.f32 $0.0e+00, v19;
	v25 =	vld [tilespmem:s24+$0x12200]  }
0x24b: {  	v20 =	vadd.f32 $0.0e+00, v20;
	v21 =	vadd.f32 $0.0e+00, v21;
	v26 =	vld [tilespmem:s24+$0x12380]  }
0x24c: {  	v16 =	vadd.f32 v16, v18;
	v17 =	vadd.f32 v17, v19;
	v18 =	vld [tilespmem:s24+$0x12400]  }
0x24d: {  	v19 =	vadd.f32 v22, v20;
	v20 =	vadd.f32 v23, v21;
	v21 =	vld [tilespmem:s24+$0x14180]  }
0x24e: {  	v14 =	vadd.f32 v14, v16;
	v15 =	vadd.f32 v15, v17;
	v16 =	vld [tilespmem:s24+$0x14200]  }
0x24f: {  	v17 =	vadd.f32 v24, v19;
	v19 =	vadd.f32 v25, v20;
	v20 =	vld [tilespmem:s24+$0x14380]  }
0x250: {  	v12 =	vadd.f32 v12, v14;
	v13 =	vadd.f32 v13, v15;
	v14 =	vld [tilespmem:s24+$0x14400]  }
0x251: {  	v15 =	vadd.f32 v26, v17;
	v17 =	vadd.f32 v18, v19;
	v18 =	vld [tilespmem:s24+$0x16180]  }
0x252: {  	v10 =	vadd.f32 v10, v12;
	v11 =	vadd.f32 v11, v13;
	v12 =	vld [tilespmem:s24+$0x16200]  }
0x253: {  	v13 =	vadd.f32 v21, v15;
	v15 =	vadd.f32 v16, v17;
	v16 =	vld [tilespmem:s24+$0x16380]  }
0x254: {  	v8 =	vadd.f32 v8, v10;
	v9 =	vadd.f32 v9, v11;
	v10 =	vld [tilespmem:s24+$0x16400]  }
0x255: {  	v11 =	vadd.f32 v20, v13;
	v13 =	vadd.f32 v14, v15  }
0x256: {  	v6 =	vadd.f32 v6, v8;
	v7 =	vadd.f32 v7, v9  }
0x257: {  	v8 =	vadd.f32 v18, v11;
	v9 =	vadd.f32 v12, v13  }
0x258: {  	v4 =	vadd.f32 v4, v6;
	v5 =	vadd.f32 v5, v7  }
0x259: {  	v6 =	vadd.f32 v16, v8;
	v7 =	vadd.f32 v10, v9;
	_ =	sdelay $0x1  }
0x25a: {  	v4 =	vadd.f32 v5, v4;
	v5 =	vadd.f32 v7, v6;
	_ =	sdelay $0x1  }
0x25b: {  	s25 =	sadd.s32 $0x80, s25;
	v4 =	vadd.f32 v5, v4  }
0x25c: {  	s23 =	sadd.s32 $0x10, s23;
	s28 =	sand.u32 $0x1C00, s25;
	s24 =	sand.u32 $0x70, s26  }
0x25d: {  	s24 =	sor.u32 s24, s28;
	[tilespmem:s23+$0x0] =	vst.add.f32.msk $0xffff, v4  }
0x25e: {  	v4 =	vld [tilespmem:s24+$0x16280]  }
0x25f: {  	v5 =	vld [tilespmem:s24+$0x16300]  }
0x260: {  	v6 =	vld [tilespmem:s24+$0x16080]  }
0x261: {  	v7 =	vld [tilespmem:s24+$0x16100]  }
0x262: {  	v8 =	vld [tilespmem:s24+$0x14280]  }
0x263: {  	v9 =	vld [tilespmem:s24+$0x14300]  }
0x264: {  	v10 =	vld [tilespmem:s24+$0x14080]  }
0x265: {  	v11 =	vld [tilespmem:s24+$0x14100]  }
0x266: {  	v12 =	vld [tilespmem:s24+$0x12280]  }
0x267: {  	v13 =	vld [tilespmem:s24+$0x12300]  }
0x268: {  	v14 =	vld [tilespmem:s24+$0x12080]  }
.Ltmp2:
0x269: {  	v15 =	vld [tilespmem:s24+$0x12100];
	(pc) =	sbr.rel @p0 .LBB2_6-.Ltmp2, $4  }
0x26a: {  	v16 =	vld [tilespmem:s24+$0x10280]  }
0x26b: {  	v17 =	vld [tilespmem:s24+$0x10300]  }
0x26c: {  	v18 =	vld [tilespmem:s24+$0x10080]  }
0x26d: {  	s26 =	sadd.s32 $0x10, s26;
	v19 =	vld [tilespmem:s24+$0x10100]  }
0x26e: {  	v20 =	vld [tilespmem:s24+$0x10180]  }
0x26f: {  	v21 =	vld [tilespmem:s24+$0x10200]  }
0x270: {  	v22 =	vld [tilespmem:s24+$0x10380]  }
0x271: {  	v23 =	vld [tilespmem:s24+$0x10400]  }
0x272: {  	v24 =	vld [tilespmem:s24+$0x12180]  }
0x273: {  	v25 =	vld [tilespmem:s24+$0x12200];
	v18 =	vadd.f32 $0.0e+00, v18;
	v19 =	vadd.f32 $0.0e+00, v19  }
0x274: {  	v26 =	vld [tilespmem:s24+$0x12380];
	v20 =	vadd.f32 $0.0e+00, v20;
	v21 =	vadd.f32 $0.0e+00, v21  }
0x275: {  	v16 =	vadd.f32 v16, v18;
	v18 =	vld [tilespmem:s24+$0x12400];
	v17 =	vadd.f32 v17, v19  }
0x276: {  	v56 =	vld [tilespmem:s24+$0x14180];
	v19 =	vadd.f32 v22, v20;
	v20 =	vadd.f32 v23, v21  }
0x277: {  	v14 =	vadd.f32 v14, v16;
	v16 =	vld [tilespmem:s24+$0x14200];
	v15 =	vadd.f32 v15, v17  }
0x278: {  	v17 =	vadd.f32 v24, v19;
	v19 =	vadd.f32 v25, v20;
	v20 =	vld [tilespmem:s24+$0x14380]  }
0x279: {  	v12 =	vadd.f32 v12, v14;
	v14 =	vld [tilespmem:s24+$0x14400];
	v13 =	vadd.f32 v13, v15  }
0x27a: {  	v15 =	vadd.f32 v26, v17;
	v17 =	vadd.f32 v18, v19;
	v18 =	vld [tilespmem:s24+$0x16180]  }
0x27b: {  	v10 =	vadd.f32 v10, v12;
	v12 =	vld [tilespmem:s24+$0x16200];
	v11 =	vadd.f32 v11, v13  }
0x27c: {  	v13 =	vadd.f32 v56, v15;
	v15 =	vadd.f32 v16, v17;
	v16 =	vld [tilespmem:s24+$0x16380]  }
0x27d: {  	v8 =	vadd.f32 v8, v10;
	v10 =	vld [tilespmem:s24+$0x16400];
	v9 =	vadd.f32 v9, v11  }
0x27e: {  	v11 =	vadd.f32 v20, v13;
	v13 =	vadd.f32 v14, v15  }
0x27f: {  	v6 =	vadd.f32 v6, v8;
	v7 =	vadd.f32 v7, v9  }
0x280: {  	v8 =	vadd.f32 v18, v11;
	v9 =	vadd.f32 v12, v13  }
0x281: {  	v4 =	vadd.f32 v4, v6;
	v5 =	vadd.f32 v5, v7  }
0x282: {  	v6 =	vadd.f32 v16, v8;
	v7 =	vadd.f32 v10, v9;
	_ =	sdelay $0x1  }
0x283: {  	v4 =	vadd.f32 v5, v4;
	v5 =	vadd.f32 v7, v6;
	_ =	sdelay $0x1  }
0x284: {  	v4 =	vadd.f32 v5, v4  }
0x285: {  	s23 =	sadd.s32 $0x10, s23  }
0x286: {  	[tilespmem:s23+$0x0] =	vst.add.f32.msk $0xffff, v4  }
0x287: {  	s25 =	simm.s32 $0x0;
	_ =	swait.ge [sflag:s16], $0x8000  }
0x288: {  	s26 =	sand.u32 $0x70, s25;
	s23 =	sand.u32 $0x1C00, s25;
	[sflag:s16] =	ssyncset.done $0x0  }
0x289: {  	s23 =	sor.u32 s26, s23;
	[sflag:s16] =	ssyncadd.s32 $0xFFFF8000  }
0x28a: {  	[hbm4b:s11+s25] =	stream.linear.scatter [tilespmem:s15], [sflag:$0x4], $0x8000, $0x38;
	[tilespmem:$0x18480] =	vst v63  }
0x28b: {  	v4 =	vld [tilespmem:s23+$0x6280]  }
0x28c: {  	v5 =	vld [tilespmem:s23+$0x6300]  }
0x28d: {  	v6 =	vld [tilespmem:s23+$0x6080]  }
0x28e: {  	v7 =	vld [tilespmem:s23+$0x6100]  }
0x28f: {  	v8 =	vld [tilespmem:s23+$0x4280]  }
0x290: {  	v9 =	vld [tilespmem:s23+$0x4300]  }
0x291: {  	v10 =	vld [tilespmem:s23+$0x4080]  }
0x292: {  	v11 =	vld [tilespmem:s23+$0x4100]  }
0x293: {  	v12 =	vld [tilespmem:s23+$0x2280]  }
0x294: {  	v13 =	vld [tilespmem:s23+$0x2300]  }
0x295: {  	v14 =	vld [tilespmem:s23+$0x2080]  }
0x296: {  	v15 =	vld [tilespmem:s23+$0x2100]  }
0x297: {  	v16 =	vld [tilespmem:s23+$0x280]  }
0x298: {  	v17 =	vld [tilespmem:s23+$0x300]  }
0x299: {  	v18 =	vld [tilespmem:s23+$0x80]  }
0x29a: {  	v19 =	vld [tilespmem:s23+$0x100]  }
0x29b: {  	v20 =	vld [tilespmem:s23+$0x180]  }
0x29c: {  	v57 =	vld [tilespmem:s23+$0x200]  }
0x29d: {  	v58 =	vld [tilespmem:s23+$0x380]  }
0x29e: {  	v59 =	vld [tilespmem:s23+$0x400]  }
0x29f: {  	v60 =	vld [tilespmem:s23+$0x2180]  }
0x2a0: {  	v61 =	vld [tilespmem:s23+$0x2200];
	v18 =	vadd.f32 $0.0e+00, v18;
	v19 =	vadd.f32 $0.0e+00, v19  }
0x2a1: {  	v62 =	vld [tilespmem:s23+$0x2380];
	v20 =	vadd.f32 $0.0e+00, v20;
	v21 =	vadd.f32 $0.0e+00, v57  }
0x2a2: {  	v16 =	vadd.f32 v16, v18;
	v17 =	vadd.f32 v17, v19;
	v18 =	vld [tilespmem:s23+$0x2400]  }
0x2a3: {  	v63 =	vld [tilespmem:s23+$0x4180];
	v19 =	vadd.f32 v58, v20;
	v20 =	vadd.f32 v59, v21  }
0x2a4: {  	v14 =	vadd.f32 v14, v16;
	v15 =	vadd.f32 v15, v17;
	v16 =	vld [tilespmem:s23+$0x4200]  }
0x2a5: {  	v17 =	vadd.f32 v60, v19;
	v19 =	vadd.f32 v61, v20;
	v20 =	vld [tilespmem:s23+$0x4380]  }
0x2a6: {  	v12 =	vadd.f32 v12, v14;
	v13 =	vadd.f32 v13, v15;
	v14 =	vld [tilespmem:s23+$0x4400]  }
0x2a7: {  	v15 =	vadd.f32 v62, v17;
	v17 =	vadd.f32 v18, v19;
	v18 =	vld [tilespmem:s23+$0x6180]  }
0x2a8: {  	v10 =	vadd.f32 v10, v12;
	v11 =	vadd.f32 v11, v13;
	v12 =	vld [tilespmem:s23+$0x6200]  }
0x2a9: {  	v13 =	vadd.f32 v63, v15;
	v15 =	vadd.f32 v16, v17;
	v16 =	vld [tilespmem:s23+$0x6380]  }
0x2aa: {  	v8 =	vadd.f32 v8, v10;
	v9 =	vadd.f32 v9, v11;
	v10 =	vld [tilespmem:s23+$0x6400]  }
0x2ab: {  	v11 =	vadd.f32 v20, v13;
	v13 =	vadd.f32 v14, v15  }
0x2ac: {  	v6 =	vadd.f32 v6, v8;
	v7 =	vadd.f32 v7, v9  }
0x2ad: {  	v8 =	vadd.f32 v18, v11;
	v9 =	vadd.f32 v12, v13  }
0x2ae: {  	v4 =	vadd.f32 v4, v6;
	v5 =	vadd.f32 v5, v7  }
0x2af: {  	v6 =	vadd.f32 v16, v8;
	v7 =	vadd.f32 v10, v9;
	_ =	sdelay $0x1  }
0x2b0: {  	v4 =	vadd.f32 v5, v4;
	v5 =	vadd.f32 v7, v6;
	_ =	sdelay $0x1  }
0x2b1: {  	s28 =	simm.s32 $0x10;
	s25 =	simm.s32 $0x80;
	v4 =	vadd.f32 v5, v4  }
0x2b2: {  	s24 =	sand.u32 $0x70, s28;
	s26 =	sand.u32 $0x1C00, s25;
	s23 =	simm.s32 $0x18080  }
0x2b3: {  	s24 =	sor.u32 s24, s26;
	[tilespmem:s23+$0x0] =	vst.add.f32.msk $0xffff, v4  }
0x2b4: {  	v4 =	vld [tilespmem:s24+$0x6280]  }
0x2b5: {  	v5 =	vld [tilespmem:s24+$0x6300]  }
0x2b6: {  	v6 =	vld [tilespmem:s24+$0x6080]  }
0x2b7: {  	v7 =	vld [tilespmem:s24+$0x6100]  }
0x2b8: {  	v8 =	vld [tilespmem:s24+$0x4280]  }
0x2b9: {  	v9 =	vld [tilespmem:s24+$0x4300]  }
0x2ba: {  	v10 =	vld [tilespmem:s24+$0x4080]  }
0x2bb: {  	v11 =	vld [tilespmem:s24+$0x4100]  }
0x2bc: {  	v12 =	vld [tilespmem:s24+$0x2280]  }
0x2bd: {  	v13 =	vld [tilespmem:s24+$0x2300]  }
0x2be: {  	v14 =	vld [tilespmem:s24+$0x2080]  }
0x2bf: {  	v15 =	vld [tilespmem:s24+$0x2100]  }
0x2c0: {  	v16 =	vld [tilespmem:s24+$0x280]  }
0x2c1: {  	v17 =	vld [tilespmem:s24+$0x300]  }
0x2c2: {  	v18 =	vld [tilespmem:s24+$0x80]  }
0x2c3: {  	s26 =	simm.s32 $0x20;
	v19 =	vld [tilespmem:s24+$0x100]  }
.LBB2_8:
0x2c4: {  	p0 =	sne.s32 s26, $0x3F0;
	v20 =	vld [tilespmem:s24+$0x180]  }
0x2c5: {  	v21 =	vld [tilespmem:s24+$0x200]  }
0x2c6: {  	v22 =	vld [tilespmem:s24+$0x380]  }
0x2c7: {  	v23 =	vld [tilespmem:s24+$0x400]  }
0x2c8: {  	v24 =	vld [tilespmem:s24+$0x2180]  }
0x2c9: {  	v18 =	vadd.f32 $0.0e+00, v18;
	v19 =	vadd.f32 $0.0e+00, v19;
	v25 =	vld [tilespmem:s24+$0x2200]  }
0x2ca: {  	v20 =	vadd.f32 $0.0e+00, v20;
	v21 =	vadd.f32 $0.0e+00, v21;
	v26 =	vld [tilespmem:s24+$0x2380]  }
0x2cb: {  	v16 =	vadd.f32 v16, v18;
	v17 =	vadd.f32 v17, v19;
	v18 =	vld [tilespmem:s24+$0x2400]  }
0x2cc: {  	v19 =	vadd.f32 v22, v20;
	v20 =	vadd.f32 v23, v21;
	v21 =	vld [tilespmem:s24+$0x4180]  }
0x2cd: {  	v14 =	vadd.f32 v14, v16;
	v15 =	vadd.f32 v15, v17;
	v16 =	vld [tilespmem:s24+$0x4200]  }
0x2ce: {  	v17 =	vadd.f32 v24, v19;
	v19 =	vadd.f32 v25, v20;
	v20 =	vld [tilespmem:s24+$0x4380]  }
0x2cf: {  	v12 =	vadd.f32 v12, v14;
	v13 =	vadd.f32 v13, v15;
	v14 =	vld [tilespmem:s24+$0x4400]  }
0x2d0: {  	v15 =	vadd.f32 v26, v17;
	v17 =	vadd.f32 v18, v19;
	v18 =	vld [tilespmem:s24+$0x6180]  }
0x2d1: {  	v10 =	vadd.f32 v10, v12;
	v11 =	vadd.f32 v11, v13;
	v12 =	vld [tilespmem:s24+$0x6200]  }
0x2d2: {  	v13 =	vadd.f32 v21, v15;
	v15 =	vadd.f32 v16, v17;
	v16 =	vld [tilespmem:s24+$0x6380]  }
0x2d3: {  	v8 =	vadd.f32 v8, v10;
	v9 =	vadd.f32 v9, v11;
	v10 =	vld [tilespmem:s24+$0x6400]  }
0x2d4: {  	v11 =	vadd.f32 v20, v13;
	v13 =	vadd.f32 v14, v15  }
0x2d5: {  	v6 =	vadd.f32 v6, v8;
	v7 =	vadd.f32 v7, v9  }
0x2d6: {  	v8 =	vadd.f32 v18, v11;
	v9 =	vadd.f32 v12, v13  }
0x2d7: {  	v4 =	vadd.f32 v4, v6;
	v5 =	vadd.f32 v5, v7  }
0x2d8: {  	v6 =	vadd.f32 v16, v8;
	v7 =	vadd.f32 v10, v9;
	_ =	sdelay $0x1  }
0x2d9: {  	v4 =	vadd.f32 v5, v4;
	v5 =	vadd.f32 v7, v6;
	_ =	sdelay $0x1  }
0x2da: {  	s25 =	sadd.s32 $0x80, s25;
	v4 =	vadd.f32 v5, v4  }
0x2db: {  	s23 =	sadd.s32 $0x10, s23;
	s28 =	sand.u32 $0x1C00, s25;
	s24 =	sand.u32 $0x70, s26  }
0x2dc: {  	s24 =	sor.u32 s24, s28;
	[tilespmem:s23+$0x0] =	vst.add.f32.msk $0xffff, v4  }
0x2dd: {  	v4 =	vld [tilespmem:s24+$0x6280]  }
0x2de: {  	v5 =	vld [tilespmem:s24+$0x6300]  }
0x2df: {  	v6 =	vld [tilespmem:s24+$0x6080]  }
0x2e0: {  	v7 =	vld [tilespmem:s24+$0x6100]  }
0x2e1: {  	v8 =	vld [tilespmem:s24+$0x4280]  }
0x2e2: {  	v9 =	vld [tilespmem:s24+$0x4300]  }
0x2e3: {  	v10 =	vld [tilespmem:s24+$0x4080]  }
0x2e4: {  	v11 =	vld [tilespmem:s24+$0x4100]  }
0x2e5: {  	v12 =	vld [tilespmem:s24+$0x2280]  }
0x2e6: {  	v13 =	vld [tilespmem:s24+$0x2300]  }
0x2e7: {  	v14 =	vld [tilespmem:s24+$0x2080]  }
.Ltmp3:
0x2e8: {  	v15 =	vld [tilespmem:s24+$0x2100];
	(pc) =	sbr.rel @p0 .LBB2_8-.Ltmp3, $4  }
0x2e9: {  	v16 =	vld [tilespmem:s24+$0x280]  }
0x2ea: {  	v17 =	vld [tilespmem:s24+$0x300]  }
0x2eb: {  	v18 =	vld [tilespmem:s24+$0x80]  }
0x2ec: {  	s26 =	sadd.s32 $0x10, s26;
	v19 =	vld [tilespmem:s24+$0x100]  }
0x2ed: {  	v20 =	vld [tilespmem:s24+$0x180]  }
0x2ee: {  	v21 =	vld [tilespmem:s24+$0x200]  }
0x2ef: {  	v22 =	vld [tilespmem:s24+$0x380]  }
0x2f0: {  	v23 =	vld [tilespmem:s24+$0x400]  }
0x2f1: {  	v24 =	vld [tilespmem:s24+$0x2180]  }
0x2f2: {  	v25 =	vld [tilespmem:s24+$0x2200];
	v18 =	vadd.f32 $0.0e+00, v18;
	v19 =	vadd.f32 $0.0e+00, v19  }
0x2f3: {  	v26 =	vld [tilespmem:s24+$0x2380];
	v20 =	vadd.f32 $0.0e+00, v20;
	v21 =	vadd.f32 $0.0e+00, v21  }
0x2f4: {  	v41 =	vld [tilespmem:s24+$0x2400];
	v16 =	vadd.f32 v16, v18;
	v17 =	vadd.f32 v17, v19  }
0x2f5: {  	v44 =	vld [tilespmem:s24+$0x4180];
	v42 =	vadd.f32 v22, v20;
	v43 =	vadd.f32 v23, v21  }
0x2f6: {  	v45 =	vld [tilespmem:s24+$0x4200];
	v14 =	vadd.f32 v14, v16;
	v15 =	vadd.f32 v15, v17  }
0x2f7: {  	v48 =	vld [tilespmem:s24+$0x4380];
	v46 =	vadd.f32 v24, v42;
	v47 =	vadd.f32 v25, v43  }
0x2f8: {  	v49 =	vld [tilespmem:s24+$0x4400];
	v12 =	vadd.f32 v12, v14;
	v13 =	vadd.f32 v13, v15  }
0x2f9: {  	v52 =	vld [tilespmem:s24+$0x6180];
	v50 =	vadd.f32 v26, v46;
	v51 =	vadd.f32 v41, v47  }
0x2fa: {  	v53 =	vld [tilespmem:s24+$0x6200];
	v10 =	vadd.f32 v10, v12;
	v11 =	vadd.f32 v11, v13  }
0x2fb: {  	v56 =	vld [tilespmem:s24+$0x6380];
	v54 =	vadd.f32 v44, v50;
	v55 =	vadd.f32 v45, v51  }
0x2fc: {  	v57 =	vld [tilespmem:s24+$0x6400];
	v8 =	vadd.f32 v8, v10;
	v9 =	vadd.f32 v9, v11  }
0x2fd: {  	v58 =	vadd.f32 v48, v54;
	v59 =	vadd.f32 v49, v55  }
0x2fe: {  	v6 =	vadd.f32 v6, v8;
	v7 =	vadd.f32 v7, v9  }
0x2ff: {  	v60 =	vadd.f32 v52, v58;
	v61 =	vadd.f32 v53, v59  }
0x300: {  	v4 =	vadd.f32 v4, v6;
	v5 =	vadd.f32 v5, v7  }
0x301: {  	v62 =	vadd.f32 v56, v60;
	v63 =	vadd.f32 v57, v61;
	_ =	sdelay $0x1  }
0x302: {  	v4 =	vadd.f32 v5, v4;
	v5 =	vadd.f32 v63, v62;
	_ =	sdelay $0x1  }
0x303: {  	v4 =	vadd.f32 v5, v4  }
0x304: {  	s23 =	sadd.s32 $0x10, s23  }
0x305: {  	[tilespmem:s23+$0x0] =	vst.add.f32.msk $0xffff, v4  }
0x306: {  	_ =	swait.ge [sflag:s20], $0x8000  }
0x307: {  	[sflag:s20] =	ssyncset.done $0x0  }
0x308: {  	[sflag:s20] =	ssyncadd.s32 $0xFFFF8000  }
0x309: {  	_ =	swait.ge [sflag:s21], $0x8000  }
0x30a: {  	[sflag:s21] =	ssyncset.done $0x0  }
0x30b: {  	[sflag:s21] =	ssyncadd.s32 $0xFFFF8000  }
0x30c: {  	s4 =	sadd.s32 $0x1, s4;
	_ =	swait.ge [sflag:s17], $0x8000  }
0x30d: {  	p0 =	sne.s32 s4, s13;
	[sflag:s17] =	ssyncset.done $0x0  }
.Ltmp4:
0x30e: {  	s28 =	simm.s32 $0x400;
	[sflag:s17] =	ssyncadd.s32 $0xFFFF8000;
	(pc) =	sbr.rel @p0 .LBB2_1-.Ltmp4, $4  }
0x30f: {  	[hbm4b:s12+s15] =	stream.strided.scatter [tilespmem:s22], [sflag:$0x7], $0x400, s28, s15, $0x38;
	[tilespmem:$0x18480] =	vst v63  }
0x310: {  	_ =	swait.ge [sflag:s14], $0x400  }
0x311: {  	[sflag:s14] =	ssyncset.done $0x0  }
0x312: {  	[sflag:s14] =	ssyncadd.s32 $0xFFFFFC00  }
0x313: {  	_ =	sfence.sel $0x180000  }
0x314: {  	[bflag:$0x0] =	sbarrier.arrive $0xFFFF  }
0x315: {  	_ =	strace $0x90000047  }
0x316: {  	s0 =	stileid.u32;
	[bflag:$0x2] =	sbarrier.arrive $0xFFFF  }
0x317: {  	p0 =	sne.s32 s0, $0x0;
	s0 =	rddreg [dreg:$0x4]  }
0x318: {  	s0 =	sadd.s32 @!p0 $0x100000, s0  }
0x319: {  	[sflag:s0] =	ssyncadd.tile.s32 @!p0 $0x1;
	_ =	shalt  }
.Lfunc_end2:
_tile_overlayer_lowered:
.L_overlay_start_2:
0x31a: {  	(tag) =	ssettag $0x2  }
0x31b: {  	s0 =	rddreg [dreg:$0x0];
	s2 =	stileid.u32  }
0x31c: {  	s1 =	rddreg [dreg:$0x1];
	p0 =	sne.s32 s2, $0x0  }
0x31d: {  	s3 =	rddreg [dreg:$0x2];
	[bflag:$0x3] =	sbarrier.arrive $0xFFFF;
	s2 =	simm.s32 @!p0 $0x1C07  }
0x31e: {  	[timem:s3], [sflag:s2] =	dma.local @!p0 [hbm:s0], s1  }
0x31f: {  	s0 =	simm.s32 @!p0 $0x7  }
0x320: {  	_ =	swait.ge @!p0 [sflag:s0], s1  }
0x321: {  	s1 =	ssub.s32 @!p0 $0x0, s1;
	[sflag:s0] =	ssyncset.done @!p0 $0x0  }
0x322: {  	[sflag:s0] =	ssyncadd.s32 @!p0 s1  }
0x323: {  	[bflag:$0x3] =	sbarrier.arrive $0xFFFF  }
0x324: {  	_ =	shalt  }

</sc_bundles>
